<compile_context>
chip_gen: v7x
topology: tpu7x:2x2x1
jax: 0.10.2.dev20260603
libtpu: 0.0.44.dev20260713+nightly
codegen_flags: <defaults>
</compile_context>

<pallas_src>
import functools

import jax
import jax.numpy as jnp
from jax import lax
from jax.experimental import pallas as pl
from jax.experimental.pallas import tpu as pltpu
from jax.experimental.pallas import tpu_sc as plsc

VOCAB = 100000
EMBED = 64
BATCH = 4096
CTX = 20

_NC = 2
_NS = 16
_NW = _NC * _NS

_ROWS_PER_W = BATCH // _NW
_CHUNK_ROWS = 4
_CHUNK_IDX = _CHUNK_ROWS * CTX
_NCHUNKS = _ROWS_PER_W // _CHUNK_ROWS
_LANES = 16
_GROUPS = EMBED // _LANES


def _pool_body(idx_hbm, table_hbm, out_hbm, idx_v, rows_v, out_v, sem):
    wid = lax.axis_index("s") * _NC + lax.axis_index("c")
    idx_base = wid * (_ROWS_PER_W * CTX)
    row_base = wid * _ROWS_PER_W

    def chunk(c, carry):
        off = pl.multiple_of(idx_base + c * _CHUNK_IDX, 8)
        pltpu.sync_copy(idx_hbm.at[pl.ds(off, _CHUNK_IDX)], idx_v)
        pltpu.async_copy(table_hbm.at[idx_v], rows_v, sem).wait()
        for r in range(_CHUNK_ROWS):
            for g in range(_GROUPS):
                acc = rows_v[r * CTX, pl.ds(g * _LANES, _LANES)]
                for j in range(1, CTX):
                    acc = acc + rows_v[r * CTX + j, pl.ds(g * _LANES, _LANES)]
                out_v[r, pl.ds(g * _LANES, _LANES)] = acc * (1.0 / CTX)
        orow = pl.multiple_of(row_base + c * _CHUNK_ROWS, 4)
        pltpu.sync_copy(out_v, out_hbm.at[pl.ds(orow, _CHUNK_ROWS)])
        return carry

    lax.fori_loop(0, _NCHUNKS, chunk, 0)


_pool = functools.partial(
    pl.kernel,
    out_type=jax.ShapeDtypeStruct((BATCH, EMBED), jnp.float32),
    mesh=plsc.VectorSubcoreMesh(core_axis_name="c", subcore_axis_name="s"),
    scratch_types=[
        pltpu.VMEM((_CHUNK_IDX,), jnp.int32),
        pltpu.VMEM((_CHUNK_IDX, EMBED), jnp.float32),
        pltpu.VMEM((_CHUNK_ROWS, EMBED), jnp.float32),
        pltpu.SemaphoreType.DMA,
    ],
    compiler_params=pltpu.CompilerParams(use_tc_tiling_on_sc=False),
)(_pool_body)


_BN = 512
_NV = (VOCAB + _BN - 1) // _BN
_REM = VOCAB - (_NV - 1) * _BN


def _mm_body(x_ref, w_ref, b_ref, wr_ref, br_ref, o_ref, buf, rbuf,
             sem0, sem1, sem2):
    i = pl.program_id(0)

    @pl.when(i < _NV - 1)
    def _main():
        res = lax.dot_general(
            x_ref[...], w_ref[...],
            (((1,), (1,)), ((), ())),
            preferred_element_type=jnp.float32,
        ) + b_ref[...]

        def do(j, sem):
            @pl.when(i >= 2)
            def _wait_prev():
                pltpu.make_async_copy(
                    buf.at[j], o_ref.at[:, pl.ds((i - 2) * _BN, _BN)], sem
                ).wait()

            buf[j, ...] = res
            pltpu.make_async_copy(
                buf.at[j], o_ref.at[:, pl.ds(i * _BN, _BN)], sem
            ).start()

        @pl.when(lax.rem(i, 2) == 0)
        def _even():
            do(0, sem0)

        @pl.when(lax.rem(i, 2) == 1)
        def _odd():
            do(1, sem1)

    @pl.when(i == _NV - 1)
    def _rem():
        rbuf[...] = lax.dot_general(
            x_ref[...], wr_ref[...],
            (((1,), (1,)), ((), ())),
            preferred_element_type=jnp.float32,
        ) + br_ref[...]
        pltpu.make_async_copy(
            rbuf, o_ref.at[:, pl.ds((_NV - 1) * _BN, _REM)], sem2
        ).start()
        pltpu.make_async_copy(
            buf.at[1], o_ref.at[:, pl.ds((_NV - 3) * _BN, _BN)], sem1
        ).wait()
        pltpu.make_async_copy(
            buf.at[0], o_ref.at[:, pl.ds((_NV - 2) * _BN, _BN)], sem0
        ).wait()
        pltpu.make_async_copy(
            rbuf, o_ref.at[:, pl.ds((_NV - 1) * _BN, _REM)], sem2
        ).wait()


def _project(pooled, W, b2):
    W_rem = W[(_NV - 1) * _BN:, :]
    b_rem = b2[:, (_NV - 1) * _BN:]
    return pl.pallas_call(
        _mm_body,
        grid=(_NV,),
        in_specs=[
            pl.BlockSpec((BATCH, EMBED), lambda i: (0, 0)),
            pl.BlockSpec((_BN, EMBED), lambda i: (i, 0)),
            pl.BlockSpec((1, _BN), lambda i: (0, i)),
            pl.BlockSpec((_REM, EMBED), lambda i: (0, 0)),
            pl.BlockSpec((1, _REM), lambda i: (0, 0)),
        ],
        out_specs=pl.BlockSpec(memory_space=pltpu.MemorySpace.HBM),
        out_shape=jax.ShapeDtypeStruct((BATCH, VOCAB), jnp.float32),
        scratch_shapes=[
            pltpu.VMEM((2, BATCH, _BN), jnp.float32),
            pltpu.VMEM((BATCH, _REM), jnp.float32),
            pltpu.SemaphoreType.DMA,
            pltpu.SemaphoreType.DMA,
            pltpu.SemaphoreType.DMA,
        ],
    )(pooled, W, b2, W_rem, b_rem)


def kernel(inputs, emb_table, W, b):
    idx = inputs.reshape(-1).astype(jnp.int32)
    pooled = _pool(idx, emb_table)
    return _project(pooled, W, b.reshape(1, VOCAB))

# --- scband reference (transcript-rebuilt; emitter-appended) ---
"""Pipeline reference for scband-cbow-model-74182675137208 (READ-ONLY COPY).

The authoritative reference and input builder live on the scoring server;
editing this copy changes nothing except your own understanding.
"""

import jax, jax.numpy as jnp
import numpy as np

VOCAB = 100000
EMBED = 64
BATCH = 4096
CTX = 20

def setup_inputs(seed: int = 0) -> dict:
    key = jax.random.key(seed)
    k1, k2, k3, k4 = jax.random.split(key, 4)
    inputs = jax.random.randint(k1, (BATCH, CTX), 0, VOCAB, dtype=jnp.int64) if jax.config.jax_enable_x64 else jax.random.randint(k1, (BATCH, CTX), 0, VOCAB, dtype=jnp.int32)
    emb_table = jax.random.normal(k2, (VOCAB, EMBED), dtype=jnp.float32) * 0.02
    W = jax.random.normal(k3, (VOCAB, EMBED), dtype=jnp.float32) * 0.02  # nn.Linear weight [out, in]
    b = jnp.zeros((VOCAB,), dtype=jnp.float32)
    return {"inputs": inputs, "emb_table": emb_table, "W": W, "b": b}

def reference(inputs, emb_table, W, b):
    # embeds = self.embeddings(inputs).mean(dim=1)
    embeds = jnp.take(emb_table, inputs, axis=0)  # [B, CTX, EMBED]
    pooled = jnp.mean(embeds, axis=1)             # [B, EMBED]
    # out = self.linear(pooled)
    out = pooled @ W.T + b                        # [B, VOCAB]
    return out

if __name__ == "__main__":
    import jax
    _d = setup_inputs()
    print(jax.jit(kernel)(*tuple(_d.values())))

</pallas_src>

<mosaic_0001>
#map = affine_map<(d0, d1) -> (0)>
#map1 = affine_map<(d0, d1) -> (0, 0)>
module attributes {stable_mosaic.version = 14 : i64} {
  func.func @_pool_body(%arg0: i32, %arg1: i32, %arg2: memref<81920xi32, #tpu.memory_space<hbm>>, %arg3: memref<100000x64xf32, #tpu.memory_space<hbm>>, %arg4: memref<4096x64xf32, #tpu.memory_space<hbm>>, %arg5: memref<80xi32, #tpu.memory_space<vmem>>, %arg6: memref<80x64xf32, #tpu.memory_space<vmem>>, %arg7: memref<4x64xf32, #tpu.memory_space<vmem>>, %arg8: memref<!tpu.dma_semaphore, #tpu.memory_space<semaphore_mem>>) attributes {dimension_semantics = [#tpu.dimension_semantics<core_parallel>, #tpu.dimension_semantics<subcore_parallel>], iteration_bounds = array<i64: 2, 16>, scalar_prefetch = 0 : i64, scratch_operands = 4 : i64, tpu.core_type = #tpu.core_type<sc_vector_subcore>, window_params = [{transform_indices = #map}, {transform_indices = #map1}, {transform_indices = #map1}]} {
    %mul3A = arith.constant 2 : i32
    %mul3A_0 = arith.muli %arg1, %mul3A : i32
    %add3A = arith.addi %mul3A_0, %arg0 : i32
    %mul3A_1 = arith.constant 2560 : i32
    %mul3A_2 = arith.muli %add3A, %mul3A_1 : i32
    %mul3A_3 = arith.constant 128 : i32
    %mul3A_4 = arith.muli %add3A, %mul3A_3 : i32
    %scan3A = arith.constant 0 : i32
    %scan3A_5 = arith.constant 0 : i32
    %scan3A_6 = arith.constant 32 : i32
    %scan3A_7 = arith.addi %scan3A_5, %scan3A_6 : i32
    %scan3A_8 = arith.constant 1 : i32
    scf.for %scan3A_10 = %scan3A_5 to %scan3A_7 step %scan3A_8  : i32 {
      %mul3A_11 = arith.constant 80 : i32
      %mul3A_12 = arith.muli %scan3A_10, %mul3A_11 : i32
      %add3A_13 = arith.addi %mul3A_2, %mul3A_12 : i32
      %multiple_of3A = tpu.assume_multiple %add3A_13, 8 : i32
      "tpu.region"() ({
        %run_scoped3A = tpu.sem_alloc : memref<!tpu.dma_semaphore, #tpu.memory_space<semaphore_mem>>
        %dma_start3A_2068 = tpu.memref_slice %arg2[%multiple_of3A] : memref<81920xi32, #tpu.memory_space<hbm>> -> memref<80xi32, #tpu.memory_space<hbm>>
        %dma_start3A_2069 = tpu.memref_slice %arg2[%multiple_of3A] : memref<81920xi32, #tpu.memory_space<hbm>> -> memref<80xi32, #tpu.memory_space<hbm>>
        tpu.enqueue_dma source(%dma_start3A_2069 : memref<80xi32, #tpu.memory_space<hbm>>) target(%arg5 : memref<80xi32, #tpu.memory_space<vmem>>) target_semaphore(%run_scoped3A : memref<!tpu.dma_semaphore, #tpu.memory_space<semaphore_mem>>)
        %dma_wait3A_2070 = tpu.memref_slice %arg2[%multiple_of3A] : memref<81920xi32, #tpu.memory_space<hbm>> -> memref<80xi32, #tpu.memory_space<hbm>>
        %dma_wait3A_2071 = tpu.memref_slice %arg2[%multiple_of3A] : memref<81920xi32, #tpu.memory_space<hbm>> -> memref<80xi32, #tpu.memory_space<hbm>>
        tpu.wait_dma2 semaphore(%run_scoped3A : memref<!tpu.dma_semaphore, #tpu.memory_space<semaphore_mem>>) src(%dma_wait3A_2071 : memref<80xi32, #tpu.memory_space<hbm>>) dst(%arg5 : memref<80xi32, #tpu.memory_space<vmem>>)
        tpu.yield
      }) : () -> ()
      %dma_start3A = arith.constant 0 : i32
      %dma_start3A_14 = arith.constant 0 : i32
      %dma_start3A_15 = tpu.memref_slice %arg3[%dma_start3A, %dma_start3A_14] : memref<100000x64xf32, #tpu.memory_space<hbm>> -> memref<100000x64xf32, #tpu.memory_space<hbm>>
      tpu.enqueue_indirect_dma source(%dma_start3A_15 : memref<100000x64xf32, #tpu.memory_space<hbm>>) target(%arg6 : memref<80x64xf32, #tpu.memory_space<vmem>>) offsets(%arg5 : memref<80xi32, #tpu.memory_space<vmem>>) semaphore(%arg8 : memref<!tpu.dma_semaphore, #tpu.memory_space<semaphore_mem>>)
      %dma_wait3A = arith.constant 0 : i32
      %dma_wait3A_16 = arith.constant 0 : i32
      %dma_wait3A_17 = tpu.memref_slice %arg3[%dma_wait3A, %dma_wait3A_16] : memref<100000x64xf32, #tpu.memory_space<hbm>> -> memref<100000x64xf32, #tpu.memory_space<hbm>>
      tpu.wait_indirect_dma semaphore(%arg8 : memref<!tpu.dma_semaphore, #tpu.memory_space<semaphore_mem>>) src(%dma_wait3A_17 : memref<100000x64xf32, #tpu.memory_space<hbm>>) dst(%arg6 : memref<80x64xf32, #tpu.memory_space<vmem>>)
      %get3A = arith.constant 0 : i32
      %get3A_18 = arith.index_cast %get3A : i32 to index
      %get3A_19 = arith.constant 0 : index
      %get3A_20 = tpu.vector_load %arg6[%get3A_18, %get3A_19] {strides = array<i32>} : memref<80x64xf32, #tpu.memory_space<vmem>>, vector<1x16xf32>,
      %get3A_21 = vector.shape_cast %get3A_20 : vector<1x16xf32> to vector<16xf32>
      %get3A_22 = arith.constant 1 : i32
      %get3A_23 = arith.index_cast %get3A_22 : i32 to index
      %get3A_24 = arith.constant 0 : index
      %get3A_25 = tpu.vector_load %arg6[%get3A_23, %get3A_24] {strides = array<i32>} : memref<80x64xf32, #tpu.memory_space<vmem>>, vector<1x16xf32>,
      %get3A_26 = vector.shape_cast %get3A_25 : vector<1x16xf32> to vector<16xf32>
      %add3A_27 = arith.addf %get3A_21, %get3A_26 : vector<16xf32>
      %get3A_28 = arith.constant 2 : i32
      %get3A_29 = arith.index_cast %get3A_28 : i32 to index
      %get3A_30 = arith.constant 0 : index
      %get3A_31 = tpu.vector_load %arg6[%get3A_29, %get3A_30] {strides = array<i32>} : memref<80x64xf32, #tpu.memory_space<vmem>>, vector<1x16xf32>,
      %get3A_32 = vector.shape_cast %get3A_31 : vector<1x16xf32> to vector<16xf32>
      %add3A_33 = arith.addf %add3A_27, %get3A_32 : vector<16xf32>
      %get3A_34 = arith.constant 3 : i32
      %get3A_35 = arith.index_cast %get3A_34 : i32 to index
      %get3A_36 = arith.constant 0 : index
      %get3A_37 = tpu.vector_load %arg6[%get3A_35, %get3A_36] {strides = array<i32>} : memref<80x64xf32, #tpu.memory_space<vmem>>, vector<1x16xf32>,
      %get3A_38 = vector.shape_cast %get3A_37 : vector<1x16xf32> to vector<16xf32>
      %add3A_39 = arith.addf %add3A_33, %get3A_38 : vector<16xf32>
      %get3A_40 = arith.constant 4 : i32
      %get3A_41 = arith.index_cast %get3A_40 : i32 to index
      %get3A_42 = arith.constant 0 : index
      %get3A_43 = tpu.vector_load %arg6[%get3A_41, %get3A_42] {strides = array<i32>} : memref<80x64xf32, #tpu.memory_space<vmem>>, vector<1x16xf32>,
      %get3A_44 = vector.shape_cast %get3A_43 : vector<1x16xf32> to vector<16xf32>
      %add3A_45 = arith.addf %add3A_39, %get3A_44 : vector<16xf32>
      %get3A_46 = arith.constant 5 : i32
      %get3A_47 = arith.index_cast %get3A_46 : i32 to index
      %get3A_48 = arith.constant 0 : index
      %get3A_49 = tpu.vector_load %arg6[%get3A_47, %get3A_48] {strides = array<i32>} : memref<80x64xf32, #tpu.memory_space<vmem>>, vector<1x16xf32>,
      %get3A_50 = vector.shape_cast %get3A_49 : vector<1x16xf32> to vector<16xf32>
      %add3A_51 = arith.addf %add3A_45, %get3A_50 : vector<16xf32>
      %get3A_52 = arith.constant 6 : i32
      %get3A_53 = arith.index_cast %get3A_52 : i32 to index
      %get3A_54 = arith.constant 0 : index
      %get3A_55 = tpu.vector_load %arg6[%get3A_53, %get3A_54] {strides = array<i32>} : memref<80x64xf32, #tpu.memory_space<vmem>>, vector<1x16xf32>,
      %get3A_56 = vector.shape_cast %get3A_55 : vector<1x16xf32> to vector<16xf32>
      %add3A_57 = arith.addf %add3A_51, %get3A_56 : vector<16xf32>
      %get3A_58 = arith.constant 7 : i32
      %get3A_59 = arith.index_cast %get3A_58 : i32 to index
      %get3A_60 = arith.constant 0 : index
      %get3A_61 = tpu.vector_load %arg6[%get3A_59, %get3A_60] {strides = array<i32>} : memref<80x64xf32, #tpu.memory_space<vmem>>, vector<1x16xf32>,
      %get3A_62 = vector.shape_cast %get3A_61 : vector<1x16xf32> to vector<16xf32>
      %add3A_63 = arith.addf %add3A_57, %get3A_62 : vector<16xf32>
      %get3A_64 = arith.constant 8 : i32
      %get3A_65 = arith.index_cast %get3A_64 : i32 to index
      %get3A_66 = arith.constant 0 : index
      %get3A_67 = tpu.vector_load %arg6[%get3A_65, %get3A_66] {strides = array<i32>} : memref<80x64xf32, #tpu.memory_space<vmem>>, vector<1x16xf32>,
      %get3A_68 = vector.shape_cast %get3A_67 : vector<1x16xf32> to vector<16xf32>
      %add3A_69 = arith.addf %add3A_63, %get3A_68 : vector<16xf32>
      %get3A_70 = arith.constant 9 : i32
      %get3A_71 = arith.index_cast %get3A_70 : i32 to index
      %get3A_72 = arith.constant 0 : index
      %get3A_73 = tpu.vector_load %arg6[%get3A_71, %get3A_72] {strides = array<i32>} : memref<80x64xf32, #tpu.memory_space<vmem>>, vector<1x16xf32>,
      %get3A_74 = vector.shape_cast %get3A_73 : vector<1x16xf32> to vector<16xf32>
      %add3A_75 = arith.addf %add3A_69, %get3A_74 : vector<16xf32>
      %get3A_76 = arith.constant 10 : i32
      %get3A_77 = arith.index_cast %get3A_76 : i32 to index
      %get3A_78 = arith.constant 0 : index
      %get3A_79 = tpu.vector_load %arg6[%get3A_77, %get3A_78] {strides = array<i32>} : memref<80x64xf32, #tpu.memory_space<vmem>>, vector<1x16xf32>,
      %get3A_80 = vector.shape_cast %get3A_79 : vector<1x16xf32> to vector<16xf32>
      %add3A_81 = arith.addf %add3A_75, %get3A_80 : vector<16xf32>
      %get3A_82 = arith.constant 11 : i32
      %get3A_83 = arith.index_cast %get3A_82 : i32 to index
      %get3A_84 = arith.constant 0 : index
      %get3A_85 = tpu.vector_load %arg6[%get3A_83, %get3A_84] {strides = array<i32>} : memref<80x64xf32, #tpu.memory_space<vmem>>, vector<1x16xf32>,
      %get3A_86 = vector.shape_cast %get3A_85 : vector<1x16xf32> to vector<16xf32>
      %add3A_87 = arith.addf %add3A_81, %get3A_86 : vector<16xf32>
      %get3A_88 = arith.constant 12 : i32
      %get3A_89 = arith.index_cast %get3A_88 : i32 to index
      %get3A_90 = arith.constant 0 : index
      %get3A_91 = tpu.vector_load %arg6[%get3A_89, %get3A_90] {strides = array<i32>} : memref<80x64xf32, #tpu.memory_space<vmem>>, vector<1x16xf32>,
      %get3A_92 = vector.shape_cast %get3A_91 : vector<1x16xf32> to vector<16xf32>
      %add3A_93 = arith.addf %add3A_87, %get3A_92 : vector<16xf32>
      %get3A_94 = arith.constant 13 : i32
      %get3A_95 = arith.index_cast %get3A_94 : i32 to index
      %get3A_96 = arith.constant 0 : index
      %get3A_97 = tpu.vector_load %arg6[%get3A_95, %get3A_96] {strides = array<i32>} : memref<80x64xf32, #tpu.memory_space<vmem>>, vector<1x16xf32>,
      %get3A_98 = vector.shape_cast %get3A_97 : vector<1x16xf32> to vector<16xf32>
      %add3A_99 = arith.addf %add3A_93, %get3A_98 : vector<16xf32>
      %get3A_100 = arith.constant 14 : i32
      %get3A_101 = arith.index_cast %get3A_100 : i32 to index
      %get3A_102 = arith.constant 0 : index
      %get3A_103 = tpu.vector_load %arg6[%get3A_101, %get3A_102] {strides = array<i32>} : memref<80x64xf32, #tpu.memory_space<vmem>>, vector<1x16xf32>,
      %get3A_104 = vector.shape_cast %get3A_103 : vector<1x16xf32> to vector<16xf32>
      %add3A_105 = arith.addf %add3A_99, %get3A_104 : vector<16xf32>
      %get3A_106 = arith.constant 15 : i32
      %get3A_107 = arith.index_cast %get3A_106 : i32 to index
      %get3A_108 = arith.constant 0 : index
      %get3A_109 = tpu.vector_load %arg6[%get3A_107, %get3A_108] {strides = array<i32>} : memref<80x64xf32, #tpu.memory_space<vmem>>, vector<1x16xf32>,
      %get3A_110 = vector.shape_cast %get3A_109 : vector<1x16xf32> to vector<16xf32>
      %add3A_111 = arith.addf %add3A_105, %get3A_110 : vector<16xf32>
      %get3A_112 = arith.constant 16 : i32
      %get3A_113 = arith.index_cast %get3A_112 : i32 to index
      %get3A_114 = arith.constant 0 : index
      %get3A_115 = tpu.vector_load %arg6[%get3A_113, %get3A_114] {strides = array<i32>} : memref<80x64xf32, #tpu.memory_space<vmem>>, vector<1x16xf32>,
      %get3A_116 = vector.shape_cast %get3A_115 : vector<1x16xf32> to vector<16xf32>
      %add3A_117 = arith.addf %add3A_111, %get3A_116 : vector<16xf32>
      %get3A_118 = arith.constant 17 : i32
      %get3A_119 = arith.index_cast %get3A_118 : i32 to index
      %get3A_120 = arith.constant 0 : index
      %get3A_121 = tpu.vector_load %arg6[%get3A_119, %get3A_120] {strides = array<i32>} : memref<80x64xf32, #tpu.memory_space<vmem>>, vector<1x16xf32>,
      %get3A_122 = vector.shape_cast %get3A_121 : vector<1x16xf32> to vector<16xf32>
      %add3A_123 = arith.addf %add3A_117, %get3A_122 : vector<16xf32>
      %get3A_124 = arith.constant 18 : i32
      %get3A_125 = arith.index_cast %get3A_124 : i32 to index
      %get3A_126 = arith.constant 0 : index
      %get3A_127 = tpu.vector_load %arg6[%get3A_125, %get3A_126] {strides = array<i32>} : memref<80x64xf32, #tpu.memory_space<vmem>>, vector<1x16xf32>,
      %get3A_128 = vector.shape_cast %get3A_127 : vector<1x16xf32> to vector<16xf32>
      %add3A_129 = arith.addf %add3A_123, %get3A_128 : vector<16xf32>
      %get3A_130 = arith.constant 19 : i32
      %get3A_131 = arith.index_cast %get3A_130 : i32 to index
      %get3A_132 = arith.constant 0 : index
      %get3A_133 = tpu.vector_load %arg6[%get3A_131, %get3A_132] {strides = array<i32>} : memref<80x64xf32, #tpu.memory_space<vmem>>, vector<1x16xf32>,
      %get3A_134 = vector.shape_cast %get3A_133 : vector<1x16xf32> to vector<16xf32>
      %add3A_135 = arith.addf %add3A_129, %get3A_134 : vector<16xf32>
      %mul3A_136 = arith.constant 5.000000e-02 : f32
      %mul3A_137 = vector.broadcast %mul3A_136 : f32 to vector<16xf32>
      %mul3A_138 = arith.mulf %add3A_135, %mul3A_137 : vector<16xf32>
      %swap3A = arith.constant 0 : i32
      %swap3A_139 = arith.index_cast %swap3A : i32 to index
      %swap3A_140 = arith.constant 0 : index
      %swap3A_141 = tpu.vector_load %arg7[%swap3A_139, %swap3A_140] {strides = array<i32>} : memref<4x64xf32, #tpu.memory_space<vmem>>, vector<1x16xf32>,
      %swap3A_142 = vector.shape_cast %swap3A_141 : vector<1x16xf32> to vector<16xf32>
      %swap3A_143 = vector.shape_cast %mul3A_138 : vector<16xf32> to vector<1x16xf32>
      tpu.vector_store %arg7[%swap3A_139, %swap3A_140], %swap3A_143 {strides = array<i32>} : memref<4x64xf32, #tpu.memory_space<vmem>>, vector<1x16xf32>,
      %get3A_144 = arith.constant 0 : i32
      %get3A_145 = arith.index_cast %get3A_144 : i32 to index
      %get3A_146 = arith.constant 16 : index
      %get3A_147 = tpu.vector_load %arg6[%get3A_145, %get3A_146] {strides = array<i32>} : memref<80x64xf32, #tpu.memory_space<vmem>>, vector<1x16xf32>,
      %get3A_148 = vector.shape_cast %get3A_147 : vector<1x16xf32> to vector<16xf32>
      %get3A_149 = arith.constant 1 : i32
      %get3A_150 = arith.index_cast %get3A_149 : i32 to index
      %get3A_151 = arith.constant 16 : index
      %get3A_152 = tpu.vector_load %arg6[%get3A_150, %get3A_151] {strides = array<i32>} : memref<80x64xf32, #tpu.memory_space<vmem>>, vector<1x16xf32>,
      %get3A_153 = vector.shape_cast %get3A_152 : vector<1x16xf32> to vector<16xf32>
      %add3A_154 = arith.addf %get3A_148, %get3A_153 : vector<16xf32>
      %get3A_155 = arith.constant 2 : i32
      %get3A_156 = arith.index_cast %get3A_155 : i32 to index
      %get3A_157 = arith.constant 16 : index
      %get3A_158 = tpu.vector_load %arg6[%get3A_156, %get3A_157] {strides = array<i32>} : memref<80x64xf32, #tpu.memory_space<vmem>>, vector<1x16xf32>,
      %get3A_159 = vector.shape_cast %get3A_158 : vector<1x16xf32> to vector<16xf32>
      %add3A_160 = arith.addf %add3A_154, %get3A_159 : vector<16xf32>
      %get3A_161 = arith.constant 3 : i32
      %get3A_162 = arith.index_cast %get3A_161 : i32 to index
      %get3A_163 = arith.constant 16 : index
      %get3A_164 = tpu.vector_load %arg6[%get3A_162, %get3A_163] {strides = array<i32>} : memref<80x64xf32, #tpu.memory_space<vmem>>, vector<1x16xf32>,
      %get3A_165 = vector.shape_cast %get3A_164 : vector<1x16xf32> to vector<16xf32>
      %add3A_166 = arith.addf %add3A_160, %get3A_165 : vector<16xf32>
      %get3A_167 = arith.constant 4 : i32
      %get3A_168 = arith.index_cast %get3A_167 : i32 to index
      %get3A_169 = arith.constant 16 : index
      %get3A_170 = tpu.vector_load %arg6[%get3A_168, %get3A_169] {strides = array<i32>} : memref<80x64xf32, #tpu.memory_space<vmem>>, vector<1x16xf32>,
      %get3A_171 = vector.shape_cast %get3A_170 : vector<1x16xf32> to vector<16xf32>
      %add3A_172 = arith.addf %add3A_166, %get3A_171 : vector<16xf32>
      %get3A_173 = arith.constant 5 : i32
      %get3A_174 = arith.index_cast %get3A_173 : i32 to index
      %get3A_175 = arith.constant 16 : index
      %get3A_176 = tpu.vector_load %arg6[%get3A_174, %get3A_175] {strides = array<i32>} : memref<80x64xf32, #tpu.memory_space<vmem>>, vector<1x16xf32>,
      %get3A_177 = vector.shape_cast %get3A_176 : vector<1x16xf32> to vector<16xf32>
      %add3A_178 = arith.addf %add3A_172, %get3A_177 : vector<16xf32>
      %get3A_179 = arith.constant 6 : i32
      %get3A_180 = arith.index_cast %get3A_179 : i32 to index
      %get3A_181 = arith.constant 16 : index
      %get3A_182 = tpu.vector_load %arg6[%get3A_180, %get3A_181] {strides = array<i32>} : memref<80x64xf32, #tpu.memory_space<vmem>>, vector<1x16xf32>,
      %get3A_183 = vector.shape_cast %get3A_182 : vector<1x16xf32> to vector<16xf32>
      %add3A_184 = arith.addf %add3A_178, %get3A_183 : vector<16xf32>
      %get3A_185 = arith.constant 7 : i32
      %get3A_186 = arith.index_cast %get3A_185 : i32 to index
      %get3A_187 = arith.constant 16 : index
      %get3A_188 = tpu.vector_load %arg6[%get3A_186, %get3A_187] {strides = array<i32>} : memref<80x64xf32, #tpu.memory_space<vmem>>, vector<1x16xf32>,
      %get3A_189 = vector.shape_cast %get3A_188 : vector<1x16xf32> to vector<16xf32>
      %add3A_190 = arith.addf %add3A_184, %get3A_189 : vector<16xf32>
      %get3A_191 = arith.constant 8 : i32
      %get3A_192 = arith.index_cast %get3A_191 : i32 to index
      %get3A_193 = arith.constant 16 : index
      %get3A_194 = tpu.vector_load %arg6[%get3A_192, %get3A_193] {strides = array<i32>} : memref<80x64xf32, #tpu.memory_space<vmem>>, vector<1x16xf32>,
      %get3A_195 = vector.shape_cast %get3A_194 : vector<1x16xf32> to vector<16xf32>
      %add3A_196 = arith.addf %add3A_190, %get3A_195 : vector<16xf32>
      %get3A_197 = arith.constant 9 : i32
      %get3A_198 = arith.index_cast %get3A_197 : i32 to index
      %get3A_199 = arith.constant 16 : index
      %get3A_200 = tpu.vector_load %arg6[%get3A_198, %get3A_199] {strides = array<i32>} : memref<80x64xf32, #tpu.memory_space<vmem>>, vector<1x16xf32>,
      %get3A_201 = vector.shape_cast %get3A_200 : vector<1x16xf32> to vector<16xf32>
      %add3A_202 = arith.addf %add3A_196, %get3A_201 : vector<16xf32>
      %get3A_203 = arith.constant 10 : i32
      %get3A_204 = arith.index_cast %get3A_203 : i32 to index
      %get3A_205 = arith.constant 16 : index
      %get3A_206 = tpu.vector_load %arg6[%get3A_204, %get3A_205] {strides = array<i32>} : memref<80x64xf32, #tpu.memory_space<vmem>>, vector<1x16xf32>,
      %get3A_207 = vector.shape_cast %get3A_206 : vector<1x16xf32> to vector<16xf32>
      %add3A_208 = arith.addf %add3A_202, %get3A_207 : vector<16xf32>
      %get3A_209 = arith.constant 11 : i32
      %get3A_210 = arith.index_cast %get3A_209 : i32 to index
      %get3A_211 = arith.constant 16 : index
      %get3A_212 = tpu.vector_load %arg6[%get3A_210, %get3A_211] {strides = array<i32>} : memref<80x64xf32, #tpu.memory_space<vmem>>, vector<1x16xf32>,
      %get3A_213 = vector.shape_cast %get3A_212 : vector<1x16xf32> to vector<16xf32>
      %add3A_214 = arith.addf %add3A_208, %get3A_213 : vector<16xf32>
      %get3A_215 = arith.constant 12 : i32
      %get3A_216 = arith.index_cast %get3A_215 : i32 to index
      %get3A_217 = arith.constant 16 : index
      %get3A_218 = tpu.vector_load %arg6[%get3A_216, %get3A_217] {strides = array<i32>} : memref<80x64xf32, #tpu.memory_space<vmem>>, vector<1x16xf32>,
      %get3A_219 = vector.shape_cast %get3A_218 : vector<1x16xf32> to vector<16xf32>
      %add3A_220 = arith.addf %add3A_214, %get3A_219 : vector<16xf32>
      %get3A_221 = arith.constant 13 : i32
      %get3A_222 = arith.index_cast %get3A_221 : i32 to index
      %get3A_223 = arith.constant 16 : index
      %get3A_224 = tpu.vector_load %arg6[%get3A_222, %get3A_223] {strides = array<i32>} : memref<80x64xf32, #tpu.memory_space<vmem>>, vector<1x16xf32>,
      %get3A_225 = vector.shape_cast %get3A_224 : vector<1x16xf32> to vector<16xf32>
      %add3A_226 = arith.addf %add3A_220, %get3A_225 : vector<16xf32>
      %get3A_227 = arith.constant 14 : i32
      %get3A_228 = arith.index_cast %get3A_227 : i32 to index
      %get3A_229 = arith.constant 16 : index
      %get3A_230 = tpu.vector_load %arg6[%get3A_228, %get3A_229] {strides = array<i32>} : memref<80x64xf32, #tpu.memory_space<vmem>>, vector<1x16xf32>,
      %get3A_231 = vector.shape_cast %get3A_230 : vector<1x16xf32> to vector<16xf32>
      %add3A_232 = arith.addf %add3A_226, %get3A_231 : vector<16xf32>
      %get3A_233 = arith.constant 15 : i32
      %get3A_234 = arith.index_cast %get3A_233 : i32 to index
      %get3A_235 = arith.constant 16 : index
      %get3A_236 = tpu.vector_load %arg6[%get3A_234, %get3A_235] {strides = array<i32>} : memref<80x64xf32, #tpu.memory_space<vmem>>, vector<1x16xf32>,
      %get3A_237 = vector.shape_cast %get3A_236 : vector<1x16xf32> to vector<16xf32>
      %add3A_238 = arith.addf %add3A_232, %get3A_237 : vector<16xf32>
      %get3A_239 = arith.constant 16 : i32
      %get3A_240 = arith.index_cast %get3A_239 : i32 to index
      %get3A_241 = arith.constant 16 : index
      %get3A_242 = tpu.vector_load %arg6[%get3A_240, %get3A_241] {strides = array<i32>} : memref<80x64xf32, #tpu.memory_space<vmem>>, vector<1x16xf32>,
      %get3A_243 = vector.shape_cast %get3A_242 : vector<1x16xf32> to vector<16xf32>
      %add3A_244 = arith.addf %add3A_238, %get3A_243 : vector<16xf32>
      %get3A_245 = arith.constant 17 : i32
      %get3A_246 = arith.index_cast %get3A_245 : i32 to index
      %get3A_247 = arith.constant 16 : index
      %get3A_248 = tpu.vector_load %arg6[%get3A_246, %get3A_247] {strides = array<i32>} : memref<80x64xf32, #tpu.memory_space<vmem>>, vector<1x16xf32>,
      %get3A_249 = vector.shape_cast %get3A_248 : vector<1x16xf32> to vector<16xf32>
      %add3A_250 = arith.addf %add3A_244, %get3A_249 : vector<16xf32>
      %get3A_251 = arith.constant 18 : i32
      %get3A_252 = arith.index_cast %get3A_251 : i32 to index
      %get3A_253 = arith.constant 16 : index
      %get3A_254 = tpu.vector_load %arg6[%get3A_252, %get3A_253] {strides = array<i32>} : memref<80x64xf32, #tpu.memory_space<vmem>>, vector<1x16xf32>,
      %get3A_255 = vector.shape_cast %get3A_254 : vector<1x16xf32> to vector<16xf32>
      %add3A_256 = arith.addf %add3A_250, %get3A_255 : vector<16xf32>
      %get3A_257 = arith.constant 19 : i32
      %get3A_258 = arith.index_cast %get3A_257 : i32 to index
      %get3A_259 = arith.constant 16 : index
      %get3A_260 = tpu.vector_load %arg6[%get3A_258, %get3A_259] {strides = array<i32>} : memref<80x64xf32, #tpu.memory_space<vmem>>, vector<1x16xf32>,
      %get3A_261 = vector.shape_cast %get3A_260 : vector<1x16xf32> to vector<16xf32>
      %add3A_262 = arith.addf %add3A_256, %get3A_261 : vector<16xf32>
      %mul3A_263 = arith.constant 5.000000e-02 : f32
      %mul3A_264 = vector.broadcast %mul3A_263 : f32 to vector<16xf32>
      %mul3A_265 = arith.mulf %add3A_262, %mul3A_264 : vector<16xf32>
      %swap3A_266 = arith.constant 0 : i32
      %swap3A_267 = arith.index_cast %swap3A_266 : i32 to index
      %swap3A_268 = arith.constant 16 : index
      %swap3A_269 = tpu.vector_load %arg7[%swap3A_267, %swap3A_268] {strides = array<i32>} : memref<4x64xf32, #tpu.memory_space<vmem>>, vector<1x16xf32>,
      %swap3A_270 = vector.shape_cast %swap3A_269 : vector<1x16xf32> to vector<16xf32>
      %swap3A_271 = vector.shape_cast %mul3A_265 : vector<16xf32> to vector<1x16xf32>
      tpu.vector_store %arg7[%swap3A_267, %swap3A_268], %swap3A_271 {strides = array<i32>} : memref<4x64xf32, #tpu.memory_space<vmem>>, vector<1x16xf32>,
      %get3A_272 = arith.constant 0 : i32
      %get3A_273 = arith.index_cast %get3A_272 : i32 to index
      %get3A_274 = arith.constant 32 : index
      %get3A_275 = tpu.vector_load %arg6[%get3A_273, %get3A_274] {strides = array<i32>} : memref<80x64xf32, #tpu.memory_space<vmem>>, vector<1x16xf32>,
      %get3A_276 = vector.shape_cast %get3A_275 : vector<1x16xf32> to vector<16xf32>
      %get3A_277 = arith.constant 1 : i32
      %get3A_278 = arith.index_cast %get3A_277 : i32 to index
      %get3A_279 = arith.constant 32 : index
      %get3A_280 = tpu.vector_load %arg6[%get3A_278, %get3A_279] {strides = array<i32>} : memref<80x64xf32, #tpu.memory_space<vmem>>, vector<1x16xf32>,
      %get3A_281 = vector.shape_cast %get3A_280 : vector<1x16xf32> to vector<16xf32>
      %add3A_282 = arith.addf %get3A_276, %get3A_281 : vector<16xf32>
      %get3A_283 = arith.constant 2 : i32
      %get3A_284 = arith.index_cast %get3A_283 : i32 to index
      %get3A_285 = arith.constant 32 : index
      %get3A_286 = tpu.vector_load %arg6[%get3A_284, %get3A_285] {strides = array<i32>} : memref<80x64xf32, #tpu.memory_space<vmem>>, vector<1x16xf32>,
      %get3A_287 = vector.shape_cast %get3A_286 : vector<1x16xf32> to vector<16xf32>
      %add3A_288 = arith.addf %add3A_282, %get3A_287 : vector<16xf32>
      %get3A_289 = arith.constant 3 : i32
      %get3A_290 = arith.index_cast %get3A_289 : i32 to index
      %get3A_291 = arith.constant 32 : index
      %get3A_292 = tpu.vector_load %arg6[%get3A_290, %get3A_291] {strides = array<i32>} : memref<80x64xf32, #tpu.memory_space<vmem>>, vector<1x16xf32>,
      %get3A_293 = vector.shape_cast %get3A_292 : vector<1x16xf32> to vector<16xf32>
      %add3A_294 = arith.addf %add3A_288, %get3A_293 : vector<16xf32>
      %get3A_295 = arith.constant 4 : i32
      %get3A_296 = arith.index_cast %get3A_295 : i32 to index
      %get3A_297 = arith.constant 32 : index
      %get3A_298 = tpu.vector_load %arg6[%get3A_296, %get3A_297] {strides = array<i32>} : memref<80x64xf32, #tpu.memory_space<vmem>>, vector<1x16xf32>,
      %get3A_299 = vector.shape_cast %get3A_298 : vector<1x16xf32> to vector<16xf32>
      %add3A_300 = arith.addf %add3A_294, %get3A_299 : vector<16xf32>
      %get3A_301 = arith.constant 5 : i32
      %get3A_302 = arith.index_cast %get3A_301 : i32 to index
      %get3A_303 = arith.constant 32 : index
      %get3A_304 = tpu.vector_load %arg6[%get3A_302, %get3A_303] {strides = array<i32>} : memref<80x64xf32, #tpu.memory_space<vmem>>, vector<1x16xf32>,
      %get3A_305 = vector.shape_cast %get3A_304 : vector<1x16xf32> to vector<16xf32>
      %add3A_306 = arith.addf %add3A_300, %get3A_305 : vector<16xf32>
      %get3A_307 = arith.constant 6 : i32
      %get3A_308 = arith.index_cast %get3A_307 : i32 to index
      %get3A_309 = arith.constant 32 : index
      %get3A_310 = tpu.vector_load %arg6[%get3A_308, %get3A_309] {strides = array<i32>} : memref<80x64xf32, #tpu.memory_space<vmem>>, vector<1x16xf32>,
      %get3A_311 = vector.shape_cast %get3A_310 : vector<1x16xf32> to vector<16xf32>
      %add3A_312 = arith.addf %add3A_306, %get3A_311 : vector<16xf32>
      %get3A_313 = arith.constant 7 : i32
      %get3A_314 = arith.index_cast %get3A_313 : i32 to index
      %get3A_315 = arith.constant 32 : index
      %get3A_316 = tpu.vector_load %arg6[%get3A_314, %get3A_315] {strides = array<i32>} : memref<80x64xf32, #tpu.memory_space<vmem>>, vector<1x16xf32>,
      %get3A_317 = vector.shape_cast %get3A_316 : vector<1x16xf32> to vector<16xf32>
      %add3A_318 = arith.addf %add3A_312, %get3A_317 : vector<16xf32>
      %get3A_319 = arith.constant 8 : i32
      %get3A_320 = arith.index_cast %get3A_319 : i32 to index
      %get3A_321 = arith.constant 32 : index
      %get3A_322 = tpu.vector_load %arg6[%get3A_320, %get3A_321] {strides = array<i32>} : memref<80x64xf32, #tpu.memory_space<vmem>>, vector<1x16xf32>,
      %get3A_323 = vector.shape_cast %get3A_322 : vector<1x16xf32> to vector<16xf32>
      %add3A_324 = arith.addf %add3A_318, %get3A_323 : vector<16xf32>
      %get3A_325 = arith.constant 9 : i32
      %get3A_326 = arith.index_cast %get3A_325 : i32 to index
      %get3A_327 = arith.constant 32 : index
      %get3A_328 = tpu.vector_load %arg6[%get3A_326, %get3A_327] {strides = array<i32>} : memref<80x64xf32, #tpu.memory_space<vmem>>, vector<1x16xf32>,
      %get3A_329 = vector.shape_cast %get3A_328 : vector<1x16xf32> to vector<16xf32>
      %add3A_330 = arith.addf %add3A_324, %get3A_329 : vector<16xf32>
      %get3A_331 = arith.constant 10 : i32
      %get3A_332 = arith.index_cast %get3A_331 : i32 to index
      %get3A_333 = arith.constant 32 : index
      %get3A_334 = tpu.vector_load %arg6[%get3A_332, %get3A_333] {strides = array<i32>} : memref<80x64xf32, #tpu.memory_space<vmem>>, vector<1x16xf32>,
      %get3A_335 = vector.shape_cast %get3A_334 : vector<1x16xf32> to vector<16xf32>
      %add3A_336 = arith.addf %add3A_330, %get3A_335 : vector<16xf32>
      %get3A_337 = arith.constant 11 : i32
      %get3A_338 = arith.index_cast %get3A_337 : i32 to index
      %get3A_339 = arith.constant 32 : index
      %get3A_340 = tpu.vector_load %arg6[%get3A_338, %get3A_339] {strides = array<i32>} : memref<80x64xf32, #tpu.memory_space<vmem>>, vector<1x16xf32>,
      %get3A_341 = vector.shape_cast %get3A_340 : vector<1x16xf32> to vector<16xf32>
      %add3A_342 = arith.addf %add3A_336, %get3A_341 : vector<16xf32>
      %get3A_343 = arith.constant 12 : i32
      %get3A_344 = arith.index_cast %get3A_343 : i32 to index
      %get3A_345 = arith.constant 32 : index
      %get3A_346 = tpu.vector_load %arg6[%get3A_344, %get3A_345] {strides = array<i32>} : memref<80x64xf32, #tpu.memory_space<vmem>>, vector<1x16xf32>,
      %get3A_347 = vector.shape_cast %get3A_346 : vector<1x16xf32> to vector<16xf32>
      %add3A_348 = arith.addf %add3A_342, %get3A_347 : vector<16xf32>
      %get3A_349 = arith.constant 13 : i32
      %get3A_350 = arith.index_cast %get3A_349 : i32 to index
      %get3A_351 = arith.constant 32 : index
      %get3A_352 = tpu.vector_load %arg6[%get3A_350, %get3A_351] {strides = array<i32>} : memref<80x64xf32, #tpu.memory_space<vmem>>, vector<1x16xf32>,
      %get3A_353 = vector.shape_cast %get3A_352 : vector<1x16xf32> to vector<16xf32>
      %add3A_354 = arith.addf %add3A_348, %get3A_353 : vector<16xf32>
      %get3A_355 = arith.constant 14 : i32
      %get3A_356 = arith.index_cast %get3A_355 : i32 to index
      %get3A_357 = arith.constant 32 : index
      %get3A_358 = tpu.vector_load %arg6[%get3A_356, %get3A_357] {strides = array<i32>} : memref<80x64xf32, #tpu.memory_space<vmem>>, vector<1x16xf32>,
      %get3A_359 = vector.shape_cast %get3A_358 : vector<1x16xf32> to vector<16xf32>
      %add3A_360 = arith.addf %add3A_354, %get3A_359 : vector<16xf32>
      %get3A_361 = arith.constant 15 : i32
      %get3A_362 = arith.index_cast %get3A_361 : i32 to index
      %get3A_363 = arith.constant 32 : index
      %get3A_364 = tpu.vector_load %arg6[%get3A_362, %get3A_363] {strides = array<i32>} : memref<80x64xf32, #tpu.memory_space<vmem>>, vector<1x16xf32>,
      %get3A_365 = vector.shape_cast %get3A_364 : vector<1x16xf32> to vector<16xf32>
      %add3A_366 = arith.addf %add3A_360, %get3A_365 : vector<16xf32>
      %get3A_367 = arith.constant 16 : i32
      %get3A_368 = arith.index_cast %get3A_367 : i32 to index
      %get3A_369 = arith.constant 32 : index
      %get3A_370 = tpu.vector_load %arg6[%get3A_368, %get3A_369] {strides = array<i32>} : memref<80x64xf32, #tpu.memory_space<vmem>>, vector<1x16xf32>,
      %get3A_371 = vector.shape_cast %get3A_370 : vector<1x16xf32> to vector<16xf32>
      %add3A_372 = arith.addf %add3A_366, %get3A_371 : vector<16xf32>
      %get3A_373 = arith.constant 17 : i32
      %get3A_374 = arith.index_cast %get3A_373 : i32 to index
      %get3A_375 = arith.constant 32 : index
      %get3A_376 = tpu.vector_load %arg6[%get3A_374, %get3A_375] {strides = array<i32>} : memref<80x64xf32, #tpu.memory_space<vmem>>, vector<1x16xf32>,
      %get3A_377 = vector.shape_cast %get3A_376 : vector<1x16xf32> to vector<16xf32>
      %add3A_378 = arith.addf %add3A_372, %get3A_377 : vector<16xf32>
      %get3A_379 = arith.constant 18 : i32
      %get3A_380 = arith.index_cast %get3A_379 : i32 to index
      %get3A_381 = arith.constant 32 : index
      %get3A_382 = tpu.vector_load %arg6[%get3A_380, %get3A_381] {strides = array<i32>} : memref<80x64xf32, #tpu.memory_space<vmem>>, vector<1x16xf32>,
      %get3A_383 = vector.shape_cast %get3A_382 : vector<1x16xf32> to vector<16xf32>
      %add3A_384 = arith.addf %add3A_378, %get3A_383 : vector<16xf32>
      %get3A_385 = arith.constant 19 : i32
      %get3A_386 = arith.index_cast %get3A_385 : i32 to index
      %get3A_387 = arith.constant 32 : index
      %get3A_388 = tpu.vector_load %arg6[%get3A_386, %get3A_387] {strides = array<i32>} : memref<80x64xf32, #tpu.memory_space<vmem>>, vector<1x16xf32>,
      %get3A_389 = vector.shape_cast %get3A_388 : vector<1x16xf32> to vector<16xf32>
      %add3A_390 = arith.addf %add3A_384, %get3A_389 : vector<16xf32>
      %mul3A_391 = arith.constant 5.000000e-02 : f32
      %mul3A_392 = vector.broadcast %mul3A_391 : f32 to vector<16xf32>
      %mul3A_393 = arith.mulf %add3A_390, %mul3A_392 : vector<16xf32>
      %swap3A_394 = arith.constant 0 : i32
      %swap3A_395 = arith.index_cast %swap3A_394 : i32 to index
      %swap3A_396 = arith.constant 32 : index
      %swap3A_397 = tpu.vector_load %arg7[%swap3A_395, %swap3A_396] {strides = array<i32>} : memref<4x64xf32, #tpu.memory_space<vmem>>, vector<1x16xf32>,
      %swap3A_398 = vector.shape_cast %swap3A_397 : vector<1x16xf32> to vector<16xf32>
      %swap3A_399 = vector.shape_cast %mul3A_393 : vector<16xf32> to vector<1x16xf32>
      tpu.vector_store %arg7[%swap3A_395, %swap3A_396], %swap3A_399 {strides = array<i32>} : memref<4x64xf32, #tpu.memory_space<vmem>>, vector<1x16xf32>,
      %get3A_400 = arith.constant 0 : i32
      %get3A_401 = arith.index_cast %get3A_400 : i32 to index
      %get3A_402 = arith.constant 48 : index
      %get3A_403 = tpu.vector_load %arg6[%get3A_401, %get3A_402] {strides = array<i32>} : memref<80x64xf32, #tpu.memory_space<vmem>>, vector<1x16xf32>,
      %get3A_404 = vector.shape_cast %get3A_403 : vector<1x16xf32> to vector<16xf32>
      %get3A_405 = arith.constant 1 : i32
      %get3A_406 = arith.index_cast %get3A_405 : i32 to index
      %get3A_407 = arith.constant 48 : index
      %get3A_408 = tpu.vector_load %arg6[%get3A_406, %get3A_407] {strides = array<i32>} : memref<80x64xf32, #tpu.memory_space<vmem>>, vector<1x16xf32>,
      %get3A_409 = vector.shape_cast %get3A_408 : vector<1x16xf32> to vector<16xf32>
      %add3A_410 = arith.addf %get3A_404, %get3A_409 : vector<16xf32>
      %get3A_411 = arith.constant 2 : i32
      %get3A_412 = arith.index_cast %get3A_411 : i32 to index
      %get3A_413 = arith.constant 48 : index
      %get3A_414 = tpu.vector_load %arg6[%get3A_412, %get3A_413] {strides = array<i32>} : memref<80x64xf32, #tpu.memory_space<vmem>>, vector<1x16xf32>,
      %get3A_415 = vector.shape_cast %get3A_414 : vector<1x16xf32> to vector<16xf32>
      %add3A_416 = arith.addf %add3A_410, %get3A_415 : vector<16xf32>
      %get3A_417 = arith.constant 3 : i32
      %get3A_418 = arith.index_cast %get3A_417 : i32 to index
      %get3A_419 = arith.constant 48 : index
      %get3A_420 = tpu.vector_load %arg6[%get3A_418, %get3A_419] {strides = array<i32>} : memref<80x64xf32, #tpu.memory_space<vmem>>, vector<1x16xf32>,
      %get3A_421 = vector.shape_cast %get3A_420 : vector<1x16xf32> to vector<16xf32>
      %add3A_422 = arith.addf %add3A_416, %get3A_421 : vector<16xf32>
      %get3A_423 = arith.constant 4 : i32
      %get3A_424 = arith.index_cast %get3A_423 : i32 to index
      %get3A_425 = arith.constant 48 : index
      %get3A_426 = tpu.vector_load %arg6[%get3A_424, %get3A_425] {strides = array<i32>} : memref<80x64xf32, #tpu.memory_space<vmem>>, vector<1x16xf32>,
      %get3A_427 = vector.shape_cast %get3A_426 : vector<1x16xf32> to vector<16xf32>
      %add3A_428 = arith.addf %add3A_422, %get3A_427 : vector<16xf32>
      %get3A_429 = arith.constant 5 : i32
      %get3A_430 = arith.index_cast %get3A_429 : i32 to index
      %get3A_431 = arith.constant 48 : index
      %get3A_432 = tpu.vector_load %arg6[%get3A_430, %get3A_431] {strides = array<i32>} : memref<80x64xf32, #tpu.memory_space<vmem>>, vector<1x16xf32>,
      %get3A_433 = vector.shape_cast %get3A_432 : vector<1x16xf32> to vector<16xf32>
      %add3A_434 = arith.addf %add3A_428, %get3A_433 : vector<16xf32>
      %get3A_435 = arith.constant 6 : i32
      %get3A_436 = arith.index_cast %get3A_435 : i32 to index
      %get3A_437 = arith.constant 48 : index
      %get3A_438 = tpu.vector_load %arg6[%get3A_436, %get3A_437] {strides = array<i32>} : memref<80x64xf32, #tpu.memory_space<vmem>>, vector<1x16xf32>,
      %get3A_439 = vector.shape_cast %get3A_438 : vector<1x16xf32> to vector<16xf32>
      %add3A_440 = arith.addf %add3A_434, %get3A_439 : vector<16xf32>
      %get3A_441 = arith.constant 7 : i32
      %get3A_442 = arith.index_cast %get3A_441 : i32 to index
      %get3A_443 = arith.constant 48 : index
      %get3A_444 = tpu.vector_load %arg6[%get3A_442, %get3A_443] {strides = array<i32>} : memref<80x64xf32, #tpu.memory_space<vmem>>, vector<1x16xf32>,
      %get3A_445 = vector.shape_cast %get3A_444 : vector<1x16xf32> to vector<16xf32>
      %add3A_446 = arith.addf %add3A_440, %get3A_445 : vector<16xf32>
      %get3A_447 = arith.constant 8 : i32
      %get3A_448 = arith.index_cast %get3A_447 : i32 to index
      %get3A_449 = arith.constant 48 : index
      %get3A_450 = tpu.vector_load %arg6[%get3A_448, %get3A_449] {strides = array<i32>} : memref<80x64xf32, #tpu.memory_space<vmem>>, vector<1x16xf32>,
      %get3A_451 = vector.shape_cast %get3A_450 : vector<1x16xf32> to vector<16xf32>
      %add3A_452 = arith.addf %add3A_446, %get3A_451 : vector<16xf32>
      %get3A_453 = arith.constant 9 : i32
      %get3A_454 = arith.index_cast %get3A_453 : i32 to index
      %get3A_455 = arith.constant 48 : index
      %get3A_456 = tpu.vector_load %arg6[%get3A_454, %get3A_455] {strides = array<i32>} : memref<80x64xf32, #tpu.memory_space<vmem>>, vector<1x16xf32>,
      %get3A_457 = vector.shape_cast %get3A_456 : vector<1x16xf32> to vector<16xf32>
      %add3A_458 = arith.addf %add3A_452, %get3A_457 : vector<16xf32>
      %get3A_459 = arith.constant 10 : i32
      %get3A_460 = arith.index_cast %get3A_459 : i32 to index
      %get3A_461 = arith.constant 48 : index
      %get3A_462 = tpu.vector_load %arg6[%get3A_460, %get3A_461] {strides = array<i32>} : memref<80x64xf32, #tpu.memory_space<vmem>>, vector<1x16xf32>,
      %get3A_463 = vector.shape_cast %get3A_462 : vector<1x16xf32> to vector<16xf32>
      %add3A_464 = arith.addf %add3A_458, %get3A_463 : vector<16xf32>
      %get3A_465 = arith.constant 11 : i32
      %get3A_466 = arith.index_cast %get3A_465 : i32 to index
      %get3A_467 = arith.constant 48 : index
      %get3A_468 = tpu.vector_load %arg6[%get3A_466, %get3A_467] {strides = array<i32>} : memref<80x64xf32, #tpu.memory_space<vmem>>, vector<1x16xf32>,
      %get3A_469 = vector.shape_cast %get3A_468 : vector<1x16xf32> to vector<16xf32>
      %add3A_470 = arith.addf %add3A_464, %get3A_469 : vector<16xf32>
      %get3A_471 = arith.constant 12 : i32
      %get3A_472 = arith.index_cast %get3A_471 : i32 to index
      %get3A_473 = arith.constant 48 : index
      %get3A_474 = tpu.vector_load %arg6[%get3A_472, %get3A_473] {strides = array<i32>} : memref<80x64xf32, #tpu.memory_space<vmem>>, vector<1x16xf32>,
      %get3A_475 = vector.shape_cast %get3A_474 : vector<1x16xf32> to vector<16xf32>
      %add3A_476 = arith.addf %add3A_470, %get3A_475 : vector<16xf32>
      %get3A_477 = arith.constant 13 : i32
      %get3A_478 = arith.index_cast %get3A_477 : i32 to index
      %get3A_479 = arith.constant 48 : index
      %get3A_480 = tpu.vector_load %arg6[%get3A_478, %get3A_479] {strides = array<i32>} : memref<80x64xf32, #tpu.memory_space<vmem>>, vector<1x16xf32>,
      %get3A_481 = vector.shape_cast %get3A_480 : vector<1x16xf32> to vector<16xf32>
      %add3A_482 = arith.addf %add3A_476, %get3A_481 : vector<16xf32>
      %get3A_483 = arith.constant 14 : i32
      %get3A_484 = arith.index_cast %get3A_483 : i32 to index
      %get3A_485 = arith.constant 48 : index
      %get3A_486 = tpu.vector_load %arg6[%get3A_484, %get3A_485] {strides = array<i32>} : memref<80x64xf32, #tpu.memory_space<vmem>>, vector<1x16xf32>,
      %get3A_487 = vector.shape_cast %get3A_486 : vector<1x16xf32> to vector<16xf32>
      %add3A_488 = arith.addf %add3A_482, %get3A_487 : vector<16xf32>
      %get3A_489 = arith.constant 15 : i32
      %get3A_490 = arith.index_cast %get3A_489 : i32 to index
      %get3A_491 = arith.constant 48 : index
      %get3A_492 = tpu.vector_load %arg6[%get3A_490, %get3A_491] {strides = array<i32>} : memref<80x64xf32, #tpu.memory_space<vmem>>, vector<1x16xf32>,
      %get3A_493 = vector.shape_cast %get3A_492 : vector<1x16xf32> to vector<16xf32>
      %add3A_494 = arith.addf %add3A_488, %get3A_493 : vector<16xf32>
      %get3A_495 = arith.constant 16 : i32
      %get3A_496 = arith.index_cast %get3A_495 : i32 to index
      %get3A_497 = arith.constant 48 : index
      %get3A_498 = tpu.vector_load %arg6[%get3A_496, %get3A_497] {strides = array<i32>} : memref<80x64xf32, #tpu.memory_space<vmem>>, vector<1x16xf32>,
      %get3A_499 = vector.shape_cast %get3A_498 : vector<1x16xf32> to vector<16xf32>
      %add3A_500 = arith.addf %add3A_494, %get3A_499 : vector<16xf32>
      %get3A_501 = arith.constant 17 : i32
      %get3A_502 = arith.index_cast %get3A_501 : i32 to index
      %get3A_503 = arith.constant 48 : index
      %get3A_504 = tpu.vector_load %arg6[%get3A_502, %get3A_503] {strides = array<i32>} : memref<80x64xf32, #tpu.memory_space<vmem>>, vector<1x16xf32>,
      %get3A_505 = vector.shape_cast %get3A_504 : vector<1x16xf32> to vector<16xf32>
      %add3A_506 = arith.addf %add3A_500, %get3A_505 : vector<16xf32>
      %get3A_507 = arith.constant 18 : i32
      %get3A_508 = arith.index_cast %get3A_507 : i32 to index
      %get3A_509 = arith.constant 48 : index
      %get3A_510 = tpu.vector_load %arg6[%get3A_508, %get3A_509] {strides = array<i32>} : memref<80x64xf32, #tpu.memory_space<vmem>>, vector<1x16xf32>,
      %get3A_511 = vector.shape_cast %get3A_510 : vector<1x16xf32> to vector<16xf32>
      %add3A_512 = arith.addf %add3A_506, %get3A_511 : vector<16xf32>
      %get3A_513 = arith.constant 19 : i32
      %get3A_514 = arith.index_cast %get3A_513 : i32 to index
      %get3A_515 = arith.constant 48 : index
      %get3A_516 = tpu.vector_load %arg6[%get3A_514, %get3A_515] {strides = array<i32>} : memref<80x64xf32, #tpu.memory_space<vmem>>, vector<1x16xf32>,
      %get3A_517 = vector.shape_cast %get3A_516 : vector<1x16xf32> to vector<16xf32>
      %add3A_518 = arith.addf %add3A_512, %get3A_517 : vector<16xf32>
      %mul3A_519 = arith.constant 5.000000e-02 : f32
      %mul3A_520 = vector.broadcast %mul3A_519 : f32 to vector<16xf32>
      %mul3A_521 = arith.mulf %add3A_518, %mul3A_520 : vector<16xf32>
      %swap3A_522 = arith.constant 0 : i32
      %swap3A_523 = arith.index_cast %swap3A_522 : i32 to index
      %swap3A_524 = arith.constant 48 : index
      %swap3A_525 = tpu.vector_load %arg7[%swap3A_523, %swap3A_524] {strides = array<i32>} : memref<4x64xf32, #tpu.memory_space<vmem>>, vector<1x16xf32>,
      %swap3A_526 = vector.shape_cast %swap3A_525 : vector<1x16xf32> to vector<16xf32>
      %swap3A_527 = vector.shape_cast %mul3A_521 : vector<16xf32> to vector<1x16xf32>
      tpu.vector_store %arg7[%swap3A_523, %swap3A_524], %swap3A_527 {strides = array<i32>} : memref<4x64xf32, #tpu.memory_space<vmem>>, vector<1x16xf32>,
      %get3A_528 = arith.constant 20 : i32
      %get3A_529 = arith.index_cast %get3A_528 : i32 to index
      %get3A_530 = arith.constant 0 : index
      %get3A_531 = tpu.vector_load %arg6[%get3A_529, %get3A_530] {strides = array<i32>} : memref<80x64xf32, #tpu.memory_space<vmem>>, vector<1x16xf32>,
      %get3A_532 = vector.shape_cast %get3A_531 : vector<1x16xf32> to vector<16xf32>
      %get3A_533 = arith.constant 21 : i32
      %get3A_534 = arith.index_cast %get3A_533 : i32 to index
      %get3A_535 = arith.constant 0 : index
      %get3A_536 = tpu.vector_load %arg6[%get3A_534, %get3A_535] {strides = array<i32>} : memref<80x64xf32, #tpu.memory_space<vmem>>, vector<1x16xf32>,
      %get3A_537 = vector.shape_cast %get3A_536 : vector<1x16xf32> to vector<16xf32>
      %add3A_538 = arith.addf %get3A_532, %get3A_537 : vector<16xf32>
      %get3A_539 = arith.constant 22 : i32
      %get3A_540 = arith.index_cast %get3A_539 : i32 to index
      %get3A_541 = arith.constant 0 : index
      %get3A_542 = tpu.vector_load %arg6[%get3A_540, %get3A_541] {strides = array<i32>} : memref<80x64xf32, #tpu.memory_space<vmem>>, vector<1x16xf32>,
      %get3A_543 = vector.shape_cast %get3A_542 : vector<1x16xf32> to vector<16xf32>
      %add3A_544 = arith.addf %add3A_538, %get3A_543 : vector<16xf32>
      %get3A_545 = arith.constant 23 : i32
      %get3A_546 = arith.index_cast %get3A_545 : i32 to index
      %get3A_547 = arith.constant 0 : index
      %get3A_548 = tpu.vector_load %arg6[%get3A_546, %get3A_547] {strides = array<i32>} : memref<80x64xf32, #tpu.memory_space<vmem>>, vector<1x16xf32>,
      %get3A_549 = vector.shape_cast %get3A_548 : vector<1x16xf32> to vector<16xf32>
      %add3A_550 = arith.addf %add3A_544, %get3A_549 : vector<16xf32>
      %get3A_551 = arith.constant 24 : i32
      %get3A_552 = arith.index_cast %get3A_551 : i32 to index
      %get3A_553 = arith.constant 0 : index
      %get3A_554 = tpu.vector_load %arg6[%get3A_552, %get3A_553] {strides = array<i32>} : memref<80x64xf32, #tpu.memory_space<vmem>>, vector<1x16xf32>,
      %get3A_555 = vector.shape_cast %get3A_554 : vector<1x16xf32> to vector<16xf32>
      %add3A_556 = arith.addf %add3A_550, %get3A_555 : vector<16xf32>
      %get3A_557 = arith.constant 25 : i32
      %get3A_558 = arith.index_cast %get3A_557 : i32 to index
      %get3A_559 = arith.constant 0 : index
      %get3A_560 = tpu.vector_load %arg6[%get3A_558, %get3A_559] {strides = array<i32>} : memref<80x64xf32, #tpu.memory_space<vmem>>, vector<1x16xf32>,
      %get3A_561 = vector.shape_cast %get3A_560 : vector<1x16xf32> to vector<16xf32>
      %add3A_562 = arith.addf %add3A_556, %get3A_561 : vector<16xf32>
      %get3A_563 = arith.constant 26 : i32
      %get3A_564 = arith.index_cast %get3A_563 : i32 to index
      %get3A_565 = arith.constant 0 : index
      %get3A_566 = tpu.vector_load %arg6[%get3A_564, %get3A_565] {strides = array<i32>} : memref<80x64xf32, #tpu.memory_space<vmem>>, vector<1x16xf32>,
      %get3A_567 = vector.shape_cast %get3A_566 : vector<1x16xf32> to vector<16xf32>
      %add3A_568 = arith.addf %add3A_562, %get3A_567 : vector<16xf32>
      %get3A_569 = arith.constant 27 : i32
      %get3A_570 = arith.index_cast %get3A_569 : i32 to index
      %get3A_571 = arith.constant 0 : index
      %get3A_572 = tpu.vector_load %arg6[%get3A_570, %get3A_571] {strides = array<i32>} : memref<80x64xf32, #tpu.memory_space<vmem>>, vector<1x16xf32>,
      %get3A_573 = vector.shape_cast %get3A_572 : vector<1x16xf32> to vector<16xf32>
      %add3A_574 = arith.addf %add3A_568, %get3A_573 : vector<16xf32>
      %get3A_575 = arith.constant 28 : i32
      %get3A_576 = arith.index_cast %get3A_575 : i32 to index
      %get3A_577 = arith.constant 0 : index
      %get3A_578 = tpu.vector_load %arg6[%get3A_576, %get3A_577] {strides = array<i32>} : memref<80x64xf32, #tpu.memory_space<vmem>>, vector<1x16xf32>,
      %get3A_579 = vector.shape_cast %get3A_578 : vector<1x16xf32> to vector<16xf32>
      %add3A_580 = arith.addf %add3A_574, %get3A_579 : vector<16xf32>
      %get3A_581 = arith.constant 29 : i32
      %get3A_582 = arith.index_cast %get3A_581 : i32 to index
      %get3A_583 = arith.constant 0 : index
      %get3A_584 = tpu.vector_load %arg6[%get3A_582, %get3A_583] {strides = array<i32>} : memref<80x64xf32, #tpu.memory_space<vmem>>, vector<1x16xf32>,
      %get3A_585 = vector.shape_cast %get3A_584 : vector<1x16xf32> to vector<16xf32>
      %add3A_586 = arith.addf %add3A_580, %get3A_585 : vector<16xf32>
      %get3A_587 = arith.constant 30 : i32
      %get3A_588 = arith.index_cast %get3A_587 : i32 to index
      %get3A_589 = arith.constant 0 : index
      %get3A_590 = tpu.vector_load %arg6[%get3A_588, %get3A_589] {strides = array<i32>} : memref<80x64xf32, #tpu.memory_space<vmem>>, vector<1x16xf32>,
      %get3A_591 = vector.shape_cast %get3A_590 : vector<1x16xf32> to vector<16xf32>
      %add3A_592 = arith.addf %add3A_586, %get3A_591 : vector<16xf32>
      %get3A_593 = arith.constant 31 : i32
      %get3A_594 = arith.index_cast %get3A_593 : i32 to index
      %get3A_595 = arith.constant 0 : index
      %get3A_596 = tpu.vector_load %arg6[%get3A_594, %get3A_595] {strides = array<i32>} : memref<80x64xf32, #tpu.memory_space<vmem>>, vector<1x16xf32>,
      %get3A_597 = vector.shape_cast %get3A_596 : vector<1x16xf32> to vector<16xf32>
      %add3A_598 = arith.addf %add3A_592, %get3A_597 : vector<16xf32>
      %get3A_599 = arith.constant 32 : i32
      %get3A_600 = arith.index_cast %get3A_599 : i32 to index
      %get3A_601 = arith.constant 0 : index
      %get3A_602 = tpu.vector_load %arg6[%get3A_600, %get3A_601] {strides = array<i32>} : memref<80x64xf32, #tpu.memory_space<vmem>>, vector<1x16xf32>,
      %get3A_603 = vector.shape_cast %get3A_602 : vector<1x16xf32> to vector<16xf32>
      %add3A_604 = arith.addf %add3A_598, %get3A_603 : vector<16xf32>
      %get3A_605 = arith.constant 33 : i32
      %get3A_606 = arith.index_cast %get3A_605 : i32 to index
      %get3A_607 = arith.constant 0 : index
      %get3A_608 = tpu.vector_load %arg6[%get3A_606, %get3A_607] {strides = array<i32>} : memref<80x64xf32, #tpu.memory_space<vmem>>, vector<1x16xf32>,
      %get3A_609 = vector.shape_cast %get3A_608 : vector<1x16xf32> to vector<16xf32>
      %add3A_610 = arith.addf %add3A_604, %get3A_609 : vector<16xf32>
      %get3A_611 = arith.constant 34 : i32
      %get3A_612 = arith.index_cast %get3A_611 : i32 to index
      %get3A_613 = arith.constant 0 : index
      %get3A_614 = tpu.vector_load %arg6[%get3A_612, %get3A_613] {strides = array<i32>} : memref<80x64xf32, #tpu.memory_space<vmem>>, vector<1x16xf32>,
      %get3A_615 = vector.shape_cast %get3A_614 : vector<1x16xf32> to vector<16xf32>
      %add3A_616 = arith.addf %add3A_610, %get3A_615 : vector<16xf32>
      %get3A_617 = arith.constant 35 : i32
      %get3A_618 = arith.index_cast %get3A_617 : i32 to index
      %get3A_619 = arith.constant 0 : index
      %get3A_620 = tpu.vector_load %arg6[%get3A_618, %get3A_619] {strides = array<i32>} : memref<80x64xf32, #tpu.memory_space<vmem>>, vector<1x16xf32>,
      %get3A_621 = vector.shape_cast %get3A_620 : vector<1x16xf32> to vector<16xf32>
      %add3A_622 = arith.addf %add3A_616, %get3A_621 : vector<16xf32>
      %get3A_623 = arith.constant 36 : i32
      %get3A_624 = arith.index_cast %get3A_623 : i32 to index
      %get3A_625 = arith.constant 0 : index
      %get3A_626 = tpu.vector_load %arg6[%get3A_624, %get3A_625] {strides = array<i32>} : memref<80x64xf32, #tpu.memory_space<vmem>>, vector<1x16xf32>,
      %get3A_627 = vector.shape_cast %get3A_626 : vector<1x16xf32> to vector<16xf32>
      %add3A_628 = arith.addf %add3A_622, %get3A_627 : vector<16xf32>
      %get3A_629 = arith.constant 37 : i32
      %get3A_630 = arith.index_cast %get3A_629 : i32 to index
      %get3A_631 = arith.constant 0 : index
      %get3A_632 = tpu.vector_load %arg6[%get3A_630, %get3A_631] {strides = array<i32>} : memref<80x64xf32, #tpu.memory_space<vmem>>, vector<1x16xf32>,
      %get3A_633 = vector.shape_cast %get3A_632 : vector<1x16xf32> to vector<16xf32>
      %add3A_634 = arith.addf %add3A_628, %get3A_633 : vector<16xf32>
      %get3A_635 = arith.constant 38 : i32
      %get3A_636 = arith.index_cast %get3A_635 : i32 to index
      %get3A_637 = arith.constant 0 : index
      %get3A_638 = tpu.vector_load %arg6[%get3A_636, %get3A_637] {strides = array<i32>} : memref<80x64xf32, #tpu.memory_space<vmem>>, vector<1x16xf32>,
      %get3A_639 = vector.shape_cast %get3A_638 : vector<1x16xf32> to vector<16xf32>
      %add3A_640 = arith.addf %add3A_634, %get3A_639 : vector<16xf32>
      %get3A_641 = arith.constant 39 : i32
      %get3A_642 = arith.index_cast %get3A_641 : i32 to index
      %get3A_643 = arith.constant 0 : index
      %get3A_644 = tpu.vector_load %arg6[%get3A_642, %get3A_643] {strides = array<i32>} : memref<80x64xf32, #tpu.memory_space<vmem>>, vector<1x16xf32>,
      %get3A_645 = vector.shape_cast %get3A_644 : vector<1x16xf32> to vector<16xf32>
      %add3A_646 = arith.addf %add3A_640, %get3A_645 : vector<16xf32>
      %mul3A_647 = arith.constant 5.000000e-02 : f32
      %mul3A_648 = vector.broadcast %mul3A_647 : f32 to vector<16xf32>
      %mul3A_649 = arith.mulf %add3A_646, %mul3A_648 : vector<16xf32>
      %swap3A_650 = arith.constant 1 : i32
      %swap3A_651 = arith.index_cast %swap3A_650 : i32 to index
      %swap3A_652 = arith.constant 0 : index
      %swap3A_653 = tpu.vector_load %arg7[%swap3A_651, %swap3A_652] {strides = array<i32>} : memref<4x64xf32, #tpu.memory_space<vmem>>, vector<1x16xf32>,
      %swap3A_654 = vector.shape_cast %swap3A_653 : vector<1x16xf32> to vector<16xf32>
      %swap3A_655 = vector.shape_cast %mul3A_649 : vector<16xf32> to vector<1x16xf32>
      tpu.vector_store %arg7[%swap3A_651, %swap3A_652], %swap3A_655 {strides = array<i32>} : memref<4x64xf32, #tpu.memory_space<vmem>>, vector<1x16xf32>,
      %get3A_656 = arith.constant 20 : i32
      %get3A_657 = arith.index_cast %get3A_656 : i32 to index
      %get3A_658 = arith.constant 16 : index
      %get3A_659 = tpu.vector_load %arg6[%get3A_657, %get3A_658] {strides = array<i32>} : memref<80x64xf32, #tpu.memory_space<vmem>>, vector<1x16xf32>,
      %get3A_660 = vector.shape_cast %get3A_659 : vector<1x16xf32> to vector<16xf32>
      %get3A_661 = arith.constant 21 : i32
      %get3A_662 = arith.index_cast %get3A_661 : i32 to index
      %get3A_663 = arith.constant 16 : index
      %get3A_664 = tpu.vector_load %arg6[%get3A_662, %get3A_663] {strides = array<i32>} : memref<80x64xf32, #tpu.memory_space<vmem>>, vector<1x16xf32>,
      %get3A_665 = vector.shape_cast %get3A_664 : vector<1x16xf32> to vector<16xf32>
      %add3A_666 = arith.addf %get3A_660, %get3A_665 : vector<16xf32>
      %get3A_667 = arith.constant 22 : i32
      %get3A_668 = arith.index_cast %get3A_667 : i32 to index
      %get3A_669 = arith.constant 16 : index
      %get3A_670 = tpu.vector_load %arg6[%get3A_668, %get3A_669] {strides = array<i32>} : memref<80x64xf32, #tpu.memory_space<vmem>>, vector<1x16xf32>,
      %get3A_671 = vector.shape_cast %get3A_670 : vector<1x16xf32> to vector<16xf32>
      %add3A_672 = arith.addf %add3A_666, %get3A_671 : vector<16xf32>
      %get3A_673 = arith.constant 23 : i32
      %get3A_674 = arith.index_cast %get3A_673 : i32 to index
      %get3A_675 = arith.constant 16 : index
      %get3A_676 = tpu.vector_load %arg6[%get3A_674, %get3A_675] {strides = array<i32>} : memref<80x64xf32, #tpu.memory_space<vmem>>, vector<1x16xf32>,
      %get3A_677 = vector.shape_cast %get3A_676 : vector<1x16xf32> to vector<16xf32>
      %add3A_678 = arith.addf %add3A_672, %get3A_677 : vector<16xf32>
      %get3A_679 = arith.constant 24 : i32
      %get3A_680 = arith.index_cast %get3A_679 : i32 to index
      %get3A_681 = arith.constant 16 : index
      %get3A_682 = tpu.vector_load %arg6[%get3A_680, %get3A_681] {strides = array<i32>} : memref<80x64xf32, #tpu.memory_space<vmem>>, vector<1x16xf32>,
      %get3A_683 = vector.shape_cast %get3A_682 : vector<1x16xf32> to vector<16xf32>
      %add3A_684 = arith.addf %add3A_678, %get3A_683 : vector<16xf32>
      %get3A_685 = arith.constant 25 : i32
      %get3A_686 = arith.index_cast %get3A_685 : i32 to index
      %get3A_687 = arith.constant 16 : index
      %get3A_688 = tpu.vector_load %arg6[%get3A_686, %get3A_687] {strides = array<i32>} : memref<80x64xf32, #tpu.memory_space<vmem>>, vector<1x16xf32>,
      %get3A_689 = vector.shape_cast %get3A_688 : vector<1x16xf32> to vector<16xf32>
      %add3A_690 = arith.addf %add3A_684, %get3A_689 : vector<16xf32>
      %get3A_691 = arith.constant 26 : i32
      %get3A_692 = arith.index_cast %get3A_691 : i32 to index
      %get3A_693 = arith.constant 16 : index
      %get3A_694 = tpu.vector_load %arg6[%get3A_692, %get3A_693] {strides = array<i32>} : memref<80x64xf32, #tpu.memory_space<vmem>>, vector<1x16xf32>,
      %get3A_695 = vector.shape_cast %get3A_694 : vector<1x16xf32> to vector<16xf32>
      %add3A_696 = arith.addf %add3A_690, %get3A_695 : vector<16xf32>
      %get3A_697 = arith.constant 27 : i32
      %get3A_698 = arith.index_cast %get3A_697 : i32 to index
      %get3A_699 = arith.constant 16 : index
      %get3A_700 = tpu.vector_load %arg6[%get3A_698, %get3A_699] {strides = array<i32>} : memref<80x64xf32, #tpu.memory_space<vmem>>, vector<1x16xf32>,
      %get3A_701 = vector.shape_cast %get3A_700 : vector<1x16xf32> to vector<16xf32>
      %add3A_702 = arith.addf %add3A_696, %get3A_701 : vector<16xf32>
      %get3A_703 = arith.constant 28 : i32
      %get3A_704 = arith.index_cast %get3A_703 : i32 to index
      %get3A_705 = arith.constant 16 : index
      %get3A_706 = tpu.vector_load %arg6[%get3A_704, %get3A_705] {strides = array<i32>} : memref<80x64xf32, #tpu.memory_space<vmem>>, vector<1x16xf32>,
      %get3A_707 = vector.shape_cast %get3A_706 : vector<1x16xf32> to vector<16xf32>
      %add3A_708 = arith.addf %add3A_702, %get3A_707 : vector<16xf32>
      %get3A_709 = arith.constant 29 : i32
      %get3A_710 = arith.index_cast %get3A_709 : i32 to index
      %get3A_711 = arith.constant 16 : index
      %get3A_712 = tpu.vector_load %arg6[%get3A_710, %get3A_711] {strides = array<i32>} : memref<80x64xf32, #tpu.memory_space<vmem>>, vector<1x16xf32>,
      %get3A_713 = vector.shape_cast %get3A_712 : vector<1x16xf32> to vector<16xf32>
      %add3A_714 = arith.addf %add3A_708, %get3A_713 : vector<16xf32>
      %get3A_715 = arith.constant 30 : i32
      %get3A_716 = arith.index_cast %get3A_715 : i32 to index
      %get3A_717 = arith.constant 16 : index
      %get3A_718 = tpu.vector_load %arg6[%get3A_716, %get3A_717] {strides = array<i32>} : memref<80x64xf32, #tpu.memory_space<vmem>>, vector<1x16xf32>,
      %get3A_719 = vector.shape_cast %get3A_718 : vector<1x16xf32> to vector<16xf32>
      %add3A_720 = arith.addf %add3A_714, %get3A_719 : vector<16xf32>
      %get3A_721 = arith.constant 31 : i32
      %get3A_722 = arith.index_cast %get3A_721 : i32 to index
      %get3A_723 = arith.constant 16 : index
      %get3A_724 = tpu.vector_load %arg6[%get3A_722, %get3A_723] {strides = array<i32>} : memref<80x64xf32, #tpu.memory_space<vmem>>, vector<1x16xf32>,
      %get3A_725 = vector.shape_cast %get3A_724 : vector<1x16xf32> to vector<16xf32>
      %add3A_726 = arith.addf %add3A_720, %get3A_725 : vector<16xf32>
      %get3A_727 = arith.constant 32 : i32
      %get3A_728 = arith.index_cast %get3A_727 : i32 to index
      %get3A_729 = arith.constant 16 : index
      %get3A_730 = tpu.vector_load %arg6[%get3A_728, %get3A_729] {strides = array<i32>} : memref<80x64xf32, #tpu.memory_space<vmem>>, vector<1x16xf32>,
      %get3A_731 = vector.shape_cast %get3A_730 : vector<1x16xf32> to vector<16xf32>
      %add3A_732 = arith.addf %add3A_726, %get3A_731 : vector<16xf32>
      %get3A_733 = arith.constant 33 : i32
      %get3A_734 = arith.index_cast %get3A_733 : i32 to index
      %get3A_735 = arith.constant 16 : index
      %get3A_736 = tpu.vector_load %arg6[%get3A_734, %get3A_735] {strides = array<i32>} : memref<80x64xf32, #tpu.memory_space<vmem>>, vector<1x16xf32>,
      %get3A_737 = vector.shape_cast %get3A_736 : vector<1x16xf32> to vector<16xf32>
      %add3A_738 = arith.addf %add3A_732, %get3A_737 : vector<16xf32>
      %get3A_739 = arith.constant 34 : i32
      %get3A_740 = arith.index_cast %get3A_739 : i32 to index
      %get3A_741 = arith.constant 16 : index
      %get3A_742 = tpu.vector_load %arg6[%get3A_740, %get3A_741] {strides = array<i32>} : memref<80x64xf32, #tpu.memory_space<vmem>>, vector<1x16xf32>,
      %get3A_743 = vector.shape_cast %get3A_742 : vector<1x16xf32> to vector<16xf32>
      %add3A_744 = arith.addf %add3A_738, %get3A_743 : vector<16xf32>
      %get3A_745 = arith.constant 35 : i32
      %get3A_746 = arith.index_cast %get3A_745 : i32 to index
      %get3A_747 = arith.constant 16 : index
      %get3A_748 = tpu.vector_load %arg6[%get3A_746, %get3A_747] {strides = array<i32>} : memref<80x64xf32, #tpu.memory_space<vmem>>, vector<1x16xf32>,
      %get3A_749 = vector.shape_cast %get3A_748 : vector<1x16xf32> to vector<16xf32>
      %add3A_750 = arith.addf %add3A_744, %get3A_749 : vector<16xf32>
      %get3A_751 = arith.constant 36 : i32
      %get3A_752 = arith.index_cast %get3A_751 : i32 to index
      %get3A_753 = arith.constant 16 : index
      %get3A_754 = tpu.vector_load %arg6[%get3A_752, %get3A_753] {strides = array<i32>} : memref<80x64xf32, #tpu.memory_space<vmem>>, vector<1x16xf32>,
      %get3A_755 = vector.shape_cast %get3A_754 : vector<1x16xf32> to vector<16xf32>
      %add3A_756 = arith.addf %add3A_750, %get3A_755 : vector<16xf32>
      %get3A_757 = arith.constant 37 : i32
      %get3A_758 = arith.index_cast %get3A_757 : i32 to index
      %get3A_759 = arith.constant 16 : index
      %get3A_760 = tpu.vector_load %arg6[%get3A_758, %get3A_759] {strides = array<i32>} : memref<80x64xf32, #tpu.memory_space<vmem>>, vector<1x16xf32>,
      %get3A_761 = vector.shape_cast %get3A_760 : vector<1x16xf32> to vector<16xf32>
      %add3A_762 = arith.addf %add3A_756, %get3A_761 : vector<16xf32>
      %get3A_763 = arith.constant 38 : i32
      %get3A_764 = arith.index_cast %get3A_763 : i32 to index
      %get3A_765 = arith.constant 16 : index
      %get3A_766 = tpu.vector_load %arg6[%get3A_764, %get3A_765] {strides = array<i32>} : memref<80x64xf32, #tpu.memory_space<vmem>>, vector<1x16xf32>,
      %get3A_767 = vector.shape_cast %get3A_766 : vector<1x16xf32> to vector<16xf32>
      %add3A_768 = arith.addf %add3A_762, %get3A_767 : vector<16xf32>
      %get3A_769 = arith.constant 39 : i32
      %get3A_770 = arith.index_cast %get3A_769 : i32 to index
      %get3A_771 = arith.constant 16 : index
      %get3A_772 = tpu.vector_load %arg6[%get3A_770, %get3A_771] {strides = array<i32>} : memref<80x64xf32, #tpu.memory_space<vmem>>, vector<1x16xf32>,
      %get3A_773 = vector.shape_cast %get3A_772 : vector<1x16xf32> to vector<16xf32>
      %add3A_774 = arith.addf %add3A_768, %get3A_773 : vector<16xf32>
      %mul3A_775 = arith.constant 5.000000e-02 : f32
      %mul3A_776 = vector.broadcast %mul3A_775 : f32 to vector<16xf32>
      %mul3A_777 = arith.mulf %add3A_774, %mul3A_776 : vector<16xf32>
      %swap3A_778 = arith.constant 1 : i32
      %swap3A_779 = arith.index_cast %swap3A_778 : i32 to index
      %swap3A_780 = arith.constant 16 : index
      %swap3A_781 = tpu.vector_load %arg7[%swap3A_779, %swap3A_780] {strides = array<i32>} : memref<4x64xf32, #tpu.memory_space<vmem>>, vector<1x16xf32>,
      %swap3A_782 = vector.shape_cast %swap3A_781 : vector<1x16xf32> to vector<16xf32>
      %swap3A_783 = vector.shape_cast %mul3A_777 : vector<16xf32> to vector<1x16xf32>
      tpu.vector_store %arg7[%swap3A_779, %swap3A_780], %swap3A_783 {strides = array<i32>} : memref<4x64xf32, #tpu.memory_space<vmem>>, vector<1x16xf32>,
      %get3A_784 = arith.constant 20 : i32
      %get3A_785 = arith.index_cast %get3A_784 : i32 to index
      %get3A_786 = arith.constant 32 : index
      %get3A_787 = tpu.vector_load %arg6[%get3A_785, %get3A_786] {strides = array<i32>} : memref<80x64xf32, #tpu.memory_space<vmem>>, vector<1x16xf32>,
      %get3A_788 = vector.shape_cast %get3A_787 : vector<1x16xf32> to vector<16xf32>
      %get3A_789 = arith.constant 21 : i32
      %get3A_790 = arith.index_cast %get3A_789 : i32 to index
      %get3A_791 = arith.constant 32 : index
      %get3A_792 = tpu.vector_load %arg6[%get3A_790, %get3A_791] {strides = array<i32>} : memref<80x64xf32, #tpu.memory_space<vmem>>, vector<1x16xf32>,
      %get3A_793 = vector.shape_cast %get3A_792 : vector<1x16xf32> to vector<16xf32>
      %add3A_794 = arith.addf %get3A_788, %get3A_793 : vector<16xf32>
      %get3A_795 = arith.constant 22 : i32
      %get3A_796 = arith.index_cast %get3A_795 : i32 to index
      %get3A_797 = arith.constant 32 : index
      %get3A_798 = tpu.vector_load %arg6[%get3A_796, %get3A_797] {strides = array<i32>} : memref<80x64xf32, #tpu.memory_space<vmem>>, vector<1x16xf32>,
      %get3A_799 = vector.shape_cast %get3A_798 : vector<1x16xf32> to vector<16xf32>
      %add3A_800 = arith.addf %add3A_794, %get3A_799 : vector<16xf32>
      %get3A_801 = arith.constant 23 : i32
      %get3A_802 = arith.index_cast %get3A_801 : i32 to index
      %get3A_803 = arith.constant 32 : index
      %get3A_804 = tpu.vector_load %arg6[%get3A_802, %get3A_803] {strides = array<i32>} : memref<80x64xf32, #tpu.memory_space<vmem>>, vector<1x16xf32>,
      %get3A_805 = vector.shape_cast %get3A_804 : vector<1x16xf32> to vector<16xf32>
      %add3A_806 = arith.addf %add3A_800, %get3A_805 : vector<16xf32>
      %get3A_807 = arith.constant 24 : i32
      %get3A_808 = arith.index_cast %get3A_807 : i32 to index
      %get3A_809 = arith.constant 32 : index
      %get3A_810 = tpu.vector_load %arg6[%get3A_808, %get3A_809] {strides = array<i32>} : memref<80x64xf32, #tpu.memory_space<vmem>>, vector<1x16xf32>,
      %get3A_811 = vector.shape_cast %get3A_810 : vector<1x16xf32> to vector<16xf32>
      %add3A_812 = arith.addf %add3A_806, %get3A_811 : vector<16xf32>
      %get3A_813 = arith.constant 25 : i32
      %get3A_814 = arith.index_cast %get3A_813 : i32 to index
      %get3A_815 = arith.constant 32 : index
      %get3A_816 = tpu.vector_load %arg6[%get3A_814, %get3A_815] {strides = array<i32>} : memref<80x64xf32, #tpu.memory_space<vmem>>, vector<1x16xf32>,
      %get3A_817 = vector.shape_cast %get3A_816 : vector<1x16xf32> to vector<16xf32>
      %add3A_818 = arith.addf %add3A_812, %get3A_817 : vector<16xf32>
      %get3A_819 = arith.constant 26 : i32
      %get3A_820 = arith.index_cast %get3A_819 : i32 to index
      %get3A_821 = arith.constant 32 : index
      %get3A_822 = tpu.vector_load %arg6[%get3A_820, %get3A_821] {strides = array<i32>} : memref<80x64xf32, #tpu.memory_space<vmem>>, vector<1x16xf32>,
      %get3A_823 = vector.shape_cast %get3A_822 : vector<1x16xf32> to vector<16xf32>
      %add3A_824 = arith.addf %add3A_818, %get3A_823 : vector<16xf32>
      %get3A_825 = arith.constant 27 : i32
      %get3A_826 = arith.index_cast %get3A_825 : i32 to index
      %get3A_827 = arith.constant 32 : index
      %get3A_828 = tpu.vector_load %arg6[%get3A_826, %get3A_827] {strides = array<i32>} : memref<80x64xf32, #tpu.memory_space<vmem>>, vector<1x16xf32>,
      %get3A_829 = vector.shape_cast %get3A_828 : vector<1x16xf32> to vector<16xf32>
      %add3A_830 = arith.addf %add3A_824, %get3A_829 : vector<16xf32>
      %get3A_831 = arith.constant 28 : i32
      %get3A_832 = arith.index_cast %get3A_831 : i32 to index
      %get3A_833 = arith.constant 32 : index
      %get3A_834 = tpu.vector_load %arg6[%get3A_832, %get3A_833] {strides = array<i32>} : memref<80x64xf32, #tpu.memory_space<vmem>>, vector<1x16xf32>,
      %get3A_835 = vector.shape_cast %get3A_834 : vector<1x16xf32> to vector<16xf32>
      %add3A_836 = arith.addf %add3A_830, %get3A_835 : vector<16xf32>
      %get3A_837 = arith.constant 29 : i32
      %get3A_838 = arith.index_cast %get3A_837 : i32 to index
      %get3A_839 = arith.constant 32 : index
      %get3A_840 = tpu.vector_load %arg6[%get3A_838, %get3A_839] {strides = array<i32>} : memref<80x64xf32, #tpu.memory_space<vmem>>, vector<1x16xf32>,
      %get3A_841 = vector.shape_cast %get3A_840 : vector<1x16xf32> to vector<16xf32>
      %add3A_842 = arith.addf %add3A_836, %get3A_841 : vector<16xf32>
      %get3A_843 = arith.constant 30 : i32
      %get3A_844 = arith.index_cast %get3A_843 : i32 to index
      %get3A_845 = arith.constant 32 : index
      %get3A_846 = tpu.vector_load %arg6[%get3A_844, %get3A_845] {strides = array<i32>} : memref<80x64xf32, #tpu.memory_space<vmem>>, vector<1x16xf32>,
      %get3A_847 = vector.shape_cast %get3A_846 : vector<1x16xf32> to vector<16xf32>
      %add3A_848 = arith.addf %add3A_842, %get3A_847 : vector<16xf32>
      %get3A_849 = arith.constant 31 : i32
      %get3A_850 = arith.index_cast %get3A_849 : i32 to index
      %get3A_851 = arith.constant 32 : index
      %get3A_852 = tpu.vector_load %arg6[%get3A_850, %get3A_851] {strides = array<i32>} : memref<80x64xf32, #tpu.memory_space<vmem>>, vector<1x16xf32>,
      %get3A_853 = vector.shape_cast %get3A_852 : vector<1x16xf32> to vector<16xf32>
      %add3A_854 = arith.addf %add3A_848, %get3A_853 : vector<16xf32>
      %get3A_855 = arith.constant 32 : i32
      %get3A_856 = arith.index_cast %get3A_855 : i32 to index
      %get3A_857 = arith.constant 32 : index
      %get3A_858 = tpu.vector_load %arg6[%get3A_856, %get3A_857] {strides = array<i32>} : memref<80x64xf32, #tpu.memory_space<vmem>>, vector<1x16xf32>,
      %get3A_859 = vector.shape_cast %get3A_858 : vector<1x16xf32> to vector<16xf32>
      %add3A_860 = arith.addf %add3A_854, %get3A_859 : vector<16xf32>
      %get3A_861 = arith.constant 33 : i32
      %get3A_862 = arith.index_cast %get3A_861 : i32 to index
      %get3A_863 = arith.constant 32 : index
      %get3A_864 = tpu.vector_load %arg6[%get3A_862, %get3A_863] {strides = array<i32>} : memref<80x64xf32, #tpu.memory_space<vmem>>, vector<1x16xf32>,
      %get3A_865 = vector.shape_cast %get3A_864 : vector<1x16xf32> to vector<16xf32>
      %add3A_866 = arith.addf %add3A_860, %get3A_865 : vector<16xf32>
      %get3A_867 = arith.constant 34 : i32
      %get3A_868 = arith.index_cast %get3A_867 : i32 to index
      %get3A_869 = arith.constant 32 : index
      %get3A_870 = tpu.vector_load %arg6[%get3A_868, %get3A_869] {strides = array<i32>} : memref<80x64xf32, #tpu.memory_space<vmem>>, vector<1x16xf32>,
      %get3A_871 = vector.shape_cast %get3A_870 : vector<1x16xf32> to vector<16xf32>
      %add3A_872 = arith.addf %add3A_866, %get3A_871 : vector<16xf32>
      %get3A_873 = arith.constant 35 : i32
      %get3A_874 = arith.index_cast %get3A_873 : i32 to index
      %get3A_875 = arith.constant 32 : index
      %get3A_876 = tpu.vector_load %arg6[%get3A_874, %get3A_875] {strides = array<i32>} : memref<80x64xf32, #tpu.memory_space<vmem>>, vector<1x16xf32>,
      %get3A_877 = vector.shape_cast %get3A_876 : vector<1x16xf32> to vector<16xf32>
      %add3A_878 = arith.addf %add3A_872, %get3A_877 : vector<16xf32>
      %get3A_879 = arith.constant 36 : i32
      %get3A_880 = arith.index_cast %get3A_879 : i32 to index
      %get3A_881 = arith.constant 32 : index
      %get3A_882 = tpu.vector_load %arg6[%get3A_880, %get3A_881] {strides = array<i32>} : memref<80x64xf32, #tpu.memory_space<vmem>>, vector<1x16xf32>,
      %get3A_883 = vector.shape_cast %get3A_882 : vector<1x16xf32> to vector<16xf32>
      %add3A_884 = arith.addf %add3A_878, %get3A_883 : vector<16xf32>
      %get3A_885 = arith.constant 37 : i32
      %get3A_886 = arith.index_cast %get3A_885 : i32 to index
      %get3A_887 = arith.constant 32 : index
      %get3A_888 = tpu.vector_load %arg6[%get3A_886, %get3A_887] {strides = array<i32>} : memref<80x64xf32, #tpu.memory_space<vmem>>, vector<1x16xf32>,
      %get3A_889 = vector.shape_cast %get3A_888 : vector<1x16xf32> to vector<16xf32>
      %add3A_890 = arith.addf %add3A_884, %get3A_889 : vector<16xf32>
      %get3A_891 = arith.constant 38 : i32
      %get3A_892 = arith.index_cast %get3A_891 : i32 to index
      %get3A_893 = arith.constant 32 : index
      %get3A_894 = tpu.vector_load %arg6[%get3A_892, %get3A_893] {strides = array<i32>} : memref<80x64xf32, #tpu.memory_space<vmem>>, vector<1x16xf32>,
      %get3A_895 = vector.shape_cast %get3A_894 : vector<1x16xf32> to vector<16xf32>
      %add3A_896 = arith.addf %add3A_890, %get3A_895 : vector<16xf32>
      %get3A_897 = arith.constant 39 : i32
      %get3A_898 = arith.index_cast %get3A_897 : i32 to index
      %get3A_899 = arith.constant 32 : index
      %get3A_900 = tpu.vector_load %arg6[%get3A_898, %get3A_899] {strides = array<i32>} : memref<80x64xf32, #tpu.memory_space<vmem>>, vector<1x16xf32>,
      %get3A_901 = vector.shape_cast %get3A_900 : vector<1x16xf32> to vector<16xf32>
      %add3A_902 = arith.addf %add3A_896, %get3A_901 : vector<16xf32>
      %mul3A_903 = arith.constant 5.000000e-02 : f32
      %mul3A_904 = vector.broadcast %mul3A_903 : f32 to vector<16xf32>
      %mul3A_905 = arith.mulf %add3A_902, %mul3A_904 : vector<16xf32>
      %swap3A_906 = arith.constant 1 : i32
      %swap3A_907 = arith.index_cast %swap3A_906 : i32 to index
      %swap3A_908 = arith.constant 32 : index
      %swap3A_909 = tpu.vector_load %arg7[%swap3A_907, %swap3A_908] {strides = array<i32>} : memref<4x64xf32, #tpu.memory_space<vmem>>, vector<1x16xf32>,
      %swap3A_910 = vector.shape_cast %swap3A_909 : vector<1x16xf32> to vector<16xf32>
      %swap3A_911 = vector.shape_cast %mul3A_905 : vector<16xf32> to vector<1x16xf32>
      tpu.vector_store %arg7[%swap3A_907, %swap3A_908], %swap3A_911 {strides = array<i32>} : memref<4x64xf32, #tpu.memory_space<vmem>>, vector<1x16xf32>,
      %get3A_912 = arith.constant 20 : i32
      %get3A_913 = arith.index_cast %get3A_912 : i32 to index
      %get3A_914 = arith.constant 48 : index
      %get3A_915 = tpu.vector_load %arg6[%get3A_913, %get3A_914] {strides = array<i32>} : memref<80x64xf32, #tpu.memory_space<vmem>>, vector<1x16xf32>,
      %get3A_916 = vector.shape_cast %get3A_915 : vector<1x16xf32> to vector<16xf32>
      %get3A_917 = arith.constant 21 : i32
      %get3A_918 = arith.index_cast %get3A_917 : i32 to index
      %get3A_919 = arith.constant 48 : index
      %get3A_920 = tpu.vector_load %arg6[%get3A_918, %get3A_919] {strides = array<i32>} : memref<80x64xf32, #tpu.memory_space<vmem>>, vector<1x16xf32>,
      %get3A_921 = vector.shape_cast %get3A_920 : vector<1x16xf32> to vector<16xf32>
      %add3A_922 = arith.addf %get3A_916, %get3A_921 : vector<16xf32>
      %get3A_923 = arith.constant 22 : i32
      %get3A_924 = arith.index_cast %get3A_923 : i32 to index
      %get3A_925 = arith.constant 48 : index
      %get3A_926 = tpu.vector_load %arg6[%get3A_924, %get3A_925] {strides = array<i32>} : memref<80x64xf32, #tpu.memory_space<vmem>>, vector<1x16xf32>,
      %get3A_927 = vector.shape_cast %get3A_926 : vector<1x16xf32> to vector<16xf32>
      %add3A_928 = arith.addf %add3A_922, %get3A_927 : vector<16xf32>
      %get3A_929 = arith.constant 23 : i32
      %get3A_930 = arith.index_cast %get3A_929 : i32 to index
      %get3A_931 = arith.constant 48 : index
      %get3A_932 = tpu.vector_load %arg6[%get3A_930, %get3A_931] {strides = array<i32>} : memref<80x64xf32, #tpu.memory_space<vmem>>, vector<1x16xf32>,
      %get3A_933 = vector.shape_cast %get3A_932 : vector<1x16xf32> to vector<16xf32>
      %add3A_934 = arith.addf %add3A_928, %get3A_933 : vector<16xf32>
      %get3A_935 = arith.constant 24 : i32
      %get3A_936 = arith.index_cast %get3A_935 : i32 to index
      %get3A_937 = arith.constant 48 : index
      %get3A_938 = tpu.vector_load %arg6[%get3A_936, %get3A_937] {strides = array<i32>} : memref<80x64xf32, #tpu.memory_space<vmem>>, vector<1x16xf32>,
      %get3A_939 = vector.shape_cast %get3A_938 : vector<1x16xf32> to vector<16xf32>
      %add3A_940 = arith.addf %add3A_934, %get3A_939 : vector<16xf32>
      %get3A_941 = arith.constant 25 : i32
      %get3A_942 = arith.index_cast %get3A_941 : i32 to index
      %get3A_943 = arith.constant 48 : index
      %get3A_944 = tpu.vector_load %arg6[%get3A_942, %get3A_943] {strides = array<i32>} : memref<80x64xf32, #tpu.memory_space<vmem>>, vector<1x16xf32>,
      %get3A_945 = vector.shape_cast %get3A_944 : vector<1x16xf32> to vector<16xf32>
      %add3A_946 = arith.addf %add3A_940, %get3A_945 : vector<16xf32>
      %get3A_947 = arith.constant 26 : i32
      %get3A_948 = arith.index_cast %get3A_947 : i32 to index
      %get3A_949 = arith.constant 48 : index
      %get3A_950 = tpu.vector_load %arg6[%get3A_948, %get3A_949] {strides = array<i32>} : memref<80x64xf32, #tpu.memory_space<vmem>>, vector<1x16xf32>,
      %get3A_951 = vector.shape_cast %get3A_950 : vector<1x16xf32> to vector<16xf32>
      %add3A_952 = arith.addf %add3A_946, %get3A_951 : vector<16xf32>
      %get3A_953 = arith.constant 27 : i32
      %get3A_954 = arith.index_cast %get3A_953 : i32 to index
      %get3A_955 = arith.constant 48 : index
      %get3A_956 = tpu.vector_load %arg6[%get3A_954, %get3A_955] {strides = array<i32>} : memref<80x64xf32, #tpu.memory_space<vmem>>, vector<1x16xf32>,
      %get3A_957 = vector.shape_cast %get3A_956 : vector<1x16xf32> to vector<16xf32>
      %add3A_958 = arith.addf %add3A_952, %get3A_957 : vector<16xf32>
      %get3A_959 = arith.constant 28 : i32
      %get3A_960 = arith.index_cast %get3A_959 : i32 to index
      %get3A_961 = arith.constant 48 : index
      %get3A_962 = tpu.vector_load %arg6[%get3A_960, %get3A_961] {strides = array<i32>} : memref<80x64xf32, #tpu.memory_space<vmem>>, vector<1x16xf32>,
      %get3A_963 = vector.shape_cast %get3A_962 : vector<1x16xf32> to vector<16xf32>
      %add3A_964 = arith.addf %add3A_958, %get3A_963 : vector<16xf32>
      %get3A_965 = arith.constant 29 : i32
      %get3A_966 = arith.index_cast %get3A_965 : i32 to index
      %get3A_967 = arith.constant 48 : index
      %get3A_968 = tpu.vector_load %arg6[%get3A_966, %get3A_967] {strides = array<i32>} : memref<80x64xf32, #tpu.memory_space<vmem>>, vector<1x16xf32>,
      %get3A_969 = vector.shape_cast %get3A_968 : vector<1x16xf32> to vector<16xf32>
      %add3A_970 = arith.addf %add3A_964, %get3A_969 : vector<16xf32>
      %get3A_971 = arith.constant 30 : i32
      %get3A_972 = arith.index_cast %get3A_971 : i32 to index
      %get3A_973 = arith.constant 48 : index
      %get3A_974 = tpu.vector_load %arg6[%get3A_972, %get3A_973] {strides = array<i32>} : memref<80x64xf32, #tpu.memory_space<vmem>>, vector<1x16xf32>,
      %get3A_975 = vector.shape_cast %get3A_974 : vector<1x16xf32> to vector<16xf32>
      %add3A_976 = arith.addf %add3A_970, %get3A_975 : vector<16xf32>
      %get3A_977 = arith.constant 31 : i32
      %get3A_978 = arith.index_cast %get3A_977 : i32 to index
      %get3A_979 = arith.constant 48 : index
      %get3A_980 = tpu.vector_load %arg6[%get3A_978, %get3A_979] {strides = array<i32>} : memref<80x64xf32, #tpu.memory_space<vmem>>, vector<1x16xf32>,
      %get3A_981 = vector.shape_cast %get3A_980 : vector<1x16xf32> to vector<16xf32>
      %add3A_982 = arith.addf %add3A_976, %get3A_981 : vector<16xf32>
      %get3A_983 = arith.constant 32 : i32
      %get3A_984 = arith.index_cast %get3A_983 : i32 to index
      %get3A_985 = arith.constant 48 : index
      %get3A_986 = tpu.vector_load %arg6[%get3A_984, %get3A_985] {strides = array<i32>} : memref<80x64xf32, #tpu.memory_space<vmem>>, vector<1x16xf32>,
      %get3A_987 = vector.shape_cast %get3A_986 : vector<1x16xf32> to vector<16xf32>
      %add3A_988 = arith.addf %add3A_982, %get3A_987 : vector<16xf32>
      %get3A_989 = arith.constant 33 : i32
      %get3A_990 = arith.index_cast %get3A_989 : i32 to index
      %get3A_991 = arith.constant 48 : index
      %get3A_992 = tpu.vector_load %arg6[%get3A_990, %get3A_991] {strides = array<i32>} : memref<80x64xf32, #tpu.memory_space<vmem>>, vector<1x16xf32>,
      %get3A_993 = vector.shape_cast %get3A_992 : vector<1x16xf32> to vector<16xf32>
      %add3A_994 = arith.addf %add3A_988, %get3A_993 : vector<16xf32>
      %get3A_995 = arith.constant 34 : i32
      %get3A_996 = arith.index_cast %get3A_995 : i32 to index
      %get3A_997 = arith.constant 48 : index
      %get3A_998 = tpu.vector_load %arg6[%get3A_996, %get3A_997] {strides = array<i32>} : memref<80x64xf32, #tpu.memory_space<vmem>>, vector<1x16xf32>,
      %get3A_999 = vector.shape_cast %get3A_998 : vector<1x16xf32> to vector<16xf32>
      %add3A_1000 = arith.addf %add3A_994, %get3A_999 : vector<16xf32>
      %get3A_1001 = arith.constant 35 : i32
      %get3A_1002 = arith.index_cast %get3A_1001 : i32 to index
      %get3A_1003 = arith.constant 48 : index
      %get3A_1004 = tpu.vector_load %arg6[%get3A_1002, %get3A_1003] {strides = array<i32>} : memref<80x64xf32, #tpu.memory_space<vmem>>, vector<1x16xf32>,
      %get3A_1005 = vector.shape_cast %get3A_1004 : vector<1x16xf32> to vector<16xf32>
      %add3A_1006 = arith.addf %add3A_1000, %get3A_1005 : vector<16xf32>
      %get3A_1007 = arith.constant 36 : i32
      %get3A_1008 = arith.index_cast %get3A_1007 : i32 to index
      %get3A_1009 = arith.constant 48 : index
      %get3A_1010 = tpu.vector_load %arg6[%get3A_1008, %get3A_1009] {strides = array<i32>} : memref<80x64xf32, #tpu.memory_space<vmem>>, vector<1x16xf32>,
      %get3A_1011 = vector.shape_cast %get3A_1010 : vector<1x16xf32> to vector<16xf32>
      %add3A_1012 = arith.addf %add3A_1006, %get3A_1011 : vector<16xf32>
      %get3A_1013 = arith.constant 37 : i32
      %get3A_1014 = arith.index_cast %get3A_1013 : i32 to index
      %get3A_1015 = arith.constant 48 : index
      %get3A_1016 = tpu.vector_load %arg6[%get3A_1014, %get3A_1015] {strides = array<i32>} : memref<80x64xf32, #tpu.memory_space<vmem>>, vector<1x16xf32>,
      %get3A_1017 = vector.shape_cast %get3A_1016 : vector<1x16xf32> to vector<16xf32>
      %add3A_1018 = arith.addf %add3A_1012, %get3A_1017 : vector<16xf32>
      %get3A_1019 = arith.constant 38 : i32
      %get3A_1020 = arith.index_cast %get3A_1019 : i32 to index
      %get3A_1021 = arith.constant 48 : index
      %get3A_1022 = tpu.vector_load %arg6[%get3A_1020, %get3A_1021] {strides = array<i32>} : memref<80x64xf32, #tpu.memory_space<vmem>>, vector<1x16xf32>,
      %get3A_1023 = vector.shape_cast %get3A_1022 : vector<1x16xf32> to vector<16xf32>
      %add3A_1024 = arith.addf %add3A_1018, %get3A_1023 : vector<16xf32>
      %get3A_1025 = arith.constant 39 : i32
      %get3A_1026 = arith.index_cast %get3A_1025 : i32 to index
      %get3A_1027 = arith.constant 48 : index
      %get3A_1028 = tpu.vector_load %arg6[%get3A_1026, %get3A_1027] {strides = array<i32>} : memref<80x64xf32, #tpu.memory_space<vmem>>, vector<1x16xf32>,
      %get3A_1029 = vector.shape_cast %get3A_1028 : vector<1x16xf32> to vector<16xf32>
      %add3A_1030 = arith.addf %add3A_1024, %get3A_1029 : vector<16xf32>
      %mul3A_1031 = arith.constant 5.000000e-02 : f32
      %mul3A_1032 = vector.broadcast %mul3A_1031 : f32 to vector<16xf32>
      %mul3A_1033 = arith.mulf %add3A_1030, %mul3A_1032 : vector<16xf32>
      %swap3A_1034 = arith.constant 1 : i32
      %swap3A_1035 = arith.index_cast %swap3A_1034 : i32 to index
      %swap3A_1036 = arith.constant 48 : index
      %swap3A_1037 = tpu.vector_load %arg7[%swap3A_1035, %swap3A_1036] {strides = array<i32>} : memref<4x64xf32, #tpu.memory_space<vmem>>, vector<1x16xf32>,
      %swap3A_1038 = vector.shape_cast %swap3A_1037 : vector<1x16xf32> to vector<16xf32>
      %swap3A_1039 = vector.shape_cast %mul3A_1033 : vector<16xf32> to vector<1x16xf32>
      tpu.vector_store %arg7[%swap3A_1035, %swap3A_1036], %swap3A_1039 {strides = array<i32>} : memref<4x64xf32, #tpu.memory_space<vmem>>, vector<1x16xf32>,
      %get3A_1040 = arith.constant 40 : i32
      %get3A_1041 = arith.index_cast %get3A_1040 : i32 to index
      %get3A_1042 = arith.constant 0 : index
      %get3A_1043 = tpu.vector_load %arg6[%get3A_1041, %get3A_1042] {strides = array<i32>} : memref<80x64xf32, #tpu.memory_space<vmem>>, vector<1x16xf32>,
      %get3A_1044 = vector.shape_cast %get3A_1043 : vector<1x16xf32> to vector<16xf32>
      %get3A_1045 = arith.constant 41 : i32
      %get3A_1046 = arith.index_cast %get3A_1045 : i32 to index
      %get3A_1047 = arith.constant 0 : index
      %get3A_1048 = tpu.vector_load %arg6[%get3A_1046, %get3A_1047] {strides = array<i32>} : memref<80x64xf32, #tpu.memory_space<vmem>>, vector<1x16xf32>,
      %get3A_1049 = vector.shape_cast %get3A_1048 : vector<1x16xf32> to vector<16xf32>
      %add3A_1050 = arith.addf %get3A_1044, %get3A_1049 : vector<16xf32>
      %get3A_1051 = arith.constant 42 : i32
      %get3A_1052 = arith.index_cast %get3A_1051 : i32 to index
      %get3A_1053 = arith.constant 0 : index
      %get3A_1054 = tpu.vector_load %arg6[%get3A_1052, %get3A_1053] {strides = array<i32>} : memref<80x64xf32, #tpu.memory_space<vmem>>, vector<1x16xf32>,
      %get3A_1055 = vector.shape_cast %get3A_1054 : vector<1x16xf32> to vector<16xf32>
      %add3A_1056 = arith.addf %add3A_1050, %get3A_1055 : vector<16xf32>
      %get3A_1057 = arith.constant 43 : i32
      %get3A_1058 = arith.index_cast %get3A_1057 : i32 to index
      %get3A_1059 = arith.constant 0 : index
      %get3A_1060 = tpu.vector_load %arg6[%get3A_1058, %get3A_1059] {strides = array<i32>} : memref<80x64xf32, #tpu.memory_space<vmem>>, vector<1x16xf32>,
      %get3A_1061 = vector.shape_cast %get3A_1060 : vector<1x16xf32> to vector<16xf32>
      %add3A_1062 = arith.addf %add3A_1056, %get3A_1061 : vector<16xf32>
      %get3A_1063 = arith.constant 44 : i32
      %get3A_1064 = arith.index_cast %get3A_1063 : i32 to index
      %get3A_1065 = arith.constant 0 : index
      %get3A_1066 = tpu.vector_load %arg6[%get3A_1064, %get3A_1065] {strides = array<i32>} : memref<80x64xf32, #tpu.memory_space<vmem>>, vector<1x16xf32>,
      %get3A_1067 = vector.shape_cast %get3A_1066 : vector<1x16xf32> to vector<16xf32>
      %add3A_1068 = arith.addf %add3A_1062, %get3A_1067 : vector<16xf32>
      %get3A_1069 = arith.constant 45 : i32
      %get3A_1070 = arith.index_cast %get3A_1069 : i32 to index
      %get3A_1071 = arith.constant 0 : index
      %get3A_1072 = tpu.vector_load %arg6[%get3A_1070, %get3A_1071] {strides = array<i32>} : memref<80x64xf32, #tpu.memory_space<vmem>>, vector<1x16xf32>,
      %get3A_1073 = vector.shape_cast %get3A_1072 : vector<1x16xf32> to vector<16xf32>
      %add3A_1074 = arith.addf %add3A_1068, %get3A_1073 : vector<16xf32>
      %get3A_1075 = arith.constant 46 : i32
      %get3A_1076 = arith.index_cast %get3A_1075 : i32 to index
      %get3A_1077 = arith.constant 0 : index
      %get3A_1078 = tpu.vector_load %arg6[%get3A_1076, %get3A_1077] {strides = array<i32>} : memref<80x64xf32, #tpu.memory_space<vmem>>, vector<1x16xf32>,
      %get3A_1079 = vector.shape_cast %get3A_1078 : vector<1x16xf32> to vector<16xf32>
      %add3A_1080 = arith.addf %add3A_1074, %get3A_1079 : vector<16xf32>
      %get3A_1081 = arith.constant 47 : i32
      %get3A_1082 = arith.index_cast %get3A_1081 : i32 to index
      %get3A_1083 = arith.constant 0 : index
      %get3A_1084 = tpu.vector_load %arg6[%get3A_1082, %get3A_1083] {strides = array<i32>} : memref<80x64xf32, #tpu.memory_space<vmem>>, vector<1x16xf32>,
      %get3A_1085 = vector.shape_cast %get3A_1084 : vector<1x16xf32> to vector<16xf32>
      %add3A_1086 = arith.addf %add3A_1080, %get3A_1085 : vector<16xf32>
      %get3A_1087 = arith.constant 48 : i32
      %get3A_1088 = arith.index_cast %get3A_1087 : i32 to index
      %get3A_1089 = arith.constant 0 : index
      %get3A_1090 = tpu.vector_load %arg6[%get3A_1088, %get3A_1089] {strides = array<i32>} : memref<80x64xf32, #tpu.memory_space<vmem>>, vector<1x16xf32>,
      %get3A_1091 = vector.shape_cast %get3A_1090 : vector<1x16xf32> to vector<16xf32>
      %add3A_1092 = arith.addf %add3A_1086, %get3A_1091 : vector<16xf32>
      %get3A_1093 = arith.constant 49 : i32
      %get3A_1094 = arith.index_cast %get3A_1093 : i32 to index
      %get3A_1095 = arith.constant 0 : index
      %get3A_1096 = tpu.vector_load %arg6[%get3A_1094, %get3A_1095] {strides = array<i32>} : memref<80x64xf32, #tpu.memory_space<vmem>>, vector<1x16xf32>,
      %get3A_1097 = vector.shape_cast %get3A_1096 : vector<1x16xf32> to vector<16xf32>
      %add3A_1098 = arith.addf %add3A_1092, %get3A_1097 : vector<16xf32>
      %get3A_1099 = arith.constant 50 : i32
      %get3A_1100 = arith.index_cast %get3A_1099 : i32 to index
      %get3A_1101 = arith.constant 0 : index
      %get3A_1102 = tpu.vector_load %arg6[%get3A_1100, %get3A_1101] {strides = array<i32>} : memref<80x64xf32, #tpu.memory_space<vmem>>, vector<1x16xf32>,
      %get3A_1103 = vector.shape_cast %get3A_1102 : vector<1x16xf32> to vector<16xf32>
      %add3A_1104 = arith.addf %add3A_1098, %get3A_1103 : vector<16xf32>
      %get3A_1105 = arith.constant 51 : i32
      %get3A_1106 = arith.index_cast %get3A_1105 : i32 to index
      %get3A_1107 = arith.constant 0 : index
      %get3A_1108 = tpu.vector_load %arg6[%get3A_1106, %get3A_1107] {strides = array<i32>} : memref<80x64xf32, #tpu.memory_space<vmem>>, vector<1x16xf32>,
      %get3A_1109 = vector.shape_cast %get3A_1108 : vector<1x16xf32> to vector<16xf32>
      %add3A_1110 = arith.addf %add3A_1104, %get3A_1109 : vector<16xf32>
      %get3A_1111 = arith.constant 52 : i32
      %get3A_1112 = arith.index_cast %get3A_1111 : i32 to index
      %get3A_1113 = arith.constant 0 : index
      %get3A_1114 = tpu.vector_load %arg6[%get3A_1112, %get3A_1113] {strides = array<i32>} : memref<80x64xf32, #tpu.memory_space<vmem>>, vector<1x16xf32>,
      %get3A_1115 = vector.shape_cast %get3A_1114 : vector<1x16xf32> to vector<16xf32>
      %add3A_1116 = arith.addf %add3A_1110, %get3A_1115 : vector<16xf32>
      %get3A_1117 = arith.constant 53 : i32
      %get3A_1118 = arith.index_cast %get3A_1117 : i32 to index
      %get3A_1119 = arith.constant 0 : index
      %get3A_1120 = tpu.vector_load %arg6[%get3A_1118, %get3A_1119] {strides = array<i32>} : memref<80x64xf32, #tpu.memory_space<vmem>>, vector<1x16xf32>,
      %get3A_1121 = vector.shape_cast %get3A_1120 : vector<1x16xf32> to vector<16xf32>
      %add3A_1122 = arith.addf %add3A_1116, %get3A_1121 : vector<16xf32>
      %get3A_1123 = arith.constant 54 : i32
      %get3A_1124 = arith.index_cast %get3A_1123 : i32 to index
      %get3A_1125 = arith.constant 0 : index
      %get3A_1126 = tpu.vector_load %arg6[%get3A_1124, %get3A_1125] {strides = array<i32>} : memref<80x64xf32, #tpu.memory_space<vmem>>, vector<1x16xf32>,
      %get3A_1127 = vector.shape_cast %get3A_1126 : vector<1x16xf32> to vector<16xf32>
      %add3A_1128 = arith.addf %add3A_1122, %get3A_1127 : vector<16xf32>
      %get3A_1129 = arith.constant 55 : i32
      %get3A_1130 = arith.index_cast %get3A_1129 : i32 to index
      %get3A_1131 = arith.constant 0 : index
      %get3A_1132 = tpu.vector_load %arg6[%get3A_1130, %get3A_1131] {strides = array<i32>} : memref<80x64xf32, #tpu.memory_space<vmem>>, vector<1x16xf32>,
      %get3A_1133 = vector.shape_cast %get3A_1132 : vector<1x16xf32> to vector<16xf32>
      %add3A_1134 = arith.addf %add3A_1128, %get3A_1133 : vector<16xf32>
      %get3A_1135 = arith.constant 56 : i32
      %get3A_1136 = arith.index_cast %get3A_1135 : i32 to index
      %get3A_1137 = arith.constant 0 : index
      %get3A_1138 = tpu.vector_load %arg6[%get3A_1136, %get3A_1137] {strides = array<i32>} : memref<80x64xf32, #tpu.memory_space<vmem>>, vector<1x16xf32>,
      %get3A_1139 = vector.shape_cast %get3A_1138 : vector<1x16xf32> to vector<16xf32>
      %add3A_1140 = arith.addf %add3A_1134, %get3A_1139 : vector<16xf32>
      %get3A_1141 = arith.constant 57 : i32
      %get3A_1142 = arith.index_cast %get3A_1141 : i32 to index
      %get3A_1143 = arith.constant 0 : index
      %get3A_1144 = tpu.vector_load %arg6[%get3A_1142, %get3A_1143] {strides = array<i32>} : memref<80x64xf32, #tpu.memory_space<vmem>>, vector<1x16xf32>,
      %get3A_1145 = vector.shape_cast %get3A_1144 : vector<1x16xf32> to vector<16xf32>
      %add3A_1146 = arith.addf %add3A_1140, %get3A_1145 : vector<16xf32>
      %get3A_1147 = arith.constant 58 : i32
      %get3A_1148 = arith.index_cast %get3A_1147 : i32 to index
      %get3A_1149 = arith.constant 0 : index
      %get3A_1150 = tpu.vector_load %arg6[%get3A_1148, %get3A_1149] {strides = array<i32>} : memref<80x64xf32, #tpu.memory_space<vmem>>, vector<1x16xf32>,
      %get3A_1151 = vector.shape_cast %get3A_1150 : vector<1x16xf32> to vector<16xf32>
      %add3A_1152 = arith.addf %add3A_1146, %get3A_1151 : vector<16xf32>
      %get3A_1153 = arith.constant 59 : i32
      %get3A_1154 = arith.index_cast %get3A_1153 : i32 to index
      %get3A_1155 = arith.constant 0 : index
      %get3A_1156 = tpu.vector_load %arg6[%get3A_1154, %get3A_1155] {strides = array<i32>} : memref<80x64xf32, #tpu.memory_space<vmem>>, vector<1x16xf32>,
      %get3A_1157 = vector.shape_cast %get3A_1156 : vector<1x16xf32> to vector<16xf32>
      %add3A_1158 = arith.addf %add3A_1152, %get3A_1157 : vector<16xf32>
      %mul3A_1159 = arith.constant 5.000000e-02 : f32
      %mul3A_1160 = vector.broadcast %mul3A_1159 : f32 to vector<16xf32>
      %mul3A_1161 = arith.mulf %add3A_1158, %mul3A_1160 : vector<16xf32>
      %swap3A_1162 = arith.constant 2 : i32
      %swap3A_1163 = arith.index_cast %swap3A_1162 : i32 to index
      %swap3A_1164 = arith.constant 0 : index
      %swap3A_1165 = tpu.vector_load %arg7[%swap3A_1163, %swap3A_1164] {strides = array<i32>} : memref<4x64xf32, #tpu.memory_space<vmem>>, vector<1x16xf32>,
      %swap3A_1166 = vector.shape_cast %swap3A_1165 : vector<1x16xf32> to vector<16xf32>
      %swap3A_1167 = vector.shape_cast %mul3A_1161 : vector<16xf32> to vector<1x16xf32>
      tpu.vector_store %arg7[%swap3A_1163, %swap3A_1164], %swap3A_1167 {strides = array<i32>} : memref<4x64xf32, #tpu.memory_space<vmem>>, vector<1x16xf32>,
      %get3A_1168 = arith.constant 40 : i32
      %get3A_1169 = arith.index_cast %get3A_1168 : i32 to index
      %get3A_1170 = arith.constant 16 : index
      %get3A_1171 = tpu.vector_load %arg6[%get3A_1169, %get3A_1170] {strides = array<i32>} : memref<80x64xf32, #tpu.memory_space<vmem>>, vector<1x16xf32>,
      %get3A_1172 = vector.shape_cast %get3A_1171 : vector<1x16xf32> to vector<16xf32>
      %get3A_1173 = arith.constant 41 : i32
      %get3A_1174 = arith.index_cast %get3A_1173 : i32 to index
      %get3A_1175 = arith.constant 16 : index
      %get3A_1176 = tpu.vector_load %arg6[%get3A_1174, %get3A_1175] {strides = array<i32>} : memref<80x64xf32, #tpu.memory_space<vmem>>, vector<1x16xf32>,
      %get3A_1177 = vector.shape_cast %get3A_1176 : vector<1x16xf32> to vector<16xf32>
      %add3A_1178 = arith.addf %get3A_1172, %get3A_1177 : vector<16xf32>
      %get3A_1179 = arith.constant 42 : i32
      %get3A_1180 = arith.index_cast %get3A_1179 : i32 to index
      %get3A_1181 = arith.constant 16 : index
      %get3A_1182 = tpu.vector_load %arg6[%get3A_1180, %get3A_1181] {strides = array<i32>} : memref<80x64xf32, #tpu.memory_space<vmem>>, vector<1x16xf32>,
      %get3A_1183 = vector.shape_cast %get3A_1182 : vector<1x16xf32> to vector<16xf32>
      %add3A_1184 = arith.addf %add3A_1178, %get3A_1183 : vector<16xf32>
      %get3A_1185 = arith.constant 43 : i32
      %get3A_1186 = arith.index_cast %get3A_1185 : i32 to index
      %get3A_1187 = arith.constant 16 : index
      %get3A_1188 = tpu.vector_load %arg6[%get3A_1186, %get3A_1187] {strides = array<i32>} : memref<80x64xf32, #tpu.memory_space<vmem>>, vector<1x16xf32>,
      %get3A_1189 = vector.shape_cast %get3A_1188 : vector<1x16xf32> to vector<16xf32>
      %add3A_1190 = arith.addf %add3A_1184, %get3A_1189 : vector<16xf32>
      %get3A_1191 = arith.constant 44 : i32
      %get3A_1192 = arith.index_cast %get3A_1191 : i32 to index
      %get3A_1193 = arith.constant 16 : index
      %get3A_1194 = tpu.vector_load %arg6[%get3A_1192, %get3A_1193] {strides = array<i32>} : memref<80x64xf32, #tpu.memory_space<vmem>>, vector<1x16xf32>,
      %get3A_1195 = vector.shape_cast %get3A_1194 : vector<1x16xf32> to vector<16xf32>
      %add3A_1196 = arith.addf %add3A_1190, %get3A_1195 : vector<16xf32>
      %get3A_1197 = arith.constant 45 : i32
      %get3A_1198 = arith.index_cast %get3A_1197 : i32 to index
      %get3A_1199 = arith.constant 16 : index
      %get3A_1200 = tpu.vector_load %arg6[%get3A_1198, %get3A_1199] {strides = array<i32>} : memref<80x64xf32, #tpu.memory_space<vmem>>, vector<1x16xf32>,
      %get3A_1201 = vector.shape_cast %get3A_1200 : vector<1x16xf32> to vector<16xf32>
      %add3A_1202 = arith.addf %add3A_1196, %get3A_1201 : vector<16xf32>
      %get3A_1203 = arith.constant 46 : i32
      %get3A_1204 = arith.index_cast %get3A_1203 : i32 to index
      %get3A_1205 = arith.constant 16 : index
      %get3A_1206 = tpu.vector_load %arg6[%get3A_1204, %get3A_1205] {strides = array<i32>} : memref<80x64xf32, #tpu.memory_space<vmem>>, vector<1x16xf32>,
      %get3A_1207 = vector.shape_cast %get3A_1206 : vector<1x16xf32> to vector<16xf32>
      %add3A_1208 = arith.addf %add3A_1202, %get3A_1207 : vector<16xf32>
      %get3A_1209 = arith.constant 47 : i32
      %get3A_1210 = arith.index_cast %get3A_1209 : i32 to index
      %get3A_1211 = arith.constant 16 : index
      %get3A_1212 = tpu.vector_load %arg6[%get3A_1210, %get3A_1211] {strides = array<i32>} : memref<80x64xf32, #tpu.memory_space<vmem>>, vector<1x16xf32>,
      %get3A_1213 = vector.shape_cast %get3A_1212 : vector<1x16xf32> to vector<16xf32>
      %add3A_1214 = arith.addf %add3A_1208, %get3A_1213 : vector<16xf32>
      %get3A_1215 = arith.constant 48 : i32
      %get3A_1216 = arith.index_cast %get3A_1215 : i32 to index
      %get3A_1217 = arith.constant 16 : index
      %get3A_1218 = tpu.vector_load %arg6[%get3A_1216, %get3A_1217] {strides = array<i32>} : memref<80x64xf32, #tpu.memory_space<vmem>>, vector<1x16xf32>,
      %get3A_1219 = vector.shape_cast %get3A_1218 : vector<1x16xf32> to vector<16xf32>
      %add3A_1220 = arith.addf %add3A_1214, %get3A_1219 : vector<16xf32>
      %get3A_1221 = arith.constant 49 : i32
      %get3A_1222 = arith.index_cast %get3A_1221 : i32 to index
      %get3A_1223 = arith.constant 16 : index
      %get3A_1224 = tpu.vector_load %arg6[%get3A_1222, %get3A_1223] {strides = array<i32>} : memref<80x64xf32, #tpu.memory_space<vmem>>, vector<1x16xf32>,
      %get3A_1225 = vector.shape_cast %get3A_1224 : vector<1x16xf32> to vector<16xf32>
      %add3A_1226 = arith.addf %add3A_1220, %get3A_1225 : vector<16xf32>
      %get3A_1227 = arith.constant 50 : i32
      %get3A_1228 = arith.index_cast %get3A_1227 : i32 to index
      %get3A_1229 = arith.constant 16 : index
      %get3A_1230 = tpu.vector_load %arg6[%get3A_1228, %get3A_1229] {strides = array<i32>} : memref<80x64xf32, #tpu.memory_space<vmem>>, vector<1x16xf32>,
      %get3A_1231 = vector.shape_cast %get3A_1230 : vector<1x16xf32> to vector<16xf32>
      %add3A_1232 = arith.addf %add3A_1226, %get3A_1231 : vector<16xf32>
      %get3A_1233 = arith.constant 51 : i32
      %get3A_1234 = arith.index_cast %get3A_1233 : i32 to index
      %get3A_1235 = arith.constant 16 : index
      %get3A_1236 = tpu.vector_load %arg6[%get3A_1234, %get3A_1235] {strides = array<i32>} : memref<80x64xf32, #tpu.memory_space<vmem>>, vector<1x16xf32>,
      %get3A_1237 = vector.shape_cast %get3A_1236 : vector<1x16xf32> to vector<16xf32>
      %add3A_1238 = arith.addf %add3A_1232, %get3A_1237 : vector<16xf32>
      %get3A_1239 = arith.constant 52 : i32
      %get3A_1240 = arith.index_cast %get3A_1239 : i32 to index
      %get3A_1241 = arith.constant 16 : index
      %get3A_1242 = tpu.vector_load %arg6[%get3A_1240, %get3A_1241] {strides = array<i32>} : memref<80x64xf32, #tpu.memory_space<vmem>>, vector<1x16xf32>,
      %get3A_1243 = vector.shape_cast %get3A_1242 : vector<1x16xf32> to vector<16xf32>
      %add3A_1244 = arith.addf %add3A_1238, %get3A_1243 : vector<16xf32>
      %get3A_1245 = arith.constant 53 : i32
      %get3A_1246 = arith.index_cast %get3A_1245 : i32 to index
      %get3A_1247 = arith.constant 16 : index
      %get3A_1248 = tpu.vector_load %arg6[%get3A_1246, %get3A_1247] {strides = array<i32>} : memref<80x64xf32, #tpu.memory_space<vmem>>, vector<1x16xf32>,
      %get3A_1249 = vector.shape_cast %get3A_1248 : vector<1x16xf32> to vector<16xf32>
      %add3A_1250 = arith.addf %add3A_1244, %get3A_1249 : vector<16xf32>
      %get3A_1251 = arith.constant 54 : i32
      %get3A_1252 = arith.index_cast %get3A_1251 : i32 to index
      %get3A_1253 = arith.constant 16 : index
      %get3A_1254 = tpu.vector_load %arg6[%get3A_1252, %get3A_1253] {strides = array<i32>} : memref<80x64xf32, #tpu.memory_space<vmem>>, vector<1x16xf32>,
      %get3A_1255 = vector.shape_cast %get3A_1254 : vector<1x16xf32> to vector<16xf32>
      %add3A_1256 = arith.addf %add3A_1250, %get3A_1255 : vector<16xf32>
      %get3A_1257 = arith.constant 55 : i32
      %get3A_1258 = arith.index_cast %get3A_1257 : i32 to index
      %get3A_1259 = arith.constant 16 : index
      %get3A_1260 = tpu.vector_load %arg6[%get3A_1258, %get3A_1259] {strides = array<i32>} : memref<80x64xf32, #tpu.memory_space<vmem>>, vector<1x16xf32>,
      %get3A_1261 = vector.shape_cast %get3A_1260 : vector<1x16xf32> to vector<16xf32>
      %add3A_1262 = arith.addf %add3A_1256, %get3A_1261 : vector<16xf32>
      %get3A_1263 = arith.constant 56 : i32
      %get3A_1264 = arith.index_cast %get3A_1263 : i32 to index
      %get3A_1265 = arith.constant 16 : index
      %get3A_1266 = tpu.vector_load %arg6[%get3A_1264, %get3A_1265] {strides = array<i32>} : memref<80x64xf32, #tpu.memory_space<vmem>>, vector<1x16xf32>,
      %get3A_1267 = vector.shape_cast %get3A_1266 : vector<1x16xf32> to vector<16xf32>
      %add3A_1268 = arith.addf %add3A_1262, %get3A_1267 : vector<16xf32>
      %get3A_1269 = arith.constant 57 : i32
      %get3A_1270 = arith.index_cast %get3A_1269 : i32 to index
      %get3A_1271 = arith.constant 16 : index
      %get3A_1272 = tpu.vector_load %arg6[%get3A_1270, %get3A_1271] {strides = array<i32>} : memref<80x64xf32, #tpu.memory_space<vmem>>, vector<1x16xf32>,
      %get3A_1273 = vector.shape_cast %get3A_1272 : vector<1x16xf32> to vector<16xf32>
      %add3A_1274 = arith.addf %add3A_1268, %get3A_1273 : vector<16xf32>
      %get3A_1275 = arith.constant 58 : i32
      %get3A_1276 = arith.index_cast %get3A_1275 : i32 to index
      %get3A_1277 = arith.constant 16 : index
      %get3A_1278 = tpu.vector_load %arg6[%get3A_1276, %get3A_1277] {strides = array<i32>} : memref<80x64xf32, #tpu.memory_space<vmem>>, vector<1x16xf32>,
      %get3A_1279 = vector.shape_cast %get3A_1278 : vector<1x16xf32> to vector<16xf32>
      %add3A_1280 = arith.addf %add3A_1274, %get3A_1279 : vector<16xf32>
      %get3A_1281 = arith.constant 59 : i32
      %get3A_1282 = arith.index_cast %get3A_1281 : i32 to index
      %get3A_1283 = arith.constant 16 : index
      %get3A_1284 = tpu.vector_load %arg6[%get3A_1282, %get3A_1283] {strides = array<i32>} : memref<80x64xf32, #tpu.memory_space<vmem>>, vector<1x16xf32>,
      %get3A_1285 = vector.shape_cast %get3A_1284 : vector<1x16xf32> to vector<16xf32>
      %add3A_1286 = arith.addf %add3A_1280, %get3A_1285 : vector<16xf32>
      %mul3A_1287 = arith.constant 5.000000e-02 : f32
      %mul3A_1288 = vector.broadcast %mul3A_1287 : f32 to vector<16xf32>
      %mul3A_1289 = arith.mulf %add3A_1286, %mul3A_1288 : vector<16xf32>
      %swap3A_1290 = arith.constant 2 : i32
      %swap3A_1291 = arith.index_cast %swap3A_1290 : i32 to index
      %swap3A_1292 = arith.constant 16 : index
      %swap3A_1293 = tpu.vector_load %arg7[%swap3A_1291, %swap3A_1292] {strides = array<i32>} : memref<4x64xf32, #tpu.memory_space<vmem>>, vector<1x16xf32>,
      %swap3A_1294 = vector.shape_cast %swap3A_1293 : vector<1x16xf32> to vector<16xf32>
      %swap3A_1295 = vector.shape_cast %mul3A_1289 : vector<16xf32> to vector<1x16xf32>
      tpu.vector_store %arg7[%swap3A_1291, %swap3A_1292], %swap3A_1295 {strides = array<i32>} : memref<4x64xf32, #tpu.memory_space<vmem>>, vector<1x16xf32>,
      %get3A_1296 = arith.constant 40 : i32
      %get3A_1297 = arith.index_cast %get3A_1296 : i32 to index
      %get3A_1298 = arith.constant 32 : index
      %get3A_1299 = tpu.vector_load %arg6[%get3A_1297, %get3A_1298] {strides = array<i32>} : memref<80x64xf32, #tpu.memory_space<vmem>>, vector<1x16xf32>,
      %get3A_1300 = vector.shape_cast %get3A_1299 : vector<1x16xf32> to vector<16xf32>
      %get3A_1301 = arith.constant 41 : i32
      %get3A_1302 = arith.index_cast %get3A_1301 : i32 to index
      %get3A_1303 = arith.constant 32 : index
      %get3A_1304 = tpu.vector_load %arg6[%get3A_1302, %get3A_1303] {strides = array<i32>} : memref<80x64xf32, #tpu.memory_space<vmem>>, vector<1x16xf32>,
      %get3A_1305 = vector.shape_cast %get3A_1304 : vector<1x16xf32> to vector<16xf32>
      %add3A_1306 = arith.addf %get3A_1300, %get3A_1305 : vector<16xf32>
      %get3A_1307 = arith.constant 42 : i32
      %get3A_1308 = arith.index_cast %get3A_1307 : i32 to index
      %get3A_1309 = arith.constant 32 : index
      %get3A_1310 = tpu.vector_load %arg6[%get3A_1308, %get3A_1309] {strides = array<i32>} : memref<80x64xf32, #tpu.memory_space<vmem>>, vector<1x16xf32>,
      %get3A_1311 = vector.shape_cast %get3A_1310 : vector<1x16xf32> to vector<16xf32>
      %add3A_1312 = arith.addf %add3A_1306, %get3A_1311 : vector<16xf32>
      %get3A_1313 = arith.constant 43 : i32
      %get3A_1314 = arith.index_cast %get3A_1313 : i32 to index
      %get3A_1315 = arith.constant 32 : index
      %get3A_1316 = tpu.vector_load %arg6[%get3A_1314, %get3A_1315] {strides = array<i32>} : memref<80x64xf32, #tpu.memory_space<vmem>>, vector<1x16xf32>,
      %get3A_1317 = vector.shape_cast %get3A_1316 : vector<1x16xf32> to vector<16xf32>
      %add3A_1318 = arith.addf %add3A_1312, %get3A_1317 : vector<16xf32>
      %get3A_1319 = arith.constant 44 : i32
      %get3A_1320 = arith.index_cast %get3A_1319 : i32 to index
      %get3A_1321 = arith.constant 32 : index
      %get3A_1322 = tpu.vector_load %arg6[%get3A_1320, %get3A_1321] {strides = array<i32>} : memref<80x64xf32, #tpu.memory_space<vmem>>, vector<1x16xf32>,
      %get3A_1323 = vector.shape_cast %get3A_1322 : vector<1x16xf32> to vector<16xf32>
      %add3A_1324 = arith.addf %add3A_1318, %get3A_1323 : vector<16xf32>
      %get3A_1325 = arith.constant 45 : i32
      %get3A_1326 = arith.index_cast %get3A_1325 : i32 to index
      %get3A_1327 = arith.constant 32 : index
      %get3A_1328 = tpu.vector_load %arg6[%get3A_1326, %get3A_1327] {strides = array<i32>} : memref<80x64xf32, #tpu.memory_space<vmem>>, vector<1x16xf32>,
      %get3A_1329 = vector.shape_cast %get3A_1328 : vector<1x16xf32> to vector<16xf32>
      %add3A_1330 = arith.addf %add3A_1324, %get3A_1329 : vector<16xf32>
      %get3A_1331 = arith.constant 46 : i32
      %get3A_1332 = arith.index_cast %get3A_1331 : i32 to index
      %get3A_1333 = arith.constant 32 : index
      %get3A_1334 = tpu.vector_load %arg6[%get3A_1332, %get3A_1333] {strides = array<i32>} : memref<80x64xf32, #tpu.memory_space<vmem>>, vector<1x16xf32>,
      %get3A_1335 = vector.shape_cast %get3A_1334 : vector<1x16xf32> to vector<16xf32>
      %add3A_1336 = arith.addf %add3A_1330, %get3A_1335 : vector<16xf32>
      %get3A_1337 = arith.constant 47 : i32
      %get3A_1338 = arith.index_cast %get3A_1337 : i32 to index
      %get3A_1339 = arith.constant 32 : index
      %get3A_1340 = tpu.vector_load %arg6[%get3A_1338, %get3A_1339] {strides = array<i32>} : memref<80x64xf32, #tpu.memory_space<vmem>>, vector<1x16xf32>,
      %get3A_1341 = vector.shape_cast %get3A_1340 : vector<1x16xf32> to vector<16xf32>
      %add3A_1342 = arith.addf %add3A_1336, %get3A_1341 : vector<16xf32>
      %get3A_1343 = arith.constant 48 : i32
      %get3A_1344 = arith.index_cast %get3A_1343 : i32 to index
      %get3A_1345 = arith.constant 32 : index
      %get3A_1346 = tpu.vector_load %arg6[%get3A_1344, %get3A_1345] {strides = array<i32>} : memref<80x64xf32, #tpu.memory_space<vmem>>, vector<1x16xf32>,
      %get3A_1347 = vector.shape_cast %get3A_1346 : vector<1x16xf32> to vector<16xf32>
      %add3A_1348 = arith.addf %add3A_1342, %get3A_1347 : vector<16xf32>
      %get3A_1349 = arith.constant 49 : i32
      %get3A_1350 = arith.index_cast %get3A_1349 : i32 to index
      %get3A_1351 = arith.constant 32 : index
      %get3A_1352 = tpu.vector_load %arg6[%get3A_1350, %get3A_1351] {strides = array<i32>} : memref<80x64xf32, #tpu.memory_space<vmem>>, vector<1x16xf32>,
      %get3A_1353 = vector.shape_cast %get3A_1352 : vector<1x16xf32> to vector<16xf32>
      %add3A_1354 = arith.addf %add3A_1348, %get3A_1353 : vector<16xf32>
      %get3A_1355 = arith.constant 50 : i32
      %get3A_1356 = arith.index_cast %get3A_1355 : i32 to index
      %get3A_1357 = arith.constant 32 : index
      %get3A_1358 = tpu.vector_load %arg6[%get3A_1356, %get3A_1357] {strides = array<i32>} : memref<80x64xf32, #tpu.memory_space<vmem>>, vector<1x16xf32>,
      %get3A_1359 = vector.shape_cast %get3A_1358 : vector<1x16xf32> to vector<16xf32>
      %add3A_1360 = arith.addf %add3A_1354, %get3A_1359 : vector<16xf32>
      %get3A_1361 = arith.constant 51 : i32
      %get3A_1362 = arith.index_cast %get3A_1361 : i32 to index
      %get3A_1363 = arith.constant 32 : index
      %get3A_1364 = tpu.vector_load %arg6[%get3A_1362, %get3A_1363] {strides = array<i32>} : memref<80x64xf32, #tpu.memory_space<vmem>>, vector<1x16xf32>,
      %get3A_1365 = vector.shape_cast %get3A_1364 : vector<1x16xf32> to vector<16xf32>
      %add3A_1366 = arith.addf %add3A_1360, %get3A_1365 : vector<16xf32>
      %get3A_1367 = arith.constant 52 : i32
      %get3A_1368 = arith.index_cast %get3A_1367 : i32 to index
      %get3A_1369 = arith.constant 32 : index
      %get3A_1370 = tpu.vector_load %arg6[%get3A_1368, %get3A_1369] {strides = array<i32>} : memref<80x64xf32, #tpu.memory_space<vmem>>, vector<1x16xf32>,
      %get3A_1371 = vector.shape_cast %get3A_1370 : vector<1x16xf32> to vector<16xf32>
      %add3A_1372 = arith.addf %add3A_1366, %get3A_1371 : vector<16xf32>
      %get3A_1373 = arith.constant 53 : i32
      %get3A_1374 = arith.index_cast %get3A_1373 : i32 to index
      %get3A_1375 = arith.constant 32 : index
      %get3A_1376 = tpu.vector_load %arg6[%get3A_1374, %get3A_1375] {strides = array<i32>} : memref<80x64xf32, #tpu.memory_space<vmem>>, vector<1x16xf32>,
      %get3A_1377 = vector.shape_cast %get3A_1376 : vector<1x16xf32> to vector<16xf32>
      %add3A_1378 = arith.addf %add3A_1372, %get3A_1377 : vector<16xf32>
      %get3A_1379 = arith.constant 54 : i32
      %get3A_1380 = arith.index_cast %get3A_1379 : i32 to index
      %get3A_1381 = arith.constant 32 : index
      %get3A_1382 = tpu.vector_load %arg6[%get3A_1380, %get3A_1381] {strides = array<i32>} : memref<80x64xf32, #tpu.memory_space<vmem>>, vector<1x16xf32>,
      %get3A_1383 = vector.shape_cast %get3A_1382 : vector<1x16xf32> to vector<16xf32>
      %add3A_1384 = arith.addf %add3A_1378, %get3A_1383 : vector<16xf32>
      %get3A_1385 = arith.constant 55 : i32
      %get3A_1386 = arith.index_cast %get3A_1385 : i32 to index
      %get3A_1387 = arith.constant 32 : index
      %get3A_1388 = tpu.vector_load %arg6[%get3A_1386, %get3A_1387] {strides = array<i32>} : memref<80x64xf32, #tpu.memory_space<vmem>>, vector<1x16xf32>,
      %get3A_1389 = vector.shape_cast %get3A_1388 : vector<1x16xf32> to vector<16xf32>
      %add3A_1390 = arith.addf %add3A_1384, %get3A_1389 : vector<16xf32>
      %get3A_1391 = arith.constant 56 : i32
      %get3A_1392 = arith.index_cast %get3A_1391 : i32 to index
      %get3A_1393 = arith.constant 32 : index
      %get3A_1394 = tpu.vector_load %arg6[%get3A_1392, %get3A_1393] {strides = array<i32>} : memref<80x64xf32, #tpu.memory_space<vmem>>, vector<1x16xf32>,
      %get3A_1395 = vector.shape_cast %get3A_1394 : vector<1x16xf32> to vector<16xf32>
      %add3A_1396 = arith.addf %add3A_1390, %get3A_1395 : vector<16xf32>
      %get3A_1397 = arith.constant 57 : i32
      %get3A_1398 = arith.index_cast %get3A_1397 : i32 to index
      %get3A_1399 = arith.constant 32 : index
      %get3A_1400 = tpu.vector_load %arg6[%get3A_1398, %get3A_1399] {strides = array<i32>} : memref<80x64xf32, #tpu.memory_space<vmem>>, vector<1x16xf32>,
      %get3A_1401 = vector.shape_cast %get3A_1400 : vector<1x16xf32> to vector<16xf32>
      %add3A_1402 = arith.addf %add3A_1396, %get3A_1401 : vector<16xf32>
      %get3A_1403 = arith.constant 58 : i32
      %get3A_1404 = arith.index_cast %get3A_1403 : i32 to index
      %get3A_1405 = arith.constant 32 : index
      %get3A_1406 = tpu.vector_load %arg6[%get3A_1404, %get3A_1405] {strides = array<i32>} : memref<80x64xf32, #tpu.memory_space<vmem>>, vector<1x16xf32>,
      %get3A_1407 = vector.shape_cast %get3A_1406 : vector<1x16xf32> to vector<16xf32>
      %add3A_1408 = arith.addf %add3A_1402, %get3A_1407 : vector<16xf32>
      %get3A_1409 = arith.constant 59 : i32
      %get3A_1410 = arith.index_cast %get3A_1409 : i32 to index
      %get3A_1411 = arith.constant 32 : index
      %get3A_1412 = tpu.vector_load %arg6[%get3A_1410, %get3A_1411] {strides = array<i32>} : memref<80x64xf32, #tpu.memory_space<vmem>>, vector<1x16xf32>,
      %get3A_1413 = vector.shape_cast %get3A_1412 : vector<1x16xf32> to vector<16xf32>
      %add3A_1414 = arith.addf %add3A_1408, %get3A_1413 : vector<16xf32>
      %mul3A_1415 = arith.constant 5.000000e-02 : f32
      %mul3A_1416 = vector.broadcast %mul3A_1415 : f32 to vector<16xf32>
      %mul3A_1417 = arith.mulf %add3A_1414, %mul3A_1416 : vector<16xf32>
      %swap3A_1418 = arith.constant 2 : i32
      %swap3A_1419 = arith.index_cast %swap3A_1418 : i32 to index
      %swap3A_1420 = arith.constant 32 : index
      %swap3A_1421 = tpu.vector_load %arg7[%swap3A_1419, %swap3A_1420] {strides = array<i32>} : memref<4x64xf32, #tpu.memory_space<vmem>>, vector<1x16xf32>,
      %swap3A_1422 = vector.shape_cast %swap3A_1421 : vector<1x16xf32> to vector<16xf32>
      %swap3A_1423 = vector.shape_cast %mul3A_1417 : vector<16xf32> to vector<1x16xf32>
      tpu.vector_store %arg7[%swap3A_1419, %swap3A_1420], %swap3A_1423 {strides = array<i32>} : memref<4x64xf32, #tpu.memory_space<vmem>>, vector<1x16xf32>,
      %get3A_1424 = arith.constant 40 : i32
      %get3A_1425 = arith.index_cast %get3A_1424 : i32 to index
      %get3A_1426 = arith.constant 48 : index
      %get3A_1427 = tpu.vector_load %arg6[%get3A_1425, %get3A_1426] {strides = array<i32>} : memref<80x64xf32, #tpu.memory_space<vmem>>, vector<1x16xf32>,
      %get3A_1428 = vector.shape_cast %get3A_1427 : vector<1x16xf32> to vector<16xf32>
      %get3A_1429 = arith.constant 41 : i32
      %get3A_1430 = arith.index_cast %get3A_1429 : i32 to index
      %get3A_1431 = arith.constant 48 : index
      %get3A_1432 = tpu.vector_load %arg6[%get3A_1430, %get3A_1431] {strides = array<i32>} : memref<80x64xf32, #tpu.memory_space<vmem>>, vector<1x16xf32>,
      %get3A_1433 = vector.shape_cast %get3A_1432 : vector<1x16xf32> to vector<16xf32>
      %add3A_1434 = arith.addf %get3A_1428, %get3A_1433 : vector<16xf32>
      %get3A_1435 = arith.constant 42 : i32
      %get3A_1436 = arith.index_cast %get3A_1435 : i32 to index
      %get3A_1437 = arith.constant 48 : index
      %get3A_1438 = tpu.vector_load %arg6[%get3A_1436, %get3A_1437] {strides = array<i32>} : memref<80x64xf32, #tpu.memory_space<vmem>>, vector<1x16xf32>,
      %get3A_1439 = vector.shape_cast %get3A_1438 : vector<1x16xf32> to vector<16xf32>
      %add3A_1440 = arith.addf %add3A_1434, %get3A_1439 : vector<16xf32>
      %get3A_1441 = arith.constant 43 : i32
      %get3A_1442 = arith.index_cast %get3A_1441 : i32 to index
      %get3A_1443 = arith.constant 48 : index
      %get3A_1444 = tpu.vector_load %arg6[%get3A_1442, %get3A_1443] {strides = array<i32>} : memref<80x64xf32, #tpu.memory_space<vmem>>, vector<1x16xf32>,
      %get3A_1445 = vector.shape_cast %get3A_1444 : vector<1x16xf32> to vector<16xf32>
      %add3A_1446 = arith.addf %add3A_1440, %get3A_1445 : vector<16xf32>
      %get3A_1447 = arith.constant 44 : i32
      %get3A_1448 = arith.index_cast %get3A_1447 : i32 to index
      %get3A_1449 = arith.constant 48 : index
      %get3A_1450 = tpu.vector_load %arg6[%get3A_1448, %get3A_1449] {strides = array<i32>} : memref<80x64xf32, #tpu.memory_space<vmem>>, vector<1x16xf32>,
      %get3A_1451 = vector.shape_cast %get3A_1450 : vector<1x16xf32> to vector<16xf32>
      %add3A_1452 = arith.addf %add3A_1446, %get3A_1451 : vector<16xf32>
      %get3A_1453 = arith.constant 45 : i32
      %get3A_1454 = arith.index_cast %get3A_1453 : i32 to index
      %get3A_1455 = arith.constant 48 : index
      %get3A_1456 = tpu.vector_load %arg6[%get3A_1454, %get3A_1455] {strides = array<i32>} : memref<80x64xf32, #tpu.memory_space<vmem>>, vector<1x16xf32>,
      %get3A_1457 = vector.shape_cast %get3A_1456 : vector<1x16xf32> to vector<16xf32>
      %add3A_1458 = arith.addf %add3A_1452, %get3A_1457 : vector<16xf32>
      %get3A_1459 = arith.constant 46 : i32
      %get3A_1460 = arith.index_cast %get3A_1459 : i32 to index
      %get3A_1461 = arith.constant 48 : index
      %get3A_1462 = tpu.vector_load %arg6[%get3A_1460, %get3A_1461] {strides = array<i32>} : memref<80x64xf32, #tpu.memory_space<vmem>>, vector<1x16xf32>,
      %get3A_1463 = vector.shape_cast %get3A_1462 : vector<1x16xf32> to vector<16xf32>
      %add3A_1464 = arith.addf %add3A_1458, %get3A_1463 : vector<16xf32>
      %get3A_1465 = arith.constant 47 : i32
      %get3A_1466 = arith.index_cast %get3A_1465 : i32 to index
      %get3A_1467 = arith.constant 48 : index
      %get3A_1468 = tpu.vector_load %arg6[%get3A_1466, %get3A_1467] {strides = array<i32>} : memref<80x64xf32, #tpu.memory_space<vmem>>, vector<1x16xf32>,
      %get3A_1469 = vector.shape_cast %get3A_1468 : vector<1x16xf32> to vector<16xf32>
      %add3A_1470 = arith.addf %add3A_1464, %get3A_1469 : vector<16xf32>
      %get3A_1471 = arith.constant 48 : i32
      %get3A_1472 = arith.index_cast %get3A_1471 : i32 to index
      %get3A_1473 = arith.constant 48 : index
      %get3A_1474 = tpu.vector_load %arg6[%get3A_1472, %get3A_1473] {strides = array<i32>} : memref<80x64xf32, #tpu.memory_space<vmem>>, vector<1x16xf32>,
      %get3A_1475 = vector.shape_cast %get3A_1474 : vector<1x16xf32> to vector<16xf32>
      %add3A_1476 = arith.addf %add3A_1470, %get3A_1475 : vector<16xf32>
      %get3A_1477 = arith.constant 49 : i32
      %get3A_1478 = arith.index_cast %get3A_1477 : i32 to index
      %get3A_1479 = arith.constant 48 : index
      %get3A_1480 = tpu.vector_load %arg6[%get3A_1478, %get3A_1479] {strides = array<i32>} : memref<80x64xf32, #tpu.memory_space<vmem>>, vector<1x16xf32>,
      %get3A_1481 = vector.shape_cast %get3A_1480 : vector<1x16xf32> to vector<16xf32>
      %add3A_1482 = arith.addf %add3A_1476, %get3A_1481 : vector<16xf32>
      %get3A_1483 = arith.constant 50 : i32
      %get3A_1484 = arith.index_cast %get3A_1483 : i32 to index
      %get3A_1485 = arith.constant 48 : index
      %get3A_1486 = tpu.vector_load %arg6[%get3A_1484, %get3A_1485] {strides = array<i32>} : memref<80x64xf32, #tpu.memory_space<vmem>>, vector<1x16xf32>,
      %get3A_1487 = vector.shape_cast %get3A_1486 : vector<1x16xf32> to vector<16xf32>
      %add3A_1488 = arith.addf %add3A_1482, %get3A_1487 : vector<16xf32>
      %get3A_1489 = arith.constant 51 : i32
      %get3A_1490 = arith.index_cast %get3A_1489 : i32 to index
      %get3A_1491 = arith.constant 48 : index
      %get3A_1492 = tpu.vector_load %arg6[%get3A_1490, %get3A_1491] {strides = array<i32>} : memref<80x64xf32, #tpu.memory_space<vmem>>, vector<1x16xf32>,
      %get3A_1493 = vector.shape_cast %get3A_1492 : vector<1x16xf32> to vector<16xf32>
      %add3A_1494 = arith.addf %add3A_1488, %get3A_1493 : vector<16xf32>
      %get3A_1495 = arith.constant 52 : i32
      %get3A_1496 = arith.index_cast %get3A_1495 : i32 to index
      %get3A_1497 = arith.constant 48 : index
      %get3A_1498 = tpu.vector_load %arg6[%get3A_1496, %get3A_1497] {strides = array<i32>} : memref<80x64xf32, #tpu.memory_space<vmem>>, vector<1x16xf32>,
      %get3A_1499 = vector.shape_cast %get3A_1498 : vector<1x16xf32> to vector<16xf32>
      %add3A_1500 = arith.addf %add3A_1494, %get3A_1499 : vector<16xf32>
      %get3A_1501 = arith.constant 53 : i32
      %get3A_1502 = arith.index_cast %get3A_1501 : i32 to index
      %get3A_1503 = arith.constant 48 : index
      %get3A_1504 = tpu.vector_load %arg6[%get3A_1502, %get3A_1503] {strides = array<i32>} : memref<80x64xf32, #tpu.memory_space<vmem>>, vector<1x16xf32>,
      %get3A_1505 = vector.shape_cast %get3A_1504 : vector<1x16xf32> to vector<16xf32>
      %add3A_1506 = arith.addf %add3A_1500, %get3A_1505 : vector<16xf32>
      %get3A_1507 = arith.constant 54 : i32
      %get3A_1508 = arith.index_cast %get3A_1507 : i32 to index
      %get3A_1509 = arith.constant 48 : index
      %get3A_1510 = tpu.vector_load %arg6[%get3A_1508, %get3A_1509] {strides = array<i32>} : memref<80x64xf32, #tpu.memory_space<vmem>>, vector<1x16xf32>,
      %get3A_1511 = vector.shape_cast %get3A_1510 : vector<1x16xf32> to vector<16xf32>
      %add3A_1512 = arith.addf %add3A_1506, %get3A_1511 : vector<16xf32>
      %get3A_1513 = arith.constant 55 : i32
      %get3A_1514 = arith.index_cast %get3A_1513 : i32 to index
      %get3A_1515 = arith.constant 48 : index
      %get3A_1516 = tpu.vector_load %arg6[%get3A_1514, %get3A_1515] {strides = array<i32>} : memref<80x64xf32, #tpu.memory_space<vmem>>, vector<1x16xf32>,
      %get3A_1517 = vector.shape_cast %get3A_1516 : vector<1x16xf32> to vector<16xf32>
      %add3A_1518 = arith.addf %add3A_1512, %get3A_1517 : vector<16xf32>
      %get3A_1519 = arith.constant 56 : i32
      %get3A_1520 = arith.index_cast %get3A_1519 : i32 to index
      %get3A_1521 = arith.constant 48 : index
      %get3A_1522 = tpu.vector_load %arg6[%get3A_1520, %get3A_1521] {strides = array<i32>} : memref<80x64xf32, #tpu.memory_space<vmem>>, vector<1x16xf32>,
      %get3A_1523 = vector.shape_cast %get3A_1522 : vector<1x16xf32> to vector<16xf32>
      %add3A_1524 = arith.addf %add3A_1518, %get3A_1523 : vector<16xf32>
      %get3A_1525 = arith.constant 57 : i32
      %get3A_1526 = arith.index_cast %get3A_1525 : i32 to index
      %get3A_1527 = arith.constant 48 : index
      %get3A_1528 = tpu.vector_load %arg6[%get3A_1526, %get3A_1527] {strides = array<i32>} : memref<80x64xf32, #tpu.memory_space<vmem>>, vector<1x16xf32>,
      %get3A_1529 = vector.shape_cast %get3A_1528 : vector<1x16xf32> to vector<16xf32>
      %add3A_1530 = arith.addf %add3A_1524, %get3A_1529 : vector<16xf32>
      %get3A_1531 = arith.constant 58 : i32
      %get3A_1532 = arith.index_cast %get3A_1531 : i32 to index
      %get3A_1533 = arith.constant 48 : index
      %get3A_1534 = tpu.vector_load %arg6[%get3A_1532, %get3A_1533] {strides = array<i32>} : memref<80x64xf32, #tpu.memory_space<vmem>>, vector<1x16xf32>,
      %get3A_1535 = vector.shape_cast %get3A_1534 : vector<1x16xf32> to vector<16xf32>
      %add3A_1536 = arith.addf %add3A_1530, %get3A_1535 : vector<16xf32>
      %get3A_1537 = arith.constant 59 : i32
      %get3A_1538 = arith.index_cast %get3A_1537 : i32 to index
      %get3A_1539 = arith.constant 48 : index
      %get3A_1540 = tpu.vector_load %arg6[%get3A_1538, %get3A_1539] {strides = array<i32>} : memref<80x64xf32, #tpu.memory_space<vmem>>, vector<1x16xf32>,
      %get3A_1541 = vector.shape_cast %get3A_1540 : vector<1x16xf32> to vector<16xf32>
      %add3A_1542 = arith.addf %add3A_1536, %get3A_1541 : vector<16xf32>
      %mul3A_1543 = arith.constant 5.000000e-02 : f32
      %mul3A_1544 = vector.broadcast %mul3A_1543 : f32 to vector<16xf32>
      %mul3A_1545 = arith.mulf %add3A_1542, %mul3A_1544 : vector<16xf32>
      %swap3A_1546 = arith.constant 2 : i32
      %swap3A_1547 = arith.index_cast %swap3A_1546 : i32 to index
      %swap3A_1548 = arith.constant 48 : index
      %swap3A_1549 = tpu.vector_load %arg7[%swap3A_1547, %swap3A_1548] {strides = array<i32>} : memref<4x64xf32, #tpu.memory_space<vmem>>, vector<1x16xf32>,
      %swap3A_1550 = vector.shape_cast %swap3A_1549 : vector<1x16xf32> to vector<16xf32>
      %swap3A_1551 = vector.shape_cast %mul3A_1545 : vector<16xf32> to vector<1x16xf32>
      tpu.vector_store %arg7[%swap3A_1547, %swap3A_1548], %swap3A_1551 {strides = array<i32>} : memref<4x64xf32, #tpu.memory_space<vmem>>, vector<1x16xf32>,
      %get3A_1552 = arith.constant 60 : i32
      %get3A_1553 = arith.index_cast %get3A_1552 : i32 to index
      %get3A_1554 = arith.constant 0 : index
      %get3A_1555 = tpu.vector_load %arg6[%get3A_1553, %get3A_1554] {strides = array<i32>} : memref<80x64xf32, #tpu.memory_space<vmem>>, vector<1x16xf32>,
      %get3A_1556 = vector.shape_cast %get3A_1555 : vector<1x16xf32> to vector<16xf32>
      %get3A_1557 = arith.constant 61 : i32
      %get3A_1558 = arith.index_cast %get3A_1557 : i32 to index
      %get3A_1559 = arith.constant 0 : index
      %get3A_1560 = tpu.vector_load %arg6[%get3A_1558, %get3A_1559] {strides = array<i32>} : memref<80x64xf32, #tpu.memory_space<vmem>>, vector<1x16xf32>,
      %get3A_1561 = vector.shape_cast %get3A_1560 : vector<1x16xf32> to vector<16xf32>
      %add3A_1562 = arith.addf %get3A_1556, %get3A_1561 : vector<16xf32>
      %get3A_1563 = arith.constant 62 : i32
      %get3A_1564 = arith.index_cast %get3A_1563 : i32 to index
      %get3A_1565 = arith.constant 0 : index
      %get3A_1566 = tpu.vector_load %arg6[%get3A_1564, %get3A_1565] {strides = array<i32>} : memref<80x64xf32, #tpu.memory_space<vmem>>, vector<1x16xf32>,
      %get3A_1567 = vector.shape_cast %get3A_1566 : vector<1x16xf32> to vector<16xf32>
      %add3A_1568 = arith.addf %add3A_1562, %get3A_1567 : vector<16xf32>
      %get3A_1569 = arith.constant 63 : i32
      %get3A_1570 = arith.index_cast %get3A_1569 : i32 to index
      %get3A_1571 = arith.constant 0 : index
      %get3A_1572 = tpu.vector_load %arg6[%get3A_1570, %get3A_1571] {strides = array<i32>} : memref<80x64xf32, #tpu.memory_space<vmem>>, vector<1x16xf32>,
      %get3A_1573 = vector.shape_cast %get3A_1572 : vector<1x16xf32> to vector<16xf32>
      %add3A_1574 = arith.addf %add3A_1568, %get3A_1573 : vector<16xf32>
      %get3A_1575 = arith.constant 64 : i32
      %get3A_1576 = arith.index_cast %get3A_1575 : i32 to index
      %get3A_1577 = arith.constant 0 : index
      %get3A_1578 = tpu.vector_load %arg6[%get3A_1576, %get3A_1577] {strides = array<i32>} : memref<80x64xf32, #tpu.memory_space<vmem>>, vector<1x16xf32>,
      %get3A_1579 = vector.shape_cast %get3A_1578 : vector<1x16xf32> to vector<16xf32>
      %add3A_1580 = arith.addf %add3A_1574, %get3A_1579 : vector<16xf32>
      %get3A_1581 = arith.constant 65 : i32
      %get3A_1582 = arith.index_cast %get3A_1581 : i32 to index
      %get3A_1583 = arith.constant 0 : index
      %get3A_1584 = tpu.vector_load %arg6[%get3A_1582, %get3A_1583] {strides = array<i32>} : memref<80x64xf32, #tpu.memory_space<vmem>>, vector<1x16xf32>,
      %get3A_1585 = vector.shape_cast %get3A_1584 : vector<1x16xf32> to vector<16xf32>
      %add3A_1586 = arith.addf %add3A_1580, %get3A_1585 : vector<16xf32>
      %get3A_1587 = arith.constant 66 : i32
      %get3A_1588 = arith.index_cast %get3A_1587 : i32 to index
      %get3A_1589 = arith.constant 0 : index
      %get3A_1590 = tpu.vector_load %arg6[%get3A_1588, %get3A_1589] {strides = array<i32>} : memref<80x64xf32, #tpu.memory_space<vmem>>, vector<1x16xf32>,
      %get3A_1591 = vector.shape_cast %get3A_1590 : vector<1x16xf32> to vector<16xf32>
      %add3A_1592 = arith.addf %add3A_1586, %get3A_1591 : vector<16xf32>
      %get3A_1593 = arith.constant 67 : i32
      %get3A_1594 = arith.index_cast %get3A_1593 : i32 to index
      %get3A_1595 = arith.constant 0 : index
      %get3A_1596 = tpu.vector_load %arg6[%get3A_1594, %get3A_1595] {strides = array<i32>} : memref<80x64xf32, #tpu.memory_space<vmem>>, vector<1x16xf32>,
      %get3A_1597 = vector.shape_cast %get3A_1596 : vector<1x16xf32> to vector<16xf32>
      %add3A_1598 = arith.addf %add3A_1592, %get3A_1597 : vector<16xf32>
      %get3A_1599 = arith.constant 68 : i32
      %get3A_1600 = arith.index_cast %get3A_1599 : i32 to index
      %get3A_1601 = arith.constant 0 : index
      %get3A_1602 = tpu.vector_load %arg6[%get3A_1600, %get3A_1601] {strides = array<i32>} : memref<80x64xf32, #tpu.memory_space<vmem>>, vector<1x16xf32>,
      %get3A_1603 = vector.shape_cast %get3A_1602 : vector<1x16xf32> to vector<16xf32>
      %add3A_1604 = arith.addf %add3A_1598, %get3A_1603 : vector<16xf32>
      %get3A_1605 = arith.constant 69 : i32
      %get3A_1606 = arith.index_cast %get3A_1605 : i32 to index
      %get3A_1607 = arith.constant 0 : index
      %get3A_1608 = tpu.vector_load %arg6[%get3A_1606, %get3A_1607] {strides = array<i32>} : memref<80x64xf32, #tpu.memory_space<vmem>>, vector<1x16xf32>,
      %get3A_1609 = vector.shape_cast %get3A_1608 : vector<1x16xf32> to vector<16xf32>
      %add3A_1610 = arith.addf %add3A_1604, %get3A_1609 : vector<16xf32>
      %get3A_1611 = arith.constant 70 : i32
      %get3A_1612 = arith.index_cast %get3A_1611 : i32 to index
      %get3A_1613 = arith.constant 0 : index
      %get3A_1614 = tpu.vector_load %arg6[%get3A_1612, %get3A_1613] {strides = array<i32>} : memref<80x64xf32, #tpu.memory_space<vmem>>, vector<1x16xf32>,
      %get3A_1615 = vector.shape_cast %get3A_1614 : vector<1x16xf32> to vector<16xf32>
      %add3A_1616 = arith.addf %add3A_1610, %get3A_1615 : vector<16xf32>
      %get3A_1617 = arith.constant 71 : i32
      %get3A_1618 = arith.index_cast %get3A_1617 : i32 to index
      %get3A_1619 = arith.constant 0 : index
      %get3A_1620 = tpu.vector_load %arg6[%get3A_1618, %get3A_1619] {strides = array<i32>} : memref<80x64xf32, #tpu.memory_space<vmem>>, vector<1x16xf32>,
      %get3A_1621 = vector.shape_cast %get3A_1620 : vector<1x16xf32> to vector<16xf32>
      %add3A_1622 = arith.addf %add3A_1616, %get3A_1621 : vector<16xf32>
      %get3A_1623 = arith.constant 72 : i32
      %get3A_1624 = arith.index_cast %get3A_1623 : i32 to index
      %get3A_1625 = arith.constant 0 : index
      %get3A_1626 = tpu.vector_load %arg6[%get3A_1624, %get3A_1625] {strides = array<i32>} : memref<80x64xf32, #tpu.memory_space<vmem>>, vector<1x16xf32>,
      %get3A_1627 = vector.shape_cast %get3A_1626 : vector<1x16xf32> to vector<16xf32>
      %add3A_1628 = arith.addf %add3A_1622, %get3A_1627 : vector<16xf32>
      %get3A_1629 = arith.constant 73 : i32
      %get3A_1630 = arith.index_cast %get3A_1629 : i32 to index
      %get3A_1631 = arith.constant 0 : index
      %get3A_1632 = tpu.vector_load %arg6[%get3A_1630, %get3A_1631] {strides = array<i32>} : memref<80x64xf32, #tpu.memory_space<vmem>>, vector<1x16xf32>,
      %get3A_1633 = vector.shape_cast %get3A_1632 : vector<1x16xf32> to vector<16xf32>
      %add3A_1634 = arith.addf %add3A_1628, %get3A_1633 : vector<16xf32>
      %get3A_1635 = arith.constant 74 : i32
      %get3A_1636 = arith.index_cast %get3A_1635 : i32 to index
      %get3A_1637 = arith.constant 0 : index
      %get3A_1638 = tpu.vector_load %arg6[%get3A_1636, %get3A_1637] {strides = array<i32>} : memref<80x64xf32, #tpu.memory_space<vmem>>, vector<1x16xf32>,
      %get3A_1639 = vector.shape_cast %get3A_1638 : vector<1x16xf32> to vector<16xf32>
      %add3A_1640 = arith.addf %add3A_1634, %get3A_1639 : vector<16xf32>
      %get3A_1641 = arith.constant 75 : i32
      %get3A_1642 = arith.index_cast %get3A_1641 : i32 to index
      %get3A_1643 = arith.constant 0 : index
      %get3A_1644 = tpu.vector_load %arg6[%get3A_1642, %get3A_1643] {strides = array<i32>} : memref<80x64xf32, #tpu.memory_space<vmem>>, vector<1x16xf32>,
      %get3A_1645 = vector.shape_cast %get3A_1644 : vector<1x16xf32> to vector<16xf32>
      %add3A_1646 = arith.addf %add3A_1640, %get3A_1645 : vector<16xf32>
      %get3A_1647 = arith.constant 76 : i32
      %get3A_1648 = arith.index_cast %get3A_1647 : i32 to index
      %get3A_1649 = arith.constant 0 : index
      %get3A_1650 = tpu.vector_load %arg6[%get3A_1648, %get3A_1649] {strides = array<i32>} : memref<80x64xf32, #tpu.memory_space<vmem>>, vector<1x16xf32>,
      %get3A_1651 = vector.shape_cast %get3A_1650 : vector<1x16xf32> to vector<16xf32>
      %add3A_1652 = arith.addf %add3A_1646, %get3A_1651 : vector<16xf32>
      %get3A_1653 = arith.constant 77 : i32
      %get3A_1654 = arith.index_cast %get3A_1653 : i32 to index
      %get3A_1655 = arith.constant 0 : index
      %get3A_1656 = tpu.vector_load %arg6[%get3A_1654, %get3A_1655] {strides = array<i32>} : memref<80x64xf32, #tpu.memory_space<vmem>>, vector<1x16xf32>,
      %get3A_1657 = vector.shape_cast %get3A_1656 : vector<1x16xf32> to vector<16xf32>
      %add3A_1658 = arith.addf %add3A_1652, %get3A_1657 : vector<16xf32>
      %get3A_1659 = arith.constant 78 : i32
      %get3A_1660 = arith.index_cast %get3A_1659 : i32 to index
      %get3A_1661 = arith.constant 0 : index
      %get3A_1662 = tpu.vector_load %arg6[%get3A_1660, %get3A_1661] {strides = array<i32>} : memref<80x64xf32, #tpu.memory_space<vmem>>, vector<1x16xf32>,
      %get3A_1663 = vector.shape_cast %get3A_1662 : vector<1x16xf32> to vector<16xf32>
      %add3A_1664 = arith.addf %add3A_1658, %get3A_1663 : vector<16xf32>
      %get3A_1665 = arith.constant 79 : i32
      %get3A_1666 = arith.index_cast %get3A_1665 : i32 to index
      %get3A_1667 = arith.constant 0 : index
      %get3A_1668 = tpu.vector_load %arg6[%get3A_1666, %get3A_1667] {strides = array<i32>} : memref<80x64xf32, #tpu.memory_space<vmem>>, vector<1x16xf32>,
      %get3A_1669 = vector.shape_cast %get3A_1668 : vector<1x16xf32> to vector<16xf32>
      %add3A_1670 = arith.addf %add3A_1664, %get3A_1669 : vector<16xf32>
      %mul3A_1671 = arith.constant 5.000000e-02 : f32
      %mul3A_1672 = vector.broadcast %mul3A_1671 : f32 to vector<16xf32>
      %mul3A_1673 = arith.mulf %add3A_1670, %mul3A_1672 : vector<16xf32>
      %swap3A_1674 = arith.constant 3 : i32
      %swap3A_1675 = arith.index_cast %swap3A_1674 : i32 to index
      %swap3A_1676 = arith.constant 0 : index
      %swap3A_1677 = tpu.vector_load %arg7[%swap3A_1675, %swap3A_1676] {strides = array<i32>} : memref<4x64xf32, #tpu.memory_space<vmem>>, vector<1x16xf32>,
      %swap3A_1678 = vector.shape_cast %swap3A_1677 : vector<1x16xf32> to vector<16xf32>
      %swap3A_1679 = vector.shape_cast %mul3A_1673 : vector<16xf32> to vector<1x16xf32>
      tpu.vector_store %arg7[%swap3A_1675, %swap3A_1676], %swap3A_1679 {strides = array<i32>} : memref<4x64xf32, #tpu.memory_space<vmem>>, vector<1x16xf32>,
      %get3A_1680 = arith.constant 60 : i32
      %get3A_1681 = arith.index_cast %get3A_1680 : i32 to index
      %get3A_1682 = arith.constant 16 : index
      %get3A_1683 = tpu.vector_load %arg6[%get3A_1681, %get3A_1682] {strides = array<i32>} : memref<80x64xf32, #tpu.memory_space<vmem>>, vector<1x16xf32>,
      %get3A_1684 = vector.shape_cast %get3A_1683 : vector<1x16xf32> to vector<16xf32>
      %get3A_1685 = arith.constant 61 : i32
      %get3A_1686 = arith.index_cast %get3A_1685 : i32 to index
      %get3A_1687 = arith.constant 16 : index
      %get3A_1688 = tpu.vector_load %arg6[%get3A_1686, %get3A_1687] {strides = array<i32>} : memref<80x64xf32, #tpu.memory_space<vmem>>, vector<1x16xf32>,
      %get3A_1689 = vector.shape_cast %get3A_1688 : vector<1x16xf32> to vector<16xf32>
      %add3A_1690 = arith.addf %get3A_1684, %get3A_1689 : vector<16xf32>
      %get3A_1691 = arith.constant 62 : i32
      %get3A_1692 = arith.index_cast %get3A_1691 : i32 to index
      %get3A_1693 = arith.constant 16 : index
      %get3A_1694 = tpu.vector_load %arg6[%get3A_1692, %get3A_1693] {strides = array<i32>} : memref<80x64xf32, #tpu.memory_space<vmem>>, vector<1x16xf32>,
      %get3A_1695 = vector.shape_cast %get3A_1694 : vector<1x16xf32> to vector<16xf32>
      %add3A_1696 = arith.addf %add3A_1690, %get3A_1695 : vector<16xf32>
      %get3A_1697 = arith.constant 63 : i32
      %get3A_1698 = arith.index_cast %get3A_1697 : i32 to index
      %get3A_1699 = arith.constant 16 : index
      %get3A_1700 = tpu.vector_load %arg6[%get3A_1698, %get3A_1699] {strides = array<i32>} : memref<80x64xf32, #tpu.memory_space<vmem>>, vector<1x16xf32>,
      %get3A_1701 = vector.shape_cast %get3A_1700 : vector<1x16xf32> to vector<16xf32>
      %add3A_1702 = arith.addf %add3A_1696, %get3A_1701 : vector<16xf32>
      %get3A_1703 = arith.constant 64 : i32
      %get3A_1704 = arith.index_cast %get3A_1703 : i32 to index
      %get3A_1705 = arith.constant 16 : index
      %get3A_1706 = tpu.vector_load %arg6[%get3A_1704, %get3A_1705] {strides = array<i32>} : memref<80x64xf32, #tpu.memory_space<vmem>>, vector<1x16xf32>,
      %get3A_1707 = vector.shape_cast %get3A_1706 : vector<1x16xf32> to vector<16xf32>
      %add3A_1708 = arith.addf %add3A_1702, %get3A_1707 : vector<16xf32>
      %get3A_1709 = arith.constant 65 : i32
      %get3A_1710 = arith.index_cast %get3A_1709 : i32 to index
      %get3A_1711 = arith.constant 16 : index
      %get3A_1712 = tpu.vector_load %arg6[%get3A_1710, %get3A_1711] {strides = array<i32>} : memref<80x64xf32, #tpu.memory_space<vmem>>, vector<1x16xf32>,
      %get3A_1713 = vector.shape_cast %get3A_1712 : vector<1x16xf32> to vector<16xf32>
      %add3A_1714 = arith.addf %add3A_1708, %get3A_1713 : vector<16xf32>
      %get3A_1715 = arith.constant 66 : i32
      %get3A_1716 = arith.index_cast %get3A_1715 : i32 to index
      %get3A_1717 = arith.constant 16 : index
      %get3A_1718 = tpu.vector_load %arg6[%get3A_1716, %get3A_1717] {strides = array<i32>} : memref<80x64xf32, #tpu.memory_space<vmem>>, vector<1x16xf32>,
      %get3A_1719 = vector.shape_cast %get3A_1718 : vector<1x16xf32> to vector<16xf32>
      %add3A_1720 = arith.addf %add3A_1714, %get3A_1719 : vector<16xf32>
      %get3A_1721 = arith.constant 67 : i32
      %get3A_1722 = arith.index_cast %get3A_1721 : i32 to index
      %get3A_1723 = arith.constant 16 : index
      %get3A_1724 = tpu.vector_load %arg6[%get3A_1722, %get3A_1723] {strides = array<i32>} : memref<80x64xf32, #tpu.memory_space<vmem>>, vector<1x16xf32>,
      %get3A_1725 = vector.shape_cast %get3A_1724 : vector<1x16xf32> to vector<16xf32>
      %add3A_1726 = arith.addf %add3A_1720, %get3A_1725 : vector<16xf32>
      %get3A_1727 = arith.constant 68 : i32
      %get3A_1728 = arith.index_cast %get3A_1727 : i32 to index
      %get3A_1729 = arith.constant 16 : index
      %get3A_1730 = tpu.vector_load %arg6[%get3A_1728, %get3A_1729] {strides = array<i32>} : memref<80x64xf32, #tpu.memory_space<vmem>>, vector<1x16xf32>,
      %get3A_1731 = vector.shape_cast %get3A_1730 : vector<1x16xf32> to vector<16xf32>
      %add3A_1732 = arith.addf %add3A_1726, %get3A_1731 : vector<16xf32>
      %get3A_1733 = arith.constant 69 : i32
      %get3A_1734 = arith.index_cast %get3A_1733 : i32 to index
      %get3A_1735 = arith.constant 16 : index
      %get3A_1736 = tpu.vector_load %arg6[%get3A_1734, %get3A_1735] {strides = array<i32>} : memref<80x64xf32, #tpu.memory_space<vmem>>, vector<1x16xf32>,
      %get3A_1737 = vector.shape_cast %get3A_1736 : vector<1x16xf32> to vector<16xf32>
      %add3A_1738 = arith.addf %add3A_1732, %get3A_1737 : vector<16xf32>
      %get3A_1739 = arith.constant 70 : i32
      %get3A_1740 = arith.index_cast %get3A_1739 : i32 to index
      %get3A_1741 = arith.constant 16 : index
      %get3A_1742 = tpu.vector_load %arg6[%get3A_1740, %get3A_1741] {strides = array<i32>} : memref<80x64xf32, #tpu.memory_space<vmem>>, vector<1x16xf32>,
      %get3A_1743 = vector.shape_cast %get3A_1742 : vector<1x16xf32> to vector<16xf32>
      %add3A_1744 = arith.addf %add3A_1738, %get3A_1743 : vector<16xf32>
      %get3A_1745 = arith.constant 71 : i32
      %get3A_1746 = arith.index_cast %get3A_1745 : i32 to index
      %get3A_1747 = arith.constant 16 : index
      %get3A_1748 = tpu.vector_load %arg6[%get3A_1746, %get3A_1747] {strides = array<i32>} : memref<80x64xf32, #tpu.memory_space<vmem>>, vector<1x16xf32>,
      %get3A_1749 = vector.shape_cast %get3A_1748 : vector<1x16xf32> to vector<16xf32>
      %add3A_1750 = arith.addf %add3A_1744, %get3A_1749 : vector<16xf32>
      %get3A_1751 = arith.constant 72 : i32
      %get3A_1752 = arith.index_cast %get3A_1751 : i32 to index
      %get3A_1753 = arith.constant 16 : index
      %get3A_1754 = tpu.vector_load %arg6[%get3A_1752, %get3A_1753] {strides = array<i32>} : memref<80x64xf32, #tpu.memory_space<vmem>>, vector<1x16xf32>,
      %get3A_1755 = vector.shape_cast %get3A_1754 : vector<1x16xf32> to vector<16xf32>
      %add3A_1756 = arith.addf %add3A_1750, %get3A_1755 : vector<16xf32>
      %get3A_1757 = arith.constant 73 : i32
      %get3A_1758 = arith.index_cast %get3A_1757 : i32 to index
      %get3A_1759 = arith.constant 16 : index
      %get3A_1760 = tpu.vector_load %arg6[%get3A_1758, %get3A_1759] {strides = array<i32>} : memref<80x64xf32, #tpu.memory_space<vmem>>, vector<1x16xf32>,
      %get3A_1761 = vector.shape_cast %get3A_1760 : vector<1x16xf32> to vector<16xf32>
      %add3A_1762 = arith.addf %add3A_1756, %get3A_1761 : vector<16xf32>
      %get3A_1763 = arith.constant 74 : i32
      %get3A_1764 = arith.index_cast %get3A_1763 : i32 to index
      %get3A_1765 = arith.constant 16 : index
      %get3A_1766 = tpu.vector_load %arg6[%get3A_1764, %get3A_1765] {strides = array<i32>} : memref<80x64xf32, #tpu.memory_space<vmem>>, vector<1x16xf32>,
      %get3A_1767 = vector.shape_cast %get3A_1766 : vector<1x16xf32> to vector<16xf32>
      %add3A_1768 = arith.addf %add3A_1762, %get3A_1767 : vector<16xf32>
      %get3A_1769 = arith.constant 75 : i32
      %get3A_1770 = arith.index_cast %get3A_1769 : i32 to index
      %get3A_1771 = arith.constant 16 : index
      %get3A_1772 = tpu.vector_load %arg6[%get3A_1770, %get3A_1771] {strides = array<i32>} : memref<80x64xf32, #tpu.memory_space<vmem>>, vector<1x16xf32>,
      %get3A_1773 = vector.shape_cast %get3A_1772 : vector<1x16xf32> to vector<16xf32>
      %add3A_1774 = arith.addf %add3A_1768, %get3A_1773 : vector<16xf32>
      %get3A_1775 = arith.constant 76 : i32
      %get3A_1776 = arith.index_cast %get3A_1775 : i32 to index
      %get3A_1777 = arith.constant 16 : index
      %get3A_1778 = tpu.vector_load %arg6[%get3A_1776, %get3A_1777] {strides = array<i32>} : memref<80x64xf32, #tpu.memory_space<vmem>>, vector<1x16xf32>,
      %get3A_1779 = vector.shape_cast %get3A_1778 : vector<1x16xf32> to vector<16xf32>
      %add3A_1780 = arith.addf %add3A_1774, %get3A_1779 : vector<16xf32>
      %get3A_1781 = arith.constant 77 : i32
      %get3A_1782 = arith.index_cast %get3A_1781 : i32 to index
      %get3A_1783 = arith.constant 16 : index
      %get3A_1784 = tpu.vector_load %arg6[%get3A_1782, %get3A_1783] {strides = array<i32>} : memref<80x64xf32, #tpu.memory_space<vmem>>, vector<1x16xf32>,
      %get3A_1785 = vector.shape_cast %get3A_1784 : vector<1x16xf32> to vector<16xf32>
      %add3A_1786 = arith.addf %add3A_1780, %get3A_1785 : vector<16xf32>
      %get3A_1787 = arith.constant 78 : i32
      %get3A_1788 = arith.index_cast %get3A_1787 : i32 to index
      %get3A_1789 = arith.constant 16 : index
      %get3A_1790 = tpu.vector_load %arg6[%get3A_1788, %get3A_1789] {strides = array<i32>} : memref<80x64xf32, #tpu.memory_space<vmem>>, vector<1x16xf32>,
      %get3A_1791 = vector.shape_cast %get3A_1790 : vector<1x16xf32> to vector<16xf32>
      %add3A_1792 = arith.addf %add3A_1786, %get3A_1791 : vector<16xf32>
      %get3A_1793 = arith.constant 79 : i32
      %get3A_1794 = arith.index_cast %get3A_1793 : i32 to index
      %get3A_1795 = arith.constant 16 : index
      %get3A_1796 = tpu.vector_load %arg6[%get3A_1794, %get3A_1795] {strides = array<i32>} : memref<80x64xf32, #tpu.memory_space<vmem>>, vector<1x16xf32>,
      %get3A_1797 = vector.shape_cast %get3A_1796 : vector<1x16xf32> to vector<16xf32>
      %add3A_1798 = arith.addf %add3A_1792, %get3A_1797 : vector<16xf32>
      %mul3A_1799 = arith.constant 5.000000e-02 : f32
      %mul3A_1800 = vector.broadcast %mul3A_1799 : f32 to vector<16xf32>
      %mul3A_1801 = arith.mulf %add3A_1798, %mul3A_1800 : vector<16xf32>
      %swap3A_1802 = arith.constant 3 : i32
      %swap3A_1803 = arith.index_cast %swap3A_1802 : i32 to index
      %swap3A_1804 = arith.constant 16 : index
      %swap3A_1805 = tpu.vector_load %arg7[%swap3A_1803, %swap3A_1804] {strides = array<i32>} : memref<4x64xf32, #tpu.memory_space<vmem>>, vector<1x16xf32>,
      %swap3A_1806 = vector.shape_cast %swap3A_1805 : vector<1x16xf32> to vector<16xf32>
      %swap3A_1807 = vector.shape_cast %mul3A_1801 : vector<16xf32> to vector<1x16xf32>
      tpu.vector_store %arg7[%swap3A_1803, %swap3A_1804], %swap3A_1807 {strides = array<i32>} : memref<4x64xf32, #tpu.memory_space<vmem>>, vector<1x16xf32>,
      %get3A_1808 = arith.constant 60 : i32
      %get3A_1809 = arith.index_cast %get3A_1808 : i32 to index
      %get3A_1810 = arith.constant 32 : index
      %get3A_1811 = tpu.vector_load %arg6[%get3A_1809, %get3A_1810] {strides = array<i32>} : memref<80x64xf32, #tpu.memory_space<vmem>>, vector<1x16xf32>,
      %get3A_1812 = vector.shape_cast %get3A_1811 : vector<1x16xf32> to vector<16xf32>
      %get3A_1813 = arith.constant 61 : i32
      %get3A_1814 = arith.index_cast %get3A_1813 : i32 to index
      %get3A_1815 = arith.constant 32 : index
      %get3A_1816 = tpu.vector_load %arg6[%get3A_1814, %get3A_1815] {strides = array<i32>} : memref<80x64xf32, #tpu.memory_space<vmem>>, vector<1x16xf32>,
      %get3A_1817 = vector.shape_cast %get3A_1816 : vector<1x16xf32> to vector<16xf32>
      %add3A_1818 = arith.addf %get3A_1812, %get3A_1817 : vector<16xf32>
      %get3A_1819 = arith.constant 62 : i32
      %get3A_1820 = arith.index_cast %get3A_1819 : i32 to index
      %get3A_1821 = arith.constant 32 : index
      %get3A_1822 = tpu.vector_load %arg6[%get3A_1820, %get3A_1821] {strides = array<i32>} : memref<80x64xf32, #tpu.memory_space<vmem>>, vector<1x16xf32>,
      %get3A_1823 = vector.shape_cast %get3A_1822 : vector<1x16xf32> to vector<16xf32>
      %add3A_1824 = arith.addf %add3A_1818, %get3A_1823 : vector<16xf32>
      %get3A_1825 = arith.constant 63 : i32
      %get3A_1826 = arith.index_cast %get3A_1825 : i32 to index
      %get3A_1827 = arith.constant 32 : index
      %get3A_1828 = tpu.vector_load %arg6[%get3A_1826, %get3A_1827] {strides = array<i32>} : memref<80x64xf32, #tpu.memory_space<vmem>>, vector<1x16xf32>,
      %get3A_1829 = vector.shape_cast %get3A_1828 : vector<1x16xf32> to vector<16xf32>
      %add3A_1830 = arith.addf %add3A_1824, %get3A_1829 : vector<16xf32>
      %get3A_1831 = arith.constant 64 : i32
      %get3A_1832 = arith.index_cast %get3A_1831 : i32 to index
      %get3A_1833 = arith.constant 32 : index
      %get3A_1834 = tpu.vector_load %arg6[%get3A_1832, %get3A_1833] {strides = array<i32>} : memref<80x64xf32, #tpu.memory_space<vmem>>, vector<1x16xf32>,
      %get3A_1835 = vector.shape_cast %get3A_1834 : vector<1x16xf32> to vector<16xf32>
      %add3A_1836 = arith.addf %add3A_1830, %get3A_1835 : vector<16xf32>
      %get3A_1837 = arith.constant 65 : i32
      %get3A_1838 = arith.index_cast %get3A_1837 : i32 to index
      %get3A_1839 = arith.constant 32 : index
      %get3A_1840 = tpu.vector_load %arg6[%get3A_1838, %get3A_1839] {strides = array<i32>} : memref<80x64xf32, #tpu.memory_space<vmem>>, vector<1x16xf32>,
      %get3A_1841 = vector.shape_cast %get3A_1840 : vector<1x16xf32> to vector<16xf32>
      %add3A_1842 = arith.addf %add3A_1836, %get3A_1841 : vector<16xf32>
      %get3A_1843 = arith.constant 66 : i32
      %get3A_1844 = arith.index_cast %get3A_1843 : i32 to index
      %get3A_1845 = arith.constant 32 : index
      %get3A_1846 = tpu.vector_load %arg6[%get3A_1844, %get3A_1845] {strides = array<i32>} : memref<80x64xf32, #tpu.memory_space<vmem>>, vector<1x16xf32>,
      %get3A_1847 = vector.shape_cast %get3A_1846 : vector<1x16xf32> to vector<16xf32>
      %add3A_1848 = arith.addf %add3A_1842, %get3A_1847 : vector<16xf32>
      %get3A_1849 = arith.constant 67 : i32
      %get3A_1850 = arith.index_cast %get3A_1849 : i32 to index
      %get3A_1851 = arith.constant 32 : index
      %get3A_1852 = tpu.vector_load %arg6[%get3A_1850, %get3A_1851] {strides = array<i32>} : memref<80x64xf32, #tpu.memory_space<vmem>>, vector<1x16xf32>,
      %get3A_1853 = vector.shape_cast %get3A_1852 : vector<1x16xf32> to vector<16xf32>
      %add3A_1854 = arith.addf %add3A_1848, %get3A_1853 : vector<16xf32>
      %get3A_1855 = arith.constant 68 : i32
      %get3A_1856 = arith.index_cast %get3A_1855 : i32 to index
      %get3A_1857 = arith.constant 32 : index
      %get3A_1858 = tpu.vector_load %arg6[%get3A_1856, %get3A_1857] {strides = array<i32>} : memref<80x64xf32, #tpu.memory_space<vmem>>, vector<1x16xf32>,
      %get3A_1859 = vector.shape_cast %get3A_1858 : vector<1x16xf32> to vector<16xf32>
      %add3A_1860 = arith.addf %add3A_1854, %get3A_1859 : vector<16xf32>
      %get3A_1861 = arith.constant 69 : i32
      %get3A_1862 = arith.index_cast %get3A_1861 : i32 to index
      %get3A_1863 = arith.constant 32 : index
      %get3A_1864 = tpu.vector_load %arg6[%get3A_1862, %get3A_1863] {strides = array<i32>} : memref<80x64xf32, #tpu.memory_space<vmem>>, vector<1x16xf32>,
      %get3A_1865 = vector.shape_cast %get3A_1864 : vector<1x16xf32> to vector<16xf32>
      %add3A_1866 = arith.addf %add3A_1860, %get3A_1865 : vector<16xf32>
      %get3A_1867 = arith.constant 70 : i32
      %get3A_1868 = arith.index_cast %get3A_1867 : i32 to index
      %get3A_1869 = arith.constant 32 : index
      %get3A_1870 = tpu.vector_load %arg6[%get3A_1868, %get3A_1869] {strides = array<i32>} : memref<80x64xf32, #tpu.memory_space<vmem>>, vector<1x16xf32>,
      %get3A_1871 = vector.shape_cast %get3A_1870 : vector<1x16xf32> to vector<16xf32>
      %add3A_1872 = arith.addf %add3A_1866, %get3A_1871 : vector<16xf32>
      %get3A_1873 = arith.constant 71 : i32
      %get3A_1874 = arith.index_cast %get3A_1873 : i32 to index
      %get3A_1875 = arith.constant 32 : index
      %get3A_1876 = tpu.vector_load %arg6[%get3A_1874, %get3A_1875] {strides = array<i32>} : memref<80x64xf32, #tpu.memory_space<vmem>>, vector<1x16xf32>,
      %get3A_1877 = vector.shape_cast %get3A_1876 : vector<1x16xf32> to vector<16xf32>
      %add3A_1878 = arith.addf %add3A_1872, %get3A_1877 : vector<16xf32>
      %get3A_1879 = arith.constant 72 : i32
      %get3A_1880 = arith.index_cast %get3A_1879 : i32 to index
      %get3A_1881 = arith.constant 32 : index
      %get3A_1882 = tpu.vector_load %arg6[%get3A_1880, %get3A_1881] {strides = array<i32>} : memref<80x64xf32, #tpu.memory_space<vmem>>, vector<1x16xf32>,
      %get3A_1883 = vector.shape_cast %get3A_1882 : vector<1x16xf32> to vector<16xf32>
      %add3A_1884 = arith.addf %add3A_1878, %get3A_1883 : vector<16xf32>
      %get3A_1885 = arith.constant 73 : i32
      %get3A_1886 = arith.index_cast %get3A_1885 : i32 to index
      %get3A_1887 = arith.constant 32 : index
      %get3A_1888 = tpu.vector_load %arg6[%get3A_1886, %get3A_1887] {strides = array<i32>} : memref<80x64xf32, #tpu.memory_space<vmem>>, vector<1x16xf32>,
      %get3A_1889 = vector.shape_cast %get3A_1888 : vector<1x16xf32> to vector<16xf32>
      %add3A_1890 = arith.addf %add3A_1884, %get3A_1889 : vector<16xf32>
      %get3A_1891 = arith.constant 74 : i32
      %get3A_1892 = arith.index_cast %get3A_1891 : i32 to index
      %get3A_1893 = arith.constant 32 : index
      %get3A_1894 = tpu.vector_load %arg6[%get3A_1892, %get3A_1893] {strides = array<i32>} : memref<80x64xf32, #tpu.memory_space<vmem>>, vector<1x16xf32>,
      %get3A_1895 = vector.shape_cast %get3A_1894 : vector<1x16xf32> to vector<16xf32>
      %add3A_1896 = arith.addf %add3A_1890, %get3A_1895 : vector<16xf32>
      %get3A_1897 = arith.constant 75 : i32
      %get3A_1898 = arith.index_cast %get3A_1897 : i32 to index
      %get3A_1899 = arith.constant 32 : index
      %get3A_1900 = tpu.vector_load %arg6[%get3A_1898, %get3A_1899] {strides = array<i32>} : memref<80x64xf32, #tpu.memory_space<vmem>>, vector<1x16xf32>,
      %get3A_1901 = vector.shape_cast %get3A_1900 : vector<1x16xf32> to vector<16xf32>
      %add3A_1902 = arith.addf %add3A_1896, %get3A_1901 : vector<16xf32>
      %get3A_1903 = arith.constant 76 : i32
      %get3A_1904 = arith.index_cast %get3A_1903 : i32 to index
      %get3A_1905 = arith.constant 32 : index
      %get3A_1906 = tpu.vector_load %arg6[%get3A_1904, %get3A_1905] {strides = array<i32>} : memref<80x64xf32, #tpu.memory_space<vmem>>, vector<1x16xf32>,
      %get3A_1907 = vector.shape_cast %get3A_1906 : vector<1x16xf32> to vector<16xf32>
      %add3A_1908 = arith.addf %add3A_1902, %get3A_1907 : vector<16xf32>
      %get3A_1909 = arith.constant 77 : i32
      %get3A_1910 = arith.index_cast %get3A_1909 : i32 to index
      %get3A_1911 = arith.constant 32 : index
      %get3A_1912 = tpu.vector_load %arg6[%get3A_1910, %get3A_1911] {strides = array<i32>} : memref<80x64xf32, #tpu.memory_space<vmem>>, vector<1x16xf32>,
      %get3A_1913 = vector.shape_cast %get3A_1912 : vector<1x16xf32> to vector<16xf32>
      %add3A_1914 = arith.addf %add3A_1908, %get3A_1913 : vector<16xf32>
      %get3A_1915 = arith.constant 78 : i32
      %get3A_1916 = arith.index_cast %get3A_1915 : i32 to index
      %get3A_1917 = arith.constant 32 : index
      %get3A_1918 = tpu.vector_load %arg6[%get3A_1916, %get3A_1917] {strides = array<i32>} : memref<80x64xf32, #tpu.memory_space<vmem>>, vector<1x16xf32>,
      %get3A_1919 = vector.shape_cast %get3A_1918 : vector<1x16xf32> to vector<16xf32>
      %add3A_1920 = arith.addf %add3A_1914, %get3A_1919 : vector<16xf32>
      %get3A_1921 = arith.constant 79 : i32
      %get3A_1922 = arith.index_cast %get3A_1921 : i32 to index
      %get3A_1923 = arith.constant 32 : index
      %get3A_1924 = tpu.vector_load %arg6[%get3A_1922, %get3A_1923] {strides = array<i32>} : memref<80x64xf32, #tpu.memory_space<vmem>>, vector<1x16xf32>,
      %get3A_1925 = vector.shape_cast %get3A_1924 : vector<1x16xf32> to vector<16xf32>
      %add3A_1926 = arith.addf %add3A_1920, %get3A_1925 : vector<16xf32>
      %mul3A_1927 = arith.constant 5.000000e-02 : f32
      %mul3A_1928 = vector.broadcast %mul3A_1927 : f32 to vector<16xf32>
      %mul3A_1929 = arith.mulf %add3A_1926, %mul3A_1928 : vector<16xf32>
      %swap3A_1930 = arith.constant 3 : i32
      %swap3A_1931 = arith.index_cast %swap3A_1930 : i32 to index
      %swap3A_1932 = arith.constant 32 : index
      %swap3A_1933 = tpu.vector_load %arg7[%swap3A_1931, %swap3A_1932] {strides = array<i32>} : memref<4x64xf32, #tpu.memory_space<vmem>>, vector<1x16xf32>,
      %swap3A_1934 = vector.shape_cast %swap3A_1933 : vector<1x16xf32> to vector<16xf32>
      %swap3A_1935 = vector.shape_cast %mul3A_1929 : vector<16xf32> to vector<1x16xf32>
      tpu.vector_store %arg7[%swap3A_1931, %swap3A_1932], %swap3A_1935 {strides = array<i32>} : memref<4x64xf32, #tpu.memory_space<vmem>>, vector<1x16xf32>,
      %get3A_1936 = arith.constant 60 : i32
      %get3A_1937 = arith.index_cast %get3A_1936 : i32 to index
      %get3A_1938 = arith.constant 48 : index
      %get3A_1939 = tpu.vector_load %arg6[%get3A_1937, %get3A_1938] {strides = array<i32>} : memref<80x64xf32, #tpu.memory_space<vmem>>, vector<1x16xf32>,
      %get3A_1940 = vector.shape_cast %get3A_1939 : vector<1x16xf32> to vector<16xf32>
      %get3A_1941 = arith.constant 61 : i32
      %get3A_1942 = arith.index_cast %get3A_1941 : i32 to index
      %get3A_1943 = arith.constant 48 : index
      %get3A_1944 = tpu.vector_load %arg6[%get3A_1942, %get3A_1943] {strides = array<i32>} : memref<80x64xf32, #tpu.memory_space<vmem>>, vector<1x16xf32>,
      %get3A_1945 = vector.shape_cast %get3A_1944 : vector<1x16xf32> to vector<16xf32>
      %add3A_1946 = arith.addf %get3A_1940, %get3A_1945 : vector<16xf32>
      %get3A_1947 = arith.constant 62 : i32
      %get3A_1948 = arith.index_cast %get3A_1947 : i32 to index
      %get3A_1949 = arith.constant 48 : index
      %get3A_1950 = tpu.vector_load %arg6[%get3A_1948, %get3A_1949] {strides = array<i32>} : memref<80x64xf32, #tpu.memory_space<vmem>>, vector<1x16xf32>,
      %get3A_1951 = vector.shape_cast %get3A_1950 : vector<1x16xf32> to vector<16xf32>
      %add3A_1952 = arith.addf %add3A_1946, %get3A_1951 : vector<16xf32>
      %get3A_1953 = arith.constant 63 : i32
      %get3A_1954 = arith.index_cast %get3A_1953 : i32 to index
      %get3A_1955 = arith.constant 48 : index
      %get3A_1956 = tpu.vector_load %arg6[%get3A_1954, %get3A_1955] {strides = array<i32>} : memref<80x64xf32, #tpu.memory_space<vmem>>, vector<1x16xf32>,
      %get3A_1957 = vector.shape_cast %get3A_1956 : vector<1x16xf32> to vector<16xf32>
      %add3A_1958 = arith.addf %add3A_1952, %get3A_1957 : vector<16xf32>
      %get3A_1959 = arith.constant 64 : i32
      %get3A_1960 = arith.index_cast %get3A_1959 : i32 to index
      %get3A_1961 = arith.constant 48 : index
      %get3A_1962 = tpu.vector_load %arg6[%get3A_1960, %get3A_1961] {strides = array<i32>} : memref<80x64xf32, #tpu.memory_space<vmem>>, vector<1x16xf32>,
      %get3A_1963 = vector.shape_cast %get3A_1962 : vector<1x16xf32> to vector<16xf32>
      %add3A_1964 = arith.addf %add3A_1958, %get3A_1963 : vector<16xf32>
      %get3A_1965 = arith.constant 65 : i32
      %get3A_1966 = arith.index_cast %get3A_1965 : i32 to index
      %get3A_1967 = arith.constant 48 : index
      %get3A_1968 = tpu.vector_load %arg6[%get3A_1966, %get3A_1967] {strides = array<i32>} : memref<80x64xf32, #tpu.memory_space<vmem>>, vector<1x16xf32>,
      %get3A_1969 = vector.shape_cast %get3A_1968 : vector<1x16xf32> to vector<16xf32>
      %add3A_1970 = arith.addf %add3A_1964, %get3A_1969 : vector<16xf32>
      %get3A_1971 = arith.constant 66 : i32
      %get3A_1972 = arith.index_cast %get3A_1971 : i32 to index
      %get3A_1973 = arith.constant 48 : index
      %get3A_1974 = tpu.vector_load %arg6[%get3A_1972, %get3A_1973] {strides = array<i32>} : memref<80x64xf32, #tpu.memory_space<vmem>>, vector<1x16xf32>,
      %get3A_1975 = vector.shape_cast %get3A_1974 : vector<1x16xf32> to vector<16xf32>
      %add3A_1976 = arith.addf %add3A_1970, %get3A_1975 : vector<16xf32>
      %get3A_1977 = arith.constant 67 : i32
      %get3A_1978 = arith.index_cast %get3A_1977 : i32 to index
      %get3A_1979 = arith.constant 48 : index
      %get3A_1980 = tpu.vector_load %arg6[%get3A_1978, %get3A_1979] {strides = array<i32>} : memref<80x64xf32, #tpu.memory_space<vmem>>, vector<1x16xf32>,
      %get3A_1981 = vector.shape_cast %get3A_1980 : vector<1x16xf32> to vector<16xf32>
      %add3A_1982 = arith.addf %add3A_1976, %get3A_1981 : vector<16xf32>
      %get3A_1983 = arith.constant 68 : i32
      %get3A_1984 = arith.index_cast %get3A_1983 : i32 to index
      %get3A_1985 = arith.constant 48 : index
      %get3A_1986 = tpu.vector_load %arg6[%get3A_1984, %get3A_1985] {strides = array<i32>} : memref<80x64xf32, #tpu.memory_space<vmem>>, vector<1x16xf32>,
      %get3A_1987 = vector.shape_cast %get3A_1986 : vector<1x16xf32> to vector<16xf32>
      %add3A_1988 = arith.addf %add3A_1982, %get3A_1987 : vector<16xf32>
      %get3A_1989 = arith.constant 69 : i32
      %get3A_1990 = arith.index_cast %get3A_1989 : i32 to index
      %get3A_1991 = arith.constant 48 : index
      %get3A_1992 = tpu.vector_load %arg6[%get3A_1990, %get3A_1991] {strides = array<i32>} : memref<80x64xf32, #tpu.memory_space<vmem>>, vector<1x16xf32>,
      %get3A_1993 = vector.shape_cast %get3A_1992 : vector<1x16xf32> to vector<16xf32>
      %add3A_1994 = arith.addf %add3A_1988, %get3A_1993 : vector<16xf32>
      %get3A_1995 = arith.constant 70 : i32
      %get3A_1996 = arith.index_cast %get3A_1995 : i32 to index
      %get3A_1997 = arith.constant 48 : index
      %get3A_1998 = tpu.vector_load %arg6[%get3A_1996, %get3A_1997] {strides = array<i32>} : memref<80x64xf32, #tpu.memory_space<vmem>>, vector<1x16xf32>,
      %get3A_1999 = vector.shape_cast %get3A_1998 : vector<1x16xf32> to vector<16xf32>
      %add3A_2000 = arith.addf %add3A_1994, %get3A_1999 : vector<16xf32>
      %get3A_2001 = arith.constant 71 : i32
      %get3A_2002 = arith.index_cast %get3A_2001 : i32 to index
      %get3A_2003 = arith.constant 48 : index
      %get3A_2004 = tpu.vector_load %arg6[%get3A_2002, %get3A_2003] {strides = array<i32>} : memref<80x64xf32, #tpu.memory_space<vmem>>, vector<1x16xf32>,
      %get3A_2005 = vector.shape_cast %get3A_2004 : vector<1x16xf32> to vector<16xf32>
      %add3A_2006 = arith.addf %add3A_2000, %get3A_2005 : vector<16xf32>
      %get3A_2007 = arith.constant 72 : i32
      %get3A_2008 = arith.index_cast %get3A_2007 : i32 to index
      %get3A_2009 = arith.constant 48 : index
      %get3A_2010 = tpu.vector_load %arg6[%get3A_2008, %get3A_2009] {strides = array<i32>} : memref<80x64xf32, #tpu.memory_space<vmem>>, vector<1x16xf32>,
      %get3A_2011 = vector.shape_cast %get3A_2010 : vector<1x16xf32> to vector<16xf32>
      %add3A_2012 = arith.addf %add3A_2006, %get3A_2011 : vector<16xf32>
      %get3A_2013 = arith.constant 73 : i32
      %get3A_2014 = arith.index_cast %get3A_2013 : i32 to index
      %get3A_2015 = arith.constant 48 : index
      %get3A_2016 = tpu.vector_load %arg6[%get3A_2014, %get3A_2015] {strides = array<i32>} : memref<80x64xf32, #tpu.memory_space<vmem>>, vector<1x16xf32>,
      %get3A_2017 = vector.shape_cast %get3A_2016 : vector<1x16xf32> to vector<16xf32>
      %add3A_2018 = arith.addf %add3A_2012, %get3A_2017 : vector<16xf32>
      %get3A_2019 = arith.constant 74 : i32
      %get3A_2020 = arith.index_cast %get3A_2019 : i32 to index
      %get3A_2021 = arith.constant 48 : index
      %get3A_2022 = tpu.vector_load %arg6[%get3A_2020, %get3A_2021] {strides = array<i32>} : memref<80x64xf32, #tpu.memory_space<vmem>>, vector<1x16xf32>,
      %get3A_2023 = vector.shape_cast %get3A_2022 : vector<1x16xf32> to vector<16xf32>
      %add3A_2024 = arith.addf %add3A_2018, %get3A_2023 : vector<16xf32>
      %get3A_2025 = arith.constant 75 : i32
      %get3A_2026 = arith.index_cast %get3A_2025 : i32 to index
      %get3A_2027 = arith.constant 48 : index
      %get3A_2028 = tpu.vector_load %arg6[%get3A_2026, %get3A_2027] {strides = array<i32>} : memref<80x64xf32, #tpu.memory_space<vmem>>, vector<1x16xf32>,
      %get3A_2029 = vector.shape_cast %get3A_2028 : vector<1x16xf32> to vector<16xf32>
      %add3A_2030 = arith.addf %add3A_2024, %get3A_2029 : vector<16xf32>
      %get3A_2031 = arith.constant 76 : i32
      %get3A_2032 = arith.index_cast %get3A_2031 : i32 to index
      %get3A_2033 = arith.constant 48 : index
      %get3A_2034 = tpu.vector_load %arg6[%get3A_2032, %get3A_2033] {strides = array<i32>} : memref<80x64xf32, #tpu.memory_space<vmem>>, vector<1x16xf32>,
      %get3A_2035 = vector.shape_cast %get3A_2034 : vector<1x16xf32> to vector<16xf32>
      %add3A_2036 = arith.addf %add3A_2030, %get3A_2035 : vector<16xf32>
      %get3A_2037 = arith.constant 77 : i32
      %get3A_2038 = arith.index_cast %get3A_2037 : i32 to index
      %get3A_2039 = arith.constant 48 : index
      %get3A_2040 = tpu.vector_load %arg6[%get3A_2038, %get3A_2039] {strides = array<i32>} : memref<80x64xf32, #tpu.memory_space<vmem>>, vector<1x16xf32>,
      %get3A_2041 = vector.shape_cast %get3A_2040 : vector<1x16xf32> to vector<16xf32>
      %add3A_2042 = arith.addf %add3A_2036, %get3A_2041 : vector<16xf32>
      %get3A_2043 = arith.constant 78 : i32
      %get3A_2044 = arith.index_cast %get3A_2043 : i32 to index
      %get3A_2045 = arith.constant 48 : index
      %get3A_2046 = tpu.vector_load %arg6[%get3A_2044, %get3A_2045] {strides = array<i32>} : memref<80x64xf32, #tpu.memory_space<vmem>>, vector<1x16xf32>,
      %get3A_2047 = vector.shape_cast %get3A_2046 : vector<1x16xf32> to vector<16xf32>
      %add3A_2048 = arith.addf %add3A_2042, %get3A_2047 : vector<16xf32>
      %get3A_2049 = arith.constant 79 : i32
      %get3A_2050 = arith.index_cast %get3A_2049 : i32 to index
      %get3A_2051 = arith.constant 48 : index
      %get3A_2052 = tpu.vector_load %arg6[%get3A_2050, %get3A_2051] {strides = array<i32>} : memref<80x64xf32, #tpu.memory_space<vmem>>, vector<1x16xf32>,
      %get3A_2053 = vector.shape_cast %get3A_2052 : vector<1x16xf32> to vector<16xf32>
      %add3A_2054 = arith.addf %add3A_2048, %get3A_2053 : vector<16xf32>
      %mul3A_2055 = arith.constant 5.000000e-02 : f32
      %mul3A_2056 = vector.broadcast %mul3A_2055 : f32 to vector<16xf32>
      %mul3A_2057 = arith.mulf %add3A_2054, %mul3A_2056 : vector<16xf32>
      %swap3A_2058 = arith.constant 3 : i32
      %swap3A_2059 = arith.index_cast %swap3A_2058 : i32 to index
      %swap3A_2060 = arith.constant 48 : index
      %swap3A_2061 = tpu.vector_load %arg7[%swap3A_2059, %swap3A_2060] {strides = array<i32>} : memref<4x64xf32, #tpu.memory_space<vmem>>, vector<1x16xf32>,
      %swap3A_2062 = vector.shape_cast %swap3A_2061 : vector<1x16xf32> to vector<16xf32>
      %swap3A_2063 = vector.shape_cast %mul3A_2057 : vector<16xf32> to vector<1x16xf32>
      tpu.vector_store %arg7[%swap3A_2059, %swap3A_2060], %swap3A_2063 {strides = array<i32>} : memref<4x64xf32, #tpu.memory_space<vmem>>, vector<1x16xf32>,
      %mul3A_2064 = arith.constant 4 : i32
      %mul3A_2065 = arith.muli %scan3A_10, %mul3A_2064 : i32
      %add3A_2066 = arith.addi %mul3A_4, %mul3A_2065 : i32
      %multiple_of3A_2067 = tpu.assume_multiple %add3A_2066, 4 : i32
      "tpu.region"() ({
        %run_scoped3A = tpu.sem_alloc : memref<!tpu.dma_semaphore, #tpu.memory_space<semaphore_mem>>
        %dma_start3A_2068 = arith.constant 0 : i32
        %dma_start3A_2069 = tpu.memref_slice %arg4[%multiple_of3A_2067, %dma_start3A_2068] : memref<4096x64xf32, #tpu.memory_space<hbm>> -> memref<4x64xf32, #tpu.memory_space<hbm>>
        %dma_start3A_2070 = arith.constant 0 : i32
        %dma_start3A_2071 = tpu.memref_slice %arg4[%multiple_of3A_2067, %dma_start3A_2070] : memref<4096x64xf32, #tpu.memory_space<hbm>> -> memref<4x64xf32, #tpu.memory_space<hbm>>
        tpu.enqueue_dma source(%arg7 : memref<4x64xf32, #tpu.memory_space<vmem>>) target(%dma_start3A_2071 : memref<4x64xf32, #tpu.memory_space<hbm>>) target_semaphore(%run_scoped3A : memref<!tpu.dma_semaphore, #tpu.memory_space<semaphore_mem>>)
        %dma_wait3A_2072 = arith.constant 0 : i32
        %dma_wait3A_2073 = tpu.memref_slice %arg4[%multiple_of3A_2067, %dma_wait3A_2072] : memref<4096x64xf32, #tpu.memory_space<hbm>> -> memref<4x64xf32, #tpu.memory_space<hbm>>
        %dma_wait3A_2074 = arith.constant 0 : i32
        %dma_wait3A_2075 = tpu.memref_slice %arg4[%multiple_of3A_2067, %dma_wait3A_2074] : memref<4096x64xf32, #tpu.memory_space<hbm>> -> memref<4x64xf32, #tpu.memory_space<hbm>>
        tpu.wait_dma2 semaphore(%run_scoped3A : memref<!tpu.dma_semaphore, #tpu.memory_space<semaphore_mem>>) src(%arg7 : memref<4x64xf32, #tpu.memory_space<vmem>>) dst(%dma_wait3A_2075 : memref<4x64xf32, #tpu.memory_space<hbm>>)
        tpu.yield
      }) : () -> ()
    }
    %scan3A_9 = arith.constant 32 : i32
    return
  }
}

module attributes {stable_mosaic.version = 14 : i64} {
  func.func @_mm_body(%arg0: i32, %arg1: memref<4096x64xf32, #tpu.memory_space<vmem>>, %arg2: memref<512x64xf32, #tpu.memory_space<vmem>>, %arg3: memref<1x512xf32, #tpu.memory_space<vmem>>, %arg4: memref<160x64xf32, #tpu.memory_space<vmem>>, %arg5: memref<1x160xf32, #tpu.memory_space<vmem>>, %arg6: memref<4096x100000xf32, #tpu.memory_space<hbm>>, %arg7: memref<2x4096x512xf32, #tpu.memory_space<vmem>>, %arg8: memref<4096x160xf32, #tpu.memory_space<vmem>>, %arg9: memref<!tpu.dma_semaphore, #tpu.memory_space<semaphore_mem>>, %arg10: memref<!tpu.dma_semaphore, #tpu.memory_space<semaphore_mem>>, %arg11: memref<!tpu.dma_semaphore, #tpu.memory_space<semaphore_mem>>) attributes {dimension_semantics = [#tpu.dimension_semantics<arbitrary>], iteration_bounds = array<i64: 196>, scalar_prefetch = 0 : i64, scratch_operands = 5 : i64, tpu.core_type = #tpu.core_type<tc>, window_params = [{pipeline_mode = #tpu.pipeline_mode<synchronous>, transform_indices = @transform_0, window_bounds = array<i64: 4096, 64>}, {transform_indices = @transform_1, window_bounds = array<i64: 512, 64>}, {transform_indices = @transform_2, window_bounds = array<i64: 1, 512>}, {pipeline_mode = #tpu.pipeline_mode<synchronous>, transform_indices = @transform_3, window_bounds = array<i64: 160, 64>}, {pipeline_mode = #tpu.pipeline_mode<synchronous>, transform_indices = @transform_4, window_bounds = array<i64: 1, 160>}, {}]} {
    %lt3A = arith.constant 195 : i32
    %lt3A_0 = arith.cmpi slt, %arg0, %lt3A : i32
    %convert_element_type3A = arith.extui %lt3A_0 : i1 to i32
    %cond3A = arith.constant 0 : i32
    %cond3A_1 = arith.cmpi ne, %convert_element_type3A, %cond3A : i32
    scf.if %cond3A_1 {
      %get3A = arith.constant 0 : index
      %get3A_6 = arith.constant 0 : index
      %get3A_7 = vector.load %arg1[%get3A, %get3A_6] : memref<4096x64xf32, #tpu.memory_space<vmem>>, vector<4096x64xf32>
      %get3A_8 = arith.constant 0 : index
      %get3A_9 = arith.constant 0 : index
      %get3A_10 = vector.load %arg2[%get3A_8, %get3A_9] : memref<512x64xf32, #tpu.memory_space<vmem>>, vector<512x64xf32>
      %dot_general3A = arith.constant dense<0.000000e+00> : vector<4096x512xf32>
      %dot_general3A_11 = tpu.matmul %get3A_7, %get3A_10, %dot_general3A {dimension_numbers = #tpu.dot_dimension_numbers<[1], [1], [0], [0], [0, 0, 1, 0], [], []>, transpose_lhs_hint = false} : vector<4096x64xf32>, vector<512x64xf32>, vector<4096x512xf32> -> vector<4096x512xf32>
      %get3A_12 = arith.constant 0 : index
      %get3A_13 = arith.constant 0 : index
      %get3A_14 = vector.load %arg3[%get3A_12, %get3A_13] : memref<1x512xf32, #tpu.memory_space<vmem>>, vector<1x512xf32>
      %add3A = vector.broadcast %get3A_14 : vector<1x512xf32> to vector<4096x512xf32>
      %add3A_15 = arith.addf %dot_general3A_11, %add3A : vector<4096x512xf32>
      %rem3A = arith.constant 2 : i32
      %rem3A_16 = arith.remsi %arg0, %rem3A : i32
      %eq3A_17 = arith.constant 0 : i32
      %eq3A_18 = arith.cmpi eq, %rem3A_16, %eq3A_17 : i32
      %convert_element_type3A_19 = arith.extui %eq3A_18 : i1 to i32
      %cond3A_20 = arith.constant 0 : i32
      %cond3A_21 = arith.cmpi ne, %convert_element_type3A_19, %cond3A_20 : i32
      scf.if %cond3A_21 {
        %ge3A = arith.constant 2 : i32
        %ge3A_29 = arith.cmpi sge, %arg0, %ge3A : i32
        %convert_element_type3A_30 = arith.extui %ge3A_29 : i1 to i32
        %cond3A_31 = arith.constant 0 : i32
        %cond3A_32 = arith.cmpi ne, %convert_element_type3A_30, %cond3A_31 : i32
        scf.if %cond3A_32 {
          %sub3A = arith.constant 2 : i32
          %sub3A_45 = arith.subi %arg0, %sub3A : i32
          %mul3A_46 = arith.constant 512 : i32
          %mul3A_47 = arith.muli %sub3A_45, %mul3A_46 : i32
          %dma_wait3A = arith.constant 0 : i32
          %dma_wait3A_48 = arith.constant 0 : i32
          %dma_wait3A_49 = tpu.memref_slice %arg6[%dma_wait3A_48, %mul3A_47] : memref<4096x100000xf32, #tpu.memory_space<hbm>> -> memref<4096x512xf32, #tpu.memory_space<hbm>>
          %dma_wait3A_50 = arith.constant 0 : i32
          %dma_wait3A_51 = arith.constant 0 : i32
          %dma_wait3A_52 = tpu.memref_slice %arg7[%dma_wait3A, %dma_wait3A_50, %dma_wait3A_51] : memref<2x4096x512xf32, #tpu.memory_space<vmem>> -> memref<1x4096x512xf32, #tpu.memory_space<vmem>>
          %dma_wait3A_53 = tpu.memref_squeeze %dma_wait3A_52 : memref<1x4096x512xf32, #tpu.memory_space<vmem>> -> memref<4096x512xf32, #tpu.memory_space<vmem>>
          tpu.wait_dma2 semaphore(%arg9 : memref<!tpu.dma_semaphore, #tpu.memory_space<semaphore_mem>>) src(%dma_wait3A_53 : memref<4096x512xf32, #tpu.memory_space<vmem>>) dst(%dma_wait3A_49 : memref<4096x512xf32, #tpu.memory_space<hbm>>)
        } else {
        }
        %swap3A = arith.constant 0 : index
        %swap3A_33 = arith.constant 0 : index
        %swap3A_34 = arith.constant 0 : index
        %swap3A_35 = vector.load %arg7[%swap3A, %swap3A_33, %swap3A_34] : memref<2x4096x512xf32, #tpu.memory_space<vmem>>, vector<1x4096x512xf32>
        %swap3A_36 = vector.shape_cast %swap3A_35 : vector<1x4096x512xf32> to vector<4096x512xf32>
        %swap3A_37 = vector.shape_cast %add3A_15 : vector<4096x512xf32> to vector<1x4096x512xf32>
        tpu.vector_store %arg7[%swap3A, %swap3A_33, %swap3A_34], %swap3A_37 {strides = array<i32>} : memref<2x4096x512xf32, #tpu.memory_space<vmem>>, vector<1x4096x512xf32>,
        %mul3A = arith.constant 512 : i32
        %mul3A_38 = arith.muli %arg0, %mul3A : i32
        %dma_start3A = arith.constant 0 : i32
        %dma_start3A_39 = arith.constant 0 : i32
        %dma_start3A_40 = tpu.memref_slice %arg6[%dma_start3A_39, %mul3A_38] : memref<4096x100000xf32, #tpu.memory_space<hbm>> -> memref<4096x512xf32, #tpu.memory_space<hbm>>
        %dma_start3A_41 = arith.constant 0 : i32
        %dma_start3A_42 = arith.constant 0 : i32
        %dma_start3A_43 = tpu.memref_slice %arg7[%dma_start3A, %dma_start3A_41, %dma_start3A_42] : memref<2x4096x512xf32, #tpu.memory_space<vmem>> -> memref<1x4096x512xf32, #tpu.memory_space<vmem>>
        %dma_start3A_44 = tpu.memref_squeeze %dma_start3A_43 : memref<1x4096x512xf32, #tpu.memory_space<vmem>> -> memref<4096x512xf32, #tpu.memory_space<vmem>>
        tpu.enqueue_dma source(%dma_start3A_44 : memref<4096x512xf32, #tpu.memory_space<vmem>>) target(%dma_start3A_40 : memref<4096x512xf32, #tpu.memory_space<hbm>>) target_semaphore(%arg9 : memref<!tpu.dma_semaphore, #tpu.memory_space<semaphore_mem>>)
      } else {
      }
      %rem3A_22 = arith.constant 2 : i32
      %rem3A_23 = arith.remsi %arg0, %rem3A_22 : i32
      %eq3A_24 = arith.constant 1 : i32
      %eq3A_25 = arith.cmpi eq, %rem3A_23, %eq3A_24 : i32
      %convert_element_type3A_26 = arith.extui %eq3A_25 : i1 to i32
      %cond3A_27 = arith.constant 0 : i32
      %cond3A_28 = arith.cmpi ne, %convert_element_type3A_26, %cond3A_27 : i32
      scf.if %cond3A_28 {
        %ge3A = arith.constant 2 : i32
        %ge3A_29 = arith.cmpi sge, %arg0, %ge3A : i32
        %convert_element_type3A_30 = arith.extui %ge3A_29 : i1 to i32
        %cond3A_31 = arith.constant 0 : i32
        %cond3A_32 = arith.cmpi ne, %convert_element_type3A_30, %cond3A_31 : i32
        scf.if %cond3A_32 {
          %sub3A = arith.constant 2 : i32
          %sub3A_45 = arith.subi %arg0, %sub3A : i32
          %mul3A_46 = arith.constant 512 : i32
          %mul3A_47 = arith.muli %sub3A_45, %mul3A_46 : i32
          %dma_wait3A = arith.constant 1 : i32
          %dma_wait3A_48 = arith.constant 0 : i32
          %dma_wait3A_49 = tpu.memref_slice %arg6[%dma_wait3A_48, %mul3A_47] : memref<4096x100000xf32, #tpu.memory_space<hbm>> -> memref<4096x512xf32, #tpu.memory_space<hbm>>
          %dma_wait3A_50 = arith.constant 0 : i32
          %dma_wait3A_51 = arith.constant 0 : i32
          %dma_wait3A_52 = tpu.memref_slice %arg7[%dma_wait3A, %dma_wait3A_50, %dma_wait3A_51] : memref<2x4096x512xf32, #tpu.memory_space<vmem>> -> memref<1x4096x512xf32, #tpu.memory_space<vmem>>
          %dma_wait3A_53 = tpu.memref_squeeze %dma_wait3A_52 : memref<1x4096x512xf32, #tpu.memory_space<vmem>> -> memref<4096x512xf32, #tpu.memory_space<vmem>>
          tpu.wait_dma2 semaphore(%arg10 : memref<!tpu.dma_semaphore, #tpu.memory_space<semaphore_mem>>) src(%dma_wait3A_53 : memref<4096x512xf32, #tpu.memory_space<vmem>>) dst(%dma_wait3A_49 : memref<4096x512xf32, #tpu.memory_space<hbm>>)
        } else {
        }
        %swap3A = arith.constant 1 : index
        %swap3A_33 = arith.constant 0 : index
        %swap3A_34 = arith.constant 0 : index
        %swap3A_35 = vector.load %arg7[%swap3A, %swap3A_33, %swap3A_34] : memref<2x4096x512xf32, #tpu.memory_space<vmem>>, vector<1x4096x512xf32>
        %swap3A_36 = vector.shape_cast %swap3A_35 : vector<1x4096x512xf32> to vector<4096x512xf32>
        %swap3A_37 = vector.shape_cast %add3A_15 : vector<4096x512xf32> to vector<1x4096x512xf32>
        tpu.vector_store %arg7[%swap3A, %swap3A_33, %swap3A_34], %swap3A_37 {strides = array<i32>} : memref<2x4096x512xf32, #tpu.memory_space<vmem>>, vector<1x4096x512xf32>,
        %mul3A = arith.constant 512 : i32
        %mul3A_38 = arith.muli %arg0, %mul3A : i32
        %dma_start3A = arith.constant 1 : i32
        %dma_start3A_39 = arith.constant 0 : i32
        %dma_start3A_40 = tpu.memref_slice %arg6[%dma_start3A_39, %mul3A_38] : memref<4096x100000xf32, #tpu.memory_space<hbm>> -> memref<4096x512xf32, #tpu.memory_space<hbm>>
        %dma_start3A_41 = arith.constant 0 : i32
        %dma_start3A_42 = arith.constant 0 : i32
        %dma_start3A_43 = tpu.memref_slice %arg7[%dma_start3A, %dma_start3A_41, %dma_start3A_42] : memref<2x4096x512xf32, #tpu.memory_space<vmem>> -> memref<1x4096x512xf32, #tpu.memory_space<vmem>>
        %dma_start3A_44 = tpu.memref_squeeze %dma_start3A_43 : memref<1x4096x512xf32, #tpu.memory_space<vmem>> -> memref<4096x512xf32, #tpu.memory_space<vmem>>
        tpu.enqueue_dma source(%dma_start3A_44 : memref<4096x512xf32, #tpu.memory_space<vmem>>) target(%dma_start3A_40 : memref<4096x512xf32, #tpu.memory_space<hbm>>) target_semaphore(%arg10 : memref<!tpu.dma_semaphore, #tpu.memory_space<semaphore_mem>>)
      } else {
      }
    } else {
    }
    %eq3A = arith.constant 195 : i32
    %eq3A_2 = arith.cmpi eq, %arg0, %eq3A : i32
    %convert_element_type3A_3 = arith.extui %eq3A_2 : i1 to i32
    %cond3A_4 = arith.constant 0 : i32
    %cond3A_5 = arith.cmpi ne, %convert_element_type3A_3, %cond3A_4 : i32
    scf.if %cond3A_5 {
      %get3A = arith.constant 0 : index
      %get3A_6 = arith.constant 0 : index
      %get3A_7 = vector.load %arg1[%get3A, %get3A_6] : memref<4096x64xf32, #tpu.memory_space<vmem>>, vector<4096x64xf32>
      %get3A_8 = arith.constant 0 : index
      %get3A_9 = arith.constant 0 : index
      %get3A_10 = vector.load %arg4[%get3A_8, %get3A_9] : memref<160x64xf32, #tpu.memory_space<vmem>>, vector<160x64xf32>
      %dot_general3A = arith.constant dense<0.000000e+00> : vector<4096x160xf32>
      %dot_general3A_11 = tpu.matmul %get3A_7, %get3A_10, %dot_general3A {dimension_numbers = #tpu.dot_dimension_numbers<[1], [1], [0], [0], [0, 0, 1, 0], [], []>, transpose_lhs_hint = false} : vector<4096x64xf32>, vector<160x64xf32>, vector<4096x160xf32> -> vector<4096x160xf32>
      %get3A_12 = arith.constant 0 : index
      %get3A_13 = arith.constant 0 : index
      %get3A_14 = vector.load %arg5[%get3A_12, %get3A_13] : memref<1x160xf32, #tpu.memory_space<vmem>>, vector<1x160xf32>
      %add3A = vector.broadcast %get3A_14 : vector<1x160xf32> to vector<4096x160xf32>
      %add3A_15 = arith.addf %dot_general3A_11, %add3A : vector<4096x160xf32>
      %swap3A = arith.constant 0 : index
      %swap3A_16 = arith.constant 0 : index
      %swap3A_17 = vector.load %arg8[%swap3A, %swap3A_16] : memref<4096x160xf32, #tpu.memory_space<vmem>>, vector<4096x160xf32>
      tpu.vector_store %arg8[%swap3A, %swap3A_16], %add3A_15 {strides = array<i32>} : memref<4096x160xf32, #tpu.memory_space<vmem>>, vector<4096x160xf32>,
      %dma_start3A = arith.constant 0 : i32
      %dma_start3A_18 = arith.constant 99840 : i32
      %dma_start3A_19 = tpu.memref_slice %arg6[%dma_start3A, %dma_start3A_18] : memref<4096x100000xf32, #tpu.memory_space<hbm>> -> memref<4096x160xf32, #tpu.memory_space<hbm>>
      tpu.enqueue_dma source(%arg8 : memref<4096x160xf32, #tpu.memory_space<vmem>>) target(%dma_start3A_19 : memref<4096x160xf32, #tpu.memory_space<hbm>>) target_semaphore(%arg11 : memref<!tpu.dma_semaphore, #tpu.memory_space<semaphore_mem>>)
      %dma_wait3A = arith.constant 1 : i32
      %dma_wait3A_20 = arith.constant 0 : i32
      %dma_wait3A_21 = arith.constant 98816 : i32
      %dma_wait3A_22 = tpu.memref_slice %arg6[%dma_wait3A_20, %dma_wait3A_21] : memref<4096x100000xf32, #tpu.memory_space<hbm>> -> memref<4096x512xf32, #tpu.memory_space<hbm>>
      %dma_wait3A_23 = arith.constant 0 : i32
      %dma_wait3A_24 = arith.constant 0 : i32
      %dma_wait3A_25 = tpu.memref_slice %arg7[%dma_wait3A, %dma_wait3A_23, %dma_wait3A_24] : memref<2x4096x512xf32, #tpu.memory_space<vmem>> -> memref<1x4096x512xf32, #tpu.memory_space<vmem>>
      %dma_wait3A_26 = tpu.memref_squeeze %dma_wait3A_25 : memref<1x4096x512xf32, #tpu.memory_space<vmem>> -> memref<4096x512xf32, #tpu.memory_space<vmem>>
      tpu.wait_dma2 semaphore(%arg10 : memref<!tpu.dma_semaphore, #tpu.memory_space<semaphore_mem>>) src(%dma_wait3A_26 : memref<4096x512xf32, #tpu.memory_space<vmem>>) dst(%dma_wait3A_22 : memref<4096x512xf32, #tpu.memory_space<hbm>>)
      %dma_wait3A_27 = arith.constant 0 : i32
      %dma_wait3A_28 = arith.constant 0 : i32
      %dma_wait3A_29 = arith.constant 99328 : i32
      %dma_wait3A_30 = tpu.memref_slice %arg6[%dma_wait3A_28, %dma_wait3A_29] : memref<4096x100000xf32, #tpu.memory_space<hbm>> -> memref<4096x512xf32, #tpu.memory_space<hbm>>
      %dma_wait3A_31 = arith.constant 0 : i32
      %dma_wait3A_32 = arith.constant 0 : i32
      %dma_wait3A_33 = tpu.memref_slice %arg7[%dma_wait3A_27, %dma_wait3A_31, %dma_wait3A_32] : memref<2x4096x512xf32, #tpu.memory_space<vmem>> -> memref<1x4096x512xf32, #tpu.memory_space<vmem>>
      %dma_wait3A_34 = tpu.memref_squeeze %dma_wait3A_33 : memref<1x4096x512xf32, #tpu.memory_space<vmem>> -> memref<4096x512xf32, #tpu.memory_space<vmem>>
      tpu.wait_dma2 semaphore(%arg9 : memref<!tpu.dma_semaphore, #tpu.memory_space<semaphore_mem>>) src(%dma_wait3A_34 : memref<4096x512xf32, #tpu.memory_space<vmem>>) dst(%dma_wait3A_30 : memref<4096x512xf32, #tpu.memory_space<hbm>>)
      %dma_wait3A_35 = arith.constant 0 : i32
      %dma_wait3A_36 = arith.constant 99840 : i32
      %dma_wait3A_37 = tpu.memref_slice %arg6[%dma_wait3A_35, %dma_wait3A_36] : memref<4096x100000xf32, #tpu.memory_space<hbm>> -> memref<4096x160xf32, #tpu.memory_space<hbm>>
      tpu.wait_dma2 semaphore(%arg11 : memref<!tpu.dma_semaphore, #tpu.memory_space<semaphore_mem>>) src(%arg8 : memref<4096x160xf32, #tpu.memory_space<vmem>>) dst(%dma_wait3A_37 : memref<4096x160xf32, #tpu.memory_space<hbm>>)
    } else {
    }
    return
  }
  func.func @transform_0(%arg0: i32) -> (i32, i32) {
    %c0_i32 = arith.constant 0 : i32
    %c0_i32_0 = arith.constant 0 : i32
    %c0_i32_1 = arith.constant 0 : i32
    return %c0_i32, %c0_i32_0 : i32, i32
  }
  func.func @transform_1(%arg0: i32) -> (i32, i32) {
    %c0_i32 = arith.constant 0 : i32
    %c0_i32_0 = arith.constant 0 : i32
    return %arg0, %c0_i32 : i32, i32
  }
  func.func @transform_2(%arg0: i32) -> (i32, i32) {
    %c0_i32 = arith.constant 0 : i32
    %c0_i32_0 = arith.constant 0 : i32
    return %c0_i32, %arg0 : i32, i32
  }
  func.func @transform_3(%arg0: i32) -> (i32, i32) {
    %c0_i32 = arith.constant 0 : i32
    %c0_i32_0 = arith.constant 0 : i32
    %c0_i32_1 = arith.constant 0 : i32
    return %c0_i32, %c0_i32_0 : i32, i32
  }
  func.func @transform_4(%arg0: i32) -> (i32, i32) {
    %c0_i32 = arith.constant 0 : i32
    %c0_i32_0 = arith.constant 0 : i32
    %c0_i32_1 = arith.constant 0 : i32
    return %c0_i32, %c0_i32_0 : i32, i32
  }
}

</mosaic_0001>

<sc_bundles>
// kernel: kernel.4.cloned.1.call-start
scs
__scs_entry_jumppad:
0x0: {  	(pc) =	sbr.rel $0x88, $3  }
0x1: {  	(tag) =	ssettag $0x0;
	lr =	simm.s32 $0x1  }
0x2: {  	[smem:$0x3F9D] =	sst lr;
	_ =	strace $0xD0000000  }
0x3: {  	_ = 	snop  }
0x4: {  	_ = 	snop  }
0x5: {  	_ = 	snop  }
0x6: {  	_ = 	snop  }
0x7: {  	_ = 	snop  }
__scs_overlays_trampoline_lowered:
0x8: {  	[smem:$0x3FAC] =	sst s0  }
0x9: {  	[smem:$0x3FAD] =	sst s1  }
0xa: {  	[smem:$0x3FAE] =	sst s2  }
0xb: {  	[smem:$0x3FAF] =	sst s3  }
0xc: {  	[smem:$0x3FB0] =	sst s4  }
0xd: {  	[smem:$0x3FB1] =	sst s5  }
0xe: {  	[smem:$0x3FB2] =	sst s6  }
0xf: {  	[smem:$0x3FB3] =	sst s7  }
0x10: {  	[smem:$0x3FB4] =	sst s8  }
0x11: {  	[smem:$0x3FB5] =	sst s9;
	s0 =	simm.s32 @!p0 $0x0  }
0x12: {  	s1 =	sld [smem:$0x3F9B];
	s0 =	simm.s32 @p0 $0x1  }
0x13: {  	[smem:$0x3FB6] =	sst s0;
	s0 =	simm.s32 @!p1 $0x0  }
0x14: {  	s2 =	sld [smem:$0x3F9A];
	s0 =	simm.s32 @p1 $0x1  }
0x15: {  	[smem:$0x3FB7] =	sst s0;
	s0 =	simm.s32 @!p2 $0x0  }
0x16: {  	s3 =	sld [smem:$0x3FDB];
	s0 =	simm.s32 @p2 $0x1  }
0x17: {  	s4 =	simm.s32 $0x1BF5;
	[smem:$0x3FB9] =	sst s0  }
0x18: {  	s0 =	sld [smem:$0x3F9C];
	_ =	swait.ge [sflag:s4], $0x0  }
0x19: {  	s7 =	sld [smem:$0x3F9D]  }
0x1a: {  	s8 =	sadd.s32 $0xFFFFE003, lr  }
0x1b: {  	s9 =	sadd.s32 $0xFFFFFEF7, lr;
	s5 =	simm.s32 $0xFFFFFFFF;
	p2 =	slt.u32 s8, $0xFFFFF086  }
0x1c: {  	p1 =	slt.u32 s9, $0xF7A;
	s5 =	simm.s32 @!p2 $0x0  }
0x1d: {  	s5 =	simm.s32 @p1 $0x1;
	p0 =	seq.s32 s7, s2  }
0x1e: {  	s7 =	smul.u32 @!p0 $0xF7A, s2;
	p2 =	seq.s32 @!p0 s5, $0x0  }
0x1f: {  	s9 =	smul.u32 $0xF7A, s1;
	s8 =	simm.s32 @!p0 $0x1BF5;
	p2 =	por !p2, p0  }
0x20: {  	[sflag:s8] =	ssyncset.s32 @!p0 $0xFFFFF086;
	s6 =	sadd.s32 @!p0 s3, s7;
	s7 =	simm.s32 @!p0 $0x108  }
0x21: {  	s3 =	sadd.s32 s3, s9;
	s6 =	sadd.s32 @!p0 $0x88, s6;
	s7 =	simm.s32 @p2 $0x1082  }
0x22: {  	[simem:s7], [sflag:s8] =	dma.local @!p0 [hbm:s6], $0xF7A  }
0x23: {  	s9 =	sor.u32 $0xD0000000, s2;
	s6 =	simm.s32 $0x108;
	_ =	swait.ge @!p0 [sflag:s8], $0x0  }
0x24: {  	s3 =	sadd.s32 $0x88, s3;
	s6 =	simm.s32 @!p1 $0x1082;
	[sflag:s4] =	ssyncset.s32 $0xFFFFF086  }
0x25: {  	[simem:s6], [sflag:s4] =	dma.local [hbm:s3], $0xF7A  }
0x26: {  	[smem:$0x3F9D] =	sst s1;
	(tag) =	ssettag s2;
	_ =	strace s9  }
0x27: {  	s1 =	sld [smem:$0x3FAD]  }
0x28: {  	s2 =	sld [smem:$0x3FAE]  }
0x29: {  	s4 =	sld [smem:$0x3FB0]  }
0x2a: {  	p0 =	seq.s32 s5, $0x0;
	s5 =	sld [smem:$0x3FB1]  }
0x2b: {  	s6 =	sld [smem:$0x3FB2]  }
0x2c: {  	s7 =	sld [smem:$0x3FB3]  }
0x2d: {  	s3 =	simm.s32 $0x108;
	s8 =	sld [smem:$0x3FB4]  }
0x2e: {  	s3 =	simm.s32 @!p0 $0x1082;
	s9 =	sld [smem:$0x3FB5]  }
0x2f: {  	lr =	sadd.s32 s0, s3;
	s0 =	sld [smem:$0x3FAC]  }
0x30: {  	s3 =	sld [smem:$0x3FAF]  }
0x31: {  	[smem:$0x3FB8] =	sst s10  }
0x32: {  	s10 =	sld [smem:$0x3FB6];
	_ =	sdelay $0x3  }
0x33: {  	p0 =	seq.s32 s10, $0x1;
	s10 =	sld [smem:$0x3FB8];
	_ =	sdelay $0x3  }
0x34: {  	[smem:$0x3FB8] =	sst s10  }
0x35: {  	s10 =	sld [smem:$0x3FB7];
	_ =	sdelay $0x3  }
0x36: {  	p1 =	seq.s32 s10, $0x1;
	s10 =	sld [smem:$0x3FB8];
	_ =	sdelay $0x3  }
0x37: {  	[smem:$0x3FB8] =	sst s10  }
0x38: {  	s10 =	sld [smem:$0x3FB9]  }
0x39: {  	_ = 	snop;
	(pc) =	sbr.ind lr, $3  }
0x3a: {  	_ = 	snop  }
0x3b: {  	_ = 	snop  }
0x3c: {  	p2 =	seq.s32 s10, $0x1;
	s10 =	sld [smem:$0x3FB8]  }
0x3d: {  	_ =	shalt  }
0x3e: {  	_ =	shalt  }
0x3f: {  	_ =	shalt  }
0x40: {  	_ =	shalt  }
0x41: {  	_ =	shalt  }
0x42: {  	_ =	shalt  }
0x43: {  	_ =	shalt  }
0x44: {  	_ =	shalt  }
0x45: {  	_ =	shalt  }
0x46: {  	_ =	shalt  }
0x47: {  	_ =	shalt  }
0x48: {  	_ =	shalt  }
0x49: {  	_ =	shalt  }
0x4a: {  	_ =	shalt  }
0x4b: {  	_ =	shalt  }
0x4c: {  	_ =	shalt  }
0x4d: {  	_ =	shalt  }
0x4e: {  	_ =	shalt  }
0x4f: {  	_ =	shalt  }
0x50: {  	_ =	shalt  }
0x51: {  	_ =	shalt  }
0x52: {  	_ =	shalt  }
0x53: {  	_ =	shalt  }
0x54: {  	_ =	shalt  }
0x55: {  	_ =	shalt  }
0x56: {  	_ =	shalt  }
0x57: {  	_ =	shalt  }
0x58: {  	_ =	shalt  }
0x59: {  	_ =	shalt  }
0x5a: {  	_ =	shalt  }
0x5b: {  	_ =	shalt  }
0x5c: {  	_ =	shalt  }
0x5d: {  	_ =	shalt  }
0x5e: {  	_ =	shalt  }
0x5f: {  	_ =	shalt  }
0x60: {  	_ =	shalt  }
0x61: {  	_ =	shalt  }
0x62: {  	_ =	shalt  }
0x63: {  	_ =	shalt  }
0x64: {  	_ =	shalt  }
0x65: {  	_ =	shalt  }
0x66: {  	_ =	shalt  }
0x67: {  	_ =	shalt  }
0x68: {  	_ =	shalt  }
0x69: {  	_ =	shalt  }
0x6a: {  	_ =	shalt  }
0x6b: {  	_ =	shalt  }
0x6c: {  	_ =	shalt  }
0x6d: {  	_ =	shalt  }
0x6e: {  	_ =	shalt  }
0x6f: {  	_ =	shalt  }
0x70: {  	_ =	shalt  }
0x71: {  	_ =	shalt  }
0x72: {  	_ =	shalt  }
0x73: {  	_ =	shalt  }
0x74: {  	_ =	shalt  }
0x75: {  	_ =	shalt  }
0x76: {  	_ =	shalt  }
0x77: {  	_ =	shalt  }
0x78: {  	_ =	shalt  }
0x79: {  	_ =	shalt  }
0x7a: {  	_ =	shalt  }
0x7b: {  	_ =	shalt  }
0x7c: {  	_ =	shalt  }
0x7d: {  	_ =	shalt  }
0x7e: {  	_ =	shalt  }
0x7f: {  	_ =	shalt  }
0x80: {  	_ =	shalt  }
0x81: {  	_ =	shalt  }
0x82: {  	_ =	shalt  }
0x83: {  	_ =	shalt  }
0x84: {  	_ =	shalt  }
0x85: {  	_ =	shalt  }
0x86: {  	_ =	shalt  }
0x87: {  	_ =	shalt  }
.Lfunc_end0:
.L_simem_size_0:
called_computation_lowered:
.L_overlay_start_0:
0x88: {  	s2 =	sld [smem:$0x3FD9]  }
0x89: {  	s3 =	sld [smem:$0x3FFE];
	_ =	sdelay $0x1  }
0x8a: {  	s1 =	srdreg.scid  }
0x8b: {  	s0 =	sand.u32 $0x1, s1  }
0x8c: {  	s16 =	sshll.u32 s0, $0xA;
	s2 =	sadd.s32 s3, s2  }
0x8d: {  	s2 =	sadd.s32 s2, s16  }
0x8e: {  	[smem:$0x3FC4] =	sst s2  }
0x8f: {  	_ = 	snop  }
0x90: {  	(tm) =	ssettm $0x1  }
0x91: {  	s17 =	sld [smem:$0x3FFB];
	_ =	sdelay $0x3  }
0x92: {  	_ =	strace s17  }
0x93: {  	s2 =	sld [smem:$0x3FFC];
	_ =	sdelay $0x3  }
0x94: {  	_ =	strace s2  }
0x95: {  	s2 =	sld [smem:$0x3FFD];
	_ =	sdelay $0x3  }
0x96: {  	_ =	strace s2  }
0x97: {  	_ =	strace $0x8FFFFFFF  }
0x98: {  	s18 =	sld [smem:$0x3FDB];
	_ =	sdelay $0x1  }
0x99: {  	s19 =	simm.s32 $_scs_section_size  }
0x9a: {  	s4 =	simm.s32 $_size__tile_overlayer_lowered;
	s5 =	simm.s32 $_tile_overlayer_lowered  }
0x9b: {  	s22 =	simm.s32 $0x1BFF;
	s21 =	sshll.u32 s5, $0x1;
	s2 =	sadd.s32 s19, s18  }
0x9c: {  	s6 =	simm.s32 $0x0;
	s20 =	sshll.u32 s4, $0x1;
	s4 =	sadd.s32 s21, s2  }
0x9d: {  	[timem:s6], [sflag:s22] =	dma.local [hbm:s4], s20  }
0x9e: {  	_ =	swait.ge [sflag:s22], s20  }
0x9f: {  	s3 =	ssub.s32 $0x0, s20;
	[sflag:s22] =	ssyncset.done $0x0  }
0xa0: {  	[sflag:s22] =	ssyncadd.s32 s3;
	_ =	sdelay $0x1  }
0xa1: {  	s23 =	simm.s32 $0x1B8B  }
0xa2: {  	_ =	swait.ge [sflag:s23], $0x1  }
0xa3: {  	[sflag:s23] =	ssyncset.done $0x0  }
0xa4: {  	s25 =	simm.s32 $0x1B8E;
	s24 =	sld [smem:$0x3FFE];
	[sflag:s23] =	ssyncadd.s32 $0xFFFFFFFF  }
0xa5: {  	s26 =	simm.s32 $execute0_lowered;
	[smem:$0x3FD2] =	sst s25  }
0xa6: {  	s4 =	sshll.u32 s26, $0x1;
	_ =	strace $0x80000046;
	[dreg:$0x1] =	wrdreg $0xFFFFFFFF  }
0xa7: {  	s28 =	simm.s32 $_size_execute0_lowered;
	s2 =	sadd.s32 s2, s4;
	[dreg:$0x0] =	wrdreg $0x0  }
0xa8: {  	s4 =	sshll.u32 s28, $0x1;
	[dreg:$0x2] =	wrdreg s2  }
0xa9: {  	[dreg:$0x3] =	wrdreg s4  }
0xaa: {  	[dreg:$0x4] =	wrdreg $0xC0  }
0xab: {  	_ =	task [dreg:s6], $0x5FFFF  }
0xac: {  	[dreg:$0x1] =	wrdreg $0xFFFFFFFF  }
0xad: {  	[dreg:$0x0] =	wrdreg $0x60  }
0xae: {  	[dreg:$0x2] =	wrdreg s24  }
0xaf: {  	[dreg:$0x3] =	wrdreg $0x9  }
0xb0: {  	_ =	task.clear_ibuf [dreg:s6], $0x4FFFF;
	_ =	strace $0x90000046  }
0xb1: {  	s29 =	simm.s32 $0x9;
	_ =	strace $0x80000048  }
0xb2: {  	_ =	swait.ge [sflag:s29], $0x1  }
0xb3: {  	[sflag:s29] =	ssyncadd.s32 $0xFFFFFFFF  }
0xb4: {  	_ =	strace $0x90000048  }
0xb5: {  	_ =	sfence  }
0xb6: {  	s30 =	sld [smem:$0x0];
	_ =	sdelay $0x2  }
0xb7: {  	s31 =	sshll.u32 s1, $0xD;
	s1 =	sshrl.u32 s1, $0x2  }
0xb8: {  	s3 =	sand.u32 $0x4000, s31;
	s1 =	sadd.s32 s1, s30  }
0xb9: {  	s0 =	sor.u32 s3, s0;
	s1 =	sshll.u32 s1, $0x11  }
0xba: {  	s0 =	sor.u32 s1, s0  }
0xbb: {  	s0 =	sadd.s32 $0x8F2B, s0  }
0xbc: {  	[sflag:s0] =	ssyncadd.remote.s32 $0x1  }
0xbd: {  	_ =	sfence.sel $0xFFFF  }
0xbe: {  	[dreg:$0x0] =	wrdreg $0xFFFFFFFF;
	(pc) =	sbr.abs _section_cstart, $3  }
0xbf: {  	[dreg:$0x1] =	wrdreg $0xFFFFFFFF  }
0xc0: {  	_ =	task.clear_ibuf [dreg:s6], $0x2FFFF;
	_ =	strace $0x9FFFFFFF  }
0xc1: {  	(tm) =	ssettm $0x7FFFFFFF  }
tec
execute0_lowered:
.L_overlay_start_1:
0x0: {  	(tag) =	ssettag $0x1  }
0x1: {  	s1 =	srdreg.scid;
	s0 =	stileid.u32  }
0x2: {  	s3 =	rddreg [dreg:$0x0];
	s2 =	simm.s32 $0x0;
	s10 =	simm.s32 $0x1450  }
0x3: {  	s4 =	sand.u32 $0x1, s1;
	s5 =	smul.u32 $0x1400, s0;
	s1 =	rddreg [dreg:$0x1]  }
0x4: {  	s11 =	simm.s32 $0x0;
	[smem:$0x7FF] =	sst s2;
	s6 =	smul.u32 $0xA00, s4  }
0x5: {  	s30 =	sshll.u32 s0, $0xB;
	_ =	strace $0x80000047;
	s7 =	ssub.s32 $0x2, s4  }
0x6: {  	s4 =	sshll.u32 s4, $0xA;
	s8 =	sshrl.u32 s7, $0x1;
	s5 =	sadd.s32 s6, s5  }
0x7: {  	s6 =	sadd.s32 s30, s3;
	s31 =	ssub.s32 s7, s8;
	s7 =	simm.s32 $0x2  }
0x8: {  	s8 =	simm.s32 $0x50;
	s5 =	sshrl.u32 s5, $0x3;
	s6 =	sadd.s32 s4, s6  }
0x9: {  	s4 =	smax.u32 s31, $0x1;
	s9 =	sadd.s32 s5, s3;
	s3 =	sadd.s32 $0x4A00, s3  }
0xa: {  	s5 =	sadd.s32 $0xC8000, s6;
	s6 =	sadd.s32 $0x2200, s9;
	s9 =	simm.s32 $0x1  }
.LBB2_1:
0xb: {  	s12 =	smov.u32 s5;
	s13 =	simm.s32 $0x0  }
.LBB2_2:
0xc: {  	s14 =	sadd.s32 s13, s6  }
0xd: {  	[tilespmem:s2], [sflag:$0x2] =	stream.linear.gather [hbm4b:s14+s2], $0x50, $0x38;
	[tilespmem:$0x1550] =	vst v63  }
0xe: {  	_ =	swait.ge [sflag:s7], $0x50  }
0xf: {  	[sflag:s7] =	ssyncset.done $0x0  }
0x10: {  	[sflag:s7] =	ssyncadd.s32 $0xFFFFFFB0  }
0x11: {  	[tilespmem:s8], [sflag:$0x1] =	stream.indirect.gather [hbm4b:s3+s8], $0x40, s2, s8, $0xb8;
	[tilespmem:$0x1550] =	vst v63  }
0x12: {  	_ =	swait.ge [sflag:s9], $0x1400  }
0x13: {  	[sflag:s9] =	ssyncset.done $0x0  }
0x14: {  	[sflag:s9] =	ssyncadd.s32 $0xFFFFEC00  }
0x15: {  	v35 =	vld [tilespmem:$0x50]  }
0x16: {  	v31 =	vld [tilespmem:$0x90]  }
0x17: {  	v37 =	vld [tilespmem:$0xD0]  }
0x18: {  	v44 =	vld [tilespmem:$0x110]  }
0x19: {  	v50 =	vld [tilespmem:$0x150]  }
0x1a: {  	v54 =	vld [tilespmem:$0x190]  }
0x1b: {  	v0 =	vld [tilespmem:$0x1D0]  }
0x1c: {  	v4 =	vld [tilespmem:$0x210]  }
0x1d: {  	v5 =	vld [tilespmem:$0x250]  }
0x1e: {  	v6 =	vld [tilespmem:$0x290]  }
0x1f: {  	v7 =	vld [tilespmem:$0x2D0]  }
0x20: {  	v8 =	vld [tilespmem:$0x310]  }
0x21: {  	v9 =	vld [tilespmem:$0x350]  }
0x22: {  	v10 =	vld [tilespmem:$0x390]  }
0x23: {  	v11 =	vld [tilespmem:$0x3D0]  }
0x24: {  	v12 =	vld [tilespmem:$0x410]  }
0x25: {  	v13 =	vld [tilespmem:$0x450]  }
0x26: {  	v14 =	vld [tilespmem:$0x490]  }
0x27: {  	v15 =	vld [tilespmem:$0x4D0]  }
0x28: {  	v16 =	vld [tilespmem:$0x510]  }
0x29: {  	v19 =	vld [tilespmem:$0xE0]  }
0x2a: {  	v23 =	vld [tilespmem:$0x120]  }
0x2b: {  	v27 =	vld [tilespmem:$0x160]  }
0x2c: {  	v34 =	vld [tilespmem:$0x1A0]  }
0x2d: {  	v41 =	vld [tilespmem:$0x1E0]  }
0x2e: {  	v47 =	vld [tilespmem:$0x220]  }
0x2f: {  	v53 =	vld [tilespmem:$0x260]  }
0x30: {  	v62 =	vld [tilespmem:$0x2A0]  }
0x31: {  	v17 =	vld [tilespmem:$0x2E0]  }
0x32: {  	v18 =	vld [tilespmem:$0x320]  }
0x33: {  	v20 =	vld [tilespmem:$0x360]  }
0x34: {  	v21 =	vld [tilespmem:$0x3A0]  }
0x35: {  	v22 =	vld [tilespmem:$0x3E0]  }
0x36: {  	v24 =	vld [tilespmem:$0x420]  }
0x37: {  	v25 =	vld [tilespmem:$0x460]  }
0x38: {  	v26 =	vld [tilespmem:$0x4A0]  }
0x39: {  	v28 =	vld [tilespmem:$0x4E0]  }
0x3a: {  	v29 =	vld [tilespmem:$0x520]  }
0x3b: {  	v32 =	vld [tilespmem:$0x270]  }
0x3c: {  	v40 =	vld [tilespmem:$0x2B0];
	[tilespmem:$0x1F7D0] =	vst v0  }
0x3d: {  	v46 =	vld [tilespmem:$0x2F0];
	[tilespmem:$0x1F7E0] =	vst v4  }
0x3e: {  	v52 =	vld [tilespmem:$0x330];
	[tilespmem:$0x1F7F0] =	vst v5  }
0x3f: {  	v61 =	vld [tilespmem:$0x370];
	[tilespmem:$0x1F800] =	vst v6  }
0x40: {  	v30 =	vld [tilespmem:$0x3B0];
	[tilespmem:$0x1F810] =	vst v7  }
0x41: {  	v33 =	vld [tilespmem:$0x3F0];
	[tilespmem:$0x1F830] =	vst v8  }
0x42: {  	v36 =	vld [tilespmem:$0x430];
	[tilespmem:$0x1F850] =	vst v9  }
0x43: {  	v38 =	vld [tilespmem:$0x470];
	[tilespmem:$0x1F870] =	vst v10  }
0x44: {  	v39 =	vld [tilespmem:$0x4B0];
	[tilespmem:$0x1F890] =	vst v11  }
0x45: {  	v42 =	vld [tilespmem:$0x4F0];
	[tilespmem:$0x1F8C0] =	vst v12  }
0x46: {  	v43 =	vld [tilespmem:$0x530];
	[tilespmem:$0x1F8F0] =	vst v13  }
0x47: {  	v1 =	vld [tilespmem:$0x80];
	[tilespmem:$0x1F920] =	vst v14  }
0x48: {  	v2 =	vld [tilespmem:$0x100];
	[tilespmem:$0x1F960] =	vst v15  }
0x49: {  	v3 =	vld [tilespmem:$0x140];
	[tilespmem:$0x1F9A0] =	vst v16  }
0x4a: {  	v16 =	vld [tilespmem:$0x60];
	[tilespmem:$0x1F820] =	vst v17  }
0x4b: {  	v14 =	vld [tilespmem:$0xA0];
	[tilespmem:$0x1F840] =	vst v18  }
0x4c: {  	[tilespmem:$0x1F860] =	vst v20;
	v6 =	vld [tilespmem:$0x70]  }
0x4d: {  	[tilespmem:$0x1F880] =	vst v21;
	v5 =	vld [tilespmem:$0xB0]  }
0x4e: {  	[tilespmem:$0x1F8B0] =	vst v22;
	v8 =	vld [tilespmem:$0xF0]  }
0x4f: {  	[tilespmem:$0x1F8E0] =	vst v24;
	v10 =	vld [tilespmem:$0x130]  }
0x50: {  	[tilespmem:$0x1F910] =	vst v25;
	v12 =	vld [tilespmem:$0x170]  }
0x51: {  	[tilespmem:$0x1F940] =	vst v26;
	v18 =	vld [tilespmem:$0x1B0]  }
0x52: {  	[tilespmem:$0x1F980] =	vst v28;
	v22 =	vld [tilespmem:$0x1F0]  }
0x53: {  	[tilespmem:$0x1F9C0] =	vst v29;
	v26 =	vld [tilespmem:$0x230]  }
0x54: {  	[tilespmem:$0x1F8A0] =	vst v30;
	v0 =	vld [tilespmem:$0xC0]  }
0x55: {  	[tilespmem:$0x1F8D0] =	vst v33;
	v4 =	vld [tilespmem:$0x180]  }
0x56: {  	[tilespmem:$0x1F900] =	vst v36;
	v7 =	vld [tilespmem:$0x1C0]  }
0x57: {  	[tilespmem:$0x1F930] =	vst v38;
	v9 =	vld [tilespmem:$0x200]  }
0x58: {  	[tilespmem:$0x1F970] =	vst v39;
	v11 =	vld [tilespmem:$0x240]  }
0x59: {  	[tilespmem:$0x1F9B0] =	vst v42;
	v17 =	vld [tilespmem:$0x280]  }
0x5a: {  	[tilespmem:$0x1F9E0] =	vst v43;
	v21 =	vld [tilespmem:$0x2C0]  }
0x5b: {  	v25 =	vld [tilespmem:$0x300]  }
0x5c: {  	v29 =	vld [tilespmem:$0x340]  }
0x5d: {  	v38 =	vld [tilespmem:$0x380]  }
0x5e: {  	v43 =	vld [tilespmem:$0x3C0]  }
0x5f: {  	v49 =	vld [tilespmem:$0x400]  }
0x60: {  	v63 =	vld [tilespmem:$0x690]  }
0x61: {  	v58 =	vld [tilespmem:$0x440]  }
0x62: {  	v13 =	vld [tilespmem:$0x480]  }
0x63: {  	v45 =	vld [tilespmem:$0x4C0]  }
0x64: {  	v48 =	vld [tilespmem:$0x500]  }
0x65: {  	[tilespmem:$0x1FA70] =	vst v63;
	v63 =	vld [tilespmem:$0x660]  }
0x66: {  	v51 =	vld [tilespmem:$0x540]  }
0x67: {  	v55 =	vld [tilespmem:$0x550]  }
0x68: {  	v56 =	vld [tilespmem:$0x590]  }
0x69: {  	v57 =	vld [tilespmem:$0x5D0]  }
0x6a: {  	[tilespmem:$0x1FA60] =	vst v63;
	v63 =	vld [tilespmem:$0x9E0]  }
0x6b: {  	v59 =	vld [tilespmem:$0x610]  }
0x6c: {  	v60 =	vld [tilespmem:$0x650]  }
0x6d: {  	v20 =	vld [tilespmem:$0x6D0]  }
0x6e: {  	v24 =	vld [tilespmem:$0x710]  }
0x6f: {  	[tilespmem:$0x1FD60] =	vst v63;
	v63 =	vld [tilespmem:$0x870]  }
0x70: {  	v28 =	vld [tilespmem:$0x750]  }
0x71: {  	v30 =	vld [tilespmem:$0x790]  }
0x72: {  	v33 =	vld [tilespmem:$0x7D0]  }
0x73: {  	v36 =	vld [tilespmem:$0x810]  }
0x74: {  	[tilespmem:$0x1FC10] =	vst v63;
	v63 =	vld [tilespmem:$0x7C0]  }
0x75: {  	v39 =	vld [tilespmem:$0x850]  }
0x76: {  	v42 =	vld [tilespmem:$0x890]  }
0x77: {  	v15 =	vld [tilespmem:$0x580]  }
0x78: {  	v31 =	vadd.f32 v31, v35;
	v35 =	vld [tilespmem:$0xD50]  }
0x79: {  	[tilespmem:$0x1FB70] =	vst v63;
	v63 =	vld [tilespmem:$0x800]  }
0x7a: {  	[tilespmem:$0x1F990] =	vst v45;
	v45 =	vld [tilespmem:$0x8D0]  }
0x7b: {  	[tilespmem:$0x1F9D0] =	vst v48;
	v48 =	vld [tilespmem:$0x910]  }
0x7c: {  	[tilespmem:$0x1FA10] =	vst v51;
	v51 =	vld [tilespmem:$0x950]  }
0x7d: {  	[tilespmem:$0x1F9F0] =	vst v55;
	v55 =	vld [tilespmem:$0x990]  }
0x7e: {  	[tilespmem:$0x1FBB0] =	vst v63;
	v63 =	vld [tilespmem:$0x840]  }
0x7f: {  	[tilespmem:$0x1FA00] =	vst v56;
	v56 =	vld [tilespmem:$0x9D0]  }
0x80: {  	[tilespmem:$0x1FA20] =	vst v57;
	v57 =	vld [tilespmem:$0xA10]  }
0x81: {  	[tilespmem:$0x1FA50] =	vst v60;
	v60 =	vld [tilespmem:$0x5E0]  }
0x82: {  	[tilespmem:$0x1FA30] =	vst v59;
	v59 =	vld [tilespmem:$0x620]  }
0x83: {  	[tilespmem:$0x1FBF0] =	vst v63;
	v63 =	vld [tilespmem:$0x880]  }
0x84: {  	[tilespmem:$0x1FA90] =	vst v20;
	v20 =	vld [tilespmem:$0x6A0]  }
0x85: {  	[tilespmem:$0x1FAB0] =	vst v24;
	v24 =	vld [tilespmem:$0x6E0]  }
0x86: {  	[tilespmem:$0x1FAE0] =	vst v28;
	v28 =	vld [tilespmem:$0x720]  }
0x87: {  	[tilespmem:$0x1FB10] =	vst v30;
	v30 =	vld [tilespmem:$0x760]  }
0x88: {  	[tilespmem:$0x1FC30] =	vst v63;
	v63 =	vld [tilespmem:$0x8C0]  }
0x89: {  	[tilespmem:$0x1FB40] =	vst v33;
	v33 =	vld [tilespmem:$0x7A0]  }
0x8a: {  	[tilespmem:$0x1FB80] =	vst v36;
	v36 =	vld [tilespmem:$0x7E0]  }
0x8b: {  	[tilespmem:$0x1FBC0] =	vst v39;
	v39 =	vld [tilespmem:$0x820]  }
0x8c: {  	[tilespmem:$0x1FC00] =	vst v42;
	v42 =	vld [tilespmem:$0x860]  }
0x8d: {  	v14 =	vadd.f32 v14, v16;
	[tilespmem:$0x1FC70] =	vst v63;
	v63 =	vld [tilespmem:$0x900]  }
0x8e: {  	[tilespmem:$0x1F950] =	vst v13;
	v13 =	vld [tilespmem:$0x5C0]  }
0x8f: {  	v5 =	vadd.f32 v5, v6;
	[tilespmem:$0x1FEF0] =	vst v35;
	v35 =	vadd.f32 v19, v14;
	v14 =	vld [tilespmem:$0xE50]  }
0x90: {  	v0 =	vadd.f32 v0, v1;
	v19 =	vld [tilespmem:$0xE90]  }
0x91: {  	v5 =	vadd.f32 v8, v5;
	v6 =	vadd.f32 v23, v35;
	v35 =	vld [tilespmem:$0x1F7D0]  }
0x92: {  	v0 =	vadd.f32 v2, v0;
	[tilespmem:$0x1FCB0] =	vst v63;
	v63 =	vld [tilespmem:$0x940]  }
0x93: {  	v16 =	vadd.f32 v10, v5;
	v10 =	vld [tilespmem:$0xC20]  }
0x94: {  	v0 =	vadd.f32 v3, v0;
	v3 =	vld [tilespmem:$0xE40]  }
0x95: {  	[tilespmem:$0x1FD80] =	vst v57;
	v57 =	vld [tilespmem:$0x560]  }
0x96: {  	[tilespmem:$0x1FD00] =	vst v55;
	v55 =	vld [tilespmem:$0x5A0]  }
0x97: {  	[tilespmem:$0x1FCF0] =	vst v63;
	v63 =	vld [tilespmem:$0x980]  }
0x98: {  	[tilespmem:$0x1FC40] =	vst v45;
	v45 =	vld [tilespmem:$0x8A0]  }
0x99: {  	[tilespmem:$0x1FC80] =	vst v48;
	v48 =	vld [tilespmem:$0x8E0]  }
0x9a: {  	[tilespmem:$0x1FCC0] =	vst v51;
	v51 =	vld [tilespmem:$0x920]  }
0x9b: {  	[tilespmem:$0x1FD40] =	vst v56;
	v56 =	vld [tilespmem:$0x960]  }
0x9c: {  	[tilespmem:$0x1FD30] =	vst v63;
	v63 =	vld [tilespmem:$0x9C0]  }
0x9d: {  	[tilespmem:$0x1FA40] =	vst v59;
	v59 =	vld [tilespmem:$0x9A0]  }
0x9e: {  	[tilespmem:$0x1FA80] =	vst v20;
	v20 =	vld [tilespmem:$0xA20]  }
0x9f: {  	[tilespmem:$0x1FB30] =	vst v33;
	v33 =	vld [tilespmem:$0x570]  }
0xa0: {  	[tilespmem:$0x1FB00] =	vst v30;
	v30 =	vld [tilespmem:$0x5B0]  }
0xa1: {  	[tilespmem:$0x1FD70] =	vst v63;
	v63 =	vld [tilespmem:$0xA00]  }
0xa2: {  	[tilespmem:$0x1FBA0] =	vst v39;
	v39 =	vld [tilespmem:$0x5F0]  }
0xa3: {  	[tilespmem:$0x1FAA0] =	vst v24;
	v24 =	vld [tilespmem:$0x6F0]  }
0xa4: {  	[tilespmem:$0x1FAD0] =	vst v28;
	v28 =	vld [tilespmem:$0x730]  }
0xa5: {  	[tilespmem:$0x1FB60] =	vst v36;
	v36 =	vld [tilespmem:$0x770]  }
0xa6: {  	[tilespmem:$0x1FDB0] =	vst v63;
	v63 =	vld [tilespmem:$0xA40]  }
0xa7: {  	[tilespmem:$0x1FBE0] =	vst v42;
	v42 =	vld [tilespmem:$0x7B0]  }
0xa8: {  	v23 =	vadd.f32 v27, v6;
	v27 =	vld [tilespmem:$0xED0]  }
0xa9: {  	v2 =	vadd.f32 v12, v16;
	v12 =	vld [tilespmem:$0xA60]  }
0xaa: {  	v6 =	vld [tilespmem:$0xB60]  }
0xab: {  	[tilespmem:$0x1FDF0] =	vst v63;
	v63 =	vld [tilespmem:$0xA50]  }
0xac: {  	v16 =	vld [tilespmem:$0xCA0]  }
0xad: {  	[tilespmem:$0x1FF70] =	vst v14;
	v14 =	vld [tilespmem:$0x1F810]  }
0xae: {  	v0 =	vadd.f32 v4, v0;
	[tilespmem:$0x1FF80] =	vst v19;
	v19 =	vld [tilespmem:$0xD20]  }
0xaf: {  	v34 =	vadd.f32 v34, v23;
	v23 =	vld [tilespmem:$0xAA0]  }
0xb0: {  	v0 =	vadd.f32 v7, v0;
	[tilespmem:$0x1FDD0] =	vst v63;
	v63 =	vld [tilespmem:$0xA90]  }
0xb1: {  	[tilespmem:$0x1FE70] =	vst v10;
	v10 =	vld [tilespmem:$0x1F8F0]  }
0xb2: {  	v0 =	vadd.f32 v9, v0;
	v9 =	vld [tilespmem:$0x1F800]  }
0xb3: {  	v41 =	vadd.f32 v41, v34;
	v34 =	vld [tilespmem:$0x1F860]  }
0xb4: {  	[tilespmem:$0x1FC20] =	vst v45;
	v45 =	vld [tilespmem:$0x630]  }
0xb5: {  	[tilespmem:$0x1FDE0] =	vst v63;
	v63 =	vld [tilespmem:$0xAD0]  }
0xb6: {  	[tilespmem:$0x1FCA0] =	vst v51;
	v51 =	vld [tilespmem:$0x670]  }
0xb7: {  	[tilespmem:$0x1FD20] =	vst v59;
	v59 =	vld [tilespmem:$0x6B0]  }
0xb8: {  	[tilespmem:$0x1FC60] =	vst v48;
	v48 =	vld [tilespmem:$0x7F0]  }
0xb9: {  	[tilespmem:$0x1FCE0] =	vst v56;
	v56 =	vld [tilespmem:$0x830]  }
0xba: {  	[tilespmem:$0x1FE00] =	vst v63;
	v63 =	vld [tilespmem:$0xB10]  }
0xbb: {  	[tilespmem:$0x1FDA0] =	vst v20;
	v20 =	vld [tilespmem:$0x8B0]  }
0xbc: {  	[tilespmem:$0x1FAC0] =	vst v24;
	v24 =	vld [tilespmem:$0x8F0]  }
0xbd: {  	[tilespmem:$0x1FAF0] =	vst v28;
	v28 =	vld [tilespmem:$0x930]  }
0xbe: {  	[tilespmem:$0x1FB20] =	vst v36;
	v36 =	vld [tilespmem:$0x970]  }
0xbf: {  	[tilespmem:$0x1FE10] =	vst v63;
	v63 =	vld [tilespmem:$0xB50]  }
0xc0: {  	[tilespmem:$0x1FB50] =	vst v42;
	v42 =	vld [tilespmem:$0x9B0]  }
0xc1: {  	[tilespmem:$0x1FF90] =	vst v27;
	v27 =	vld [tilespmem:$0xD60]  }
0xc2: {  	[tilespmem:$0x1FEB0] =	vst v16;
	v16 =	vld [tilespmem:$0xA70]  }
0xc3: {  	v57 =	vadd.f32 v55, v57;
	v55 =	vld [tilespmem:$0x1FAE0]  }
0xc4: {  	[tilespmem:$0x1FE20] =	vst v63;
	v63 =	vld [tilespmem:$0xB90]  }
0xc5: {  	v0 =	vadd.f32 v11, v0;
	v11 =	vld [tilespmem:$0xC60]  }
0xc6: {  	v47 =	vadd.f32 v47, v41;
	v41 =	vld [tilespmem:$0x1F880]  }
0xc7: {  	[tilespmem:$0x1FEE0] =	vst v19;
	v19 =	vld [tilespmem:$0x1F930]  }
0xc8: {  	v12 =	vadd.f32 v23, v12;
	v23 =	vld [tilespmem:$0x1150]  }
0xc9: {  	[tilespmem:$0x1FE30] =	vst v63;
	v63 =	vld [tilespmem:$0xBD0]  }
0xca: {  	v0 =	vadd.f32 v17, v0;
	v17 =	vld [tilespmem:$0x1F820]  }
0xcb: {  	v7 =	vadd.f32 v53, v47;
	v53 =	vld [tilespmem:$0xCE0]  }
0xcc: {  	v47 =	vld [tilespmem:$0x1F8A0]  }
0xcd: {  	[tilespmem:$0x1FB90] =	vst v48;
	v48 =	vld [tilespmem:$0x9F0]  }
0xce: {  	[tilespmem:$0x1FE40] =	vst v63;
	v63 =	vld [tilespmem:$0xC10]  }
0xcf: {  	[tilespmem:$0x1FBD0] =	vst v56;
	v56 =	vld [tilespmem:$0xA30]  }
0xd0: {  	[tilespmem:$0x1FC50] =	vst v20;
	v20 =	vld [tilespmem:$0x600]  }
0xd1: {  	[tilespmem:$0x1FC90] =	vst v24;
	v24 =	vld [tilespmem:$0x640]  }
0xd2: {  	[tilespmem:$0x1FCD0] =	vst v28;
	v28 =	vld [tilespmem:$0x680]  }
0xd3: {  	[tilespmem:$0x1FE60] =	vst v63;
	v63 =	vld [tilespmem:$0xC50]  }
0xd4: {  	[tilespmem:$0x1FD10] =	vst v36;
	v36 =	vld [tilespmem:$0x6C0]  }
0xd5: {  	[tilespmem:$0x1FD50] =	vst v42;
	v42 =	vld [tilespmem:$0x700]  }
0xd6: {  	v0 =	vadd.f32 v21, v0;
	v21 =	vld [tilespmem:$0x1F840]  }
0xd7: {  	v7 =	vadd.f32 v62, v7;
	v62 =	vld [tilespmem:$0x1F8C0]  }
0xd8: {  	[tilespmem:$0x1FE80] =	vst v63;
	v63 =	vld [tilespmem:$0xC90]  }
0xd9: {  	[tilespmem:$0x1FF00] =	vst v27;
	v27 =	vld [tilespmem:$0x1F960]  }
0xda: {  	[tilespmem:$0x1FE90] =	vst v11;
	v11 =	vld [tilespmem:$0x1F900]  }
0xdb: {  	v0 =	vadd.f32 v25, v0;
	v25 =	vld [tilespmem:$0x1F950]  }
0xdc: {  	v7 =	vadd.f32 v17, v7;
	v17 =	vld [tilespmem:$0x1F920]  }
0xdd: {  	v0 =	vadd.f32 v29, v0;
	[tilespmem:$0x1FEA0] =	vst v63;
	v63 =	vld [tilespmem:$0xCD0]  }
0xde: {  	v29 =	vld [tilespmem:$0x1F970]  }
0xdf: {  	[tilespmem:$0x1FD90] =	vst v48;
	v48 =	vld [tilespmem:$0x740];
	v0 =	vadd.f32 v38, v0  }
0xe0: {  	[tilespmem:$0x1FDC0] =	vst v56;
	v56 =	vld [tilespmem:$0x780]  }
0xe1: {  	v7 =	vadd.f32 v21, v7;
	v21 =	vld [tilespmem:$0x1F940];
	v0 =	vadd.f32 v43, v0  }
0xe2: {  	[tilespmem:$0x1FEC0] =	vst v63;
	v63 =	vld [tilespmem:$0xD10]  }
0xe3: {  	v38 =	vld [tilespmem:$0x1F9D0];
	v0 =	vadd.f32 v49, v0  }
0xe4: {  	v7 =	vadd.f32 v34, v7;
	v34 =	vld [tilespmem:$0x1F9A0]  }
0xe5: {  	v43 =	vld [tilespmem:$0x1F9F0];
	v0 =	vadd.f32 v58, v0  }
0xe6: {  	v7 =	vadd.f32 v41, v7;
	v41 =	vld [tilespmem:$0x1F9E0]  }
0xe7: {  	v0 =	vadd.f32 v25, v0;
	v25 =	vld [tilespmem:$0xE30];
	[tilespmem:$0x1FED0] =	vst v63;
	v63 =	vadd.f32 v37, v31  }
0xe8: {  	v31 =	vld [tilespmem:$0xD90]  }
0xe9: {  	v37 =	vld [tilespmem:$0xDD0];
	v44 =	vadd.f32 v44, v63  }
0xea: {  	v63 =	vld [tilespmem:$0xE10]  }
0xeb: {  	v1 =	vadd.f32 v50, v44;
	v50 =	vld [tilespmem:$0xAE0]  }
0xec: {  	v44 =	vld [tilespmem:$0x1F7E0]  }
0xed: {  	[tilespmem:$0x1FF10] =	vst v31;
	v31 =	vld [tilespmem:$0xF10]  }
0xee: {  	[tilespmem:$0x1FF30] =	vst v37;
	v37 =	vadd.f32 v18, v2;
	v18 =	vld [tilespmem:$0x1F830]  }
0xef: {  	v2 =	vld [tilespmem:$0xE00]  }
0xf0: {  	v1 =	vadd.f32 v54, v1;
	v54 =	vld [tilespmem:$0x1F7F0]  }
0xf1: {  	v5 =	vadd.f32 v22, v37;
	v22 =	vld [tilespmem:$0xB20]  }
0xf2: {  	v37 =	vld [tilespmem:$0x1F870]  }
0xf3: {  	v4 =	vadd.f32 v35, v1;
	v35 =	vld [tilespmem:$0xDE0]  }
0xf4: {  	[tilespmem:$0x1FF50] =	vst v63;
	v63 =	vadd.f32 v26, v5;
	v26 =	vld [tilespmem:$0xBA0]  }
0xf5: {  	v5 =	vld [tilespmem:$0xBE0]  }
0xf6: {  	v12 =	vadd.f32 v50, v12;
	v50 =	vld [tilespmem:$0x1FE10]  }
0xf7: {  	[tilespmem:$0x1FFB0] =	vst v31;
	v31 =	vld [tilespmem:$0x1F850]  }
0xf8: {  	v4 =	vadd.f32 v44, v4;
	v44 =	vld [tilespmem:$0x1F890]  }
0xf9: {  	v8 =	vadd.f32 v32, v63;
	v32 =	vld [tilespmem:$0xDA0]  }
0xfa: {  	v63 =	vld [tilespmem:$0x1F8D0]  }
0xfb: {  	v4 =	vadd.f32 v54, v4;
	v54 =	vld [tilespmem:$0xEE0]  }
0xfc: {  	v8 =	vadd.f32 v40, v8;
	v40 =	vld [tilespmem:$0xE20]  }
0xfd: {  	[tilespmem:$0x1FF40] =	vst v35;
	v35 =	vld [tilespmem:$0x1F9B0]  }
0xfe: {  	v12 =	vadd.f32 v22, v12;
	[tilespmem:$0x1FE50] =	vst v5;
	v5 =	vld [tilespmem:$0xF20]  }
0xff: {  	v4 =	vadd.f32 v9, v4;
	v9 =	vld [tilespmem:$0x1F8E0]  }
0x100: {  	v12 =	vadd.f32 v6, v12;
	v6 =	vld [tilespmem:$0x12D0]  }
0x101: {  	v8 =	vadd.f32 v46, v8;
	v46 =	vld [tilespmem:$0xE60]  }
0x102: {  	v4 =	vadd.f32 v14, v4;
	v14 =	vld [tilespmem:$0x1F910]  }
0x103: {  	[tilespmem:$0x1FF20] =	vst v32;
	v32 =	vld [tilespmem:$0x1F990]  }
0x104: {  	v8 =	vadd.f32 v52, v8;
	v52 =	vld [tilespmem:$0x1F8B0]  }
0x105: {  	[tilespmem:$0x1FFA0] =	vst v54;
	v54 =	vld [tilespmem:$0xAF0]  }
0x106: {  	v4 =	vadd.f32 v18, v4;
	[tilespmem:$0x1FF60] =	vst v40;
	v40 =	vld [tilespmem:$0xBB0]  }
0x107: {  	v8 =	vadd.f32 v61, v8;
	v61 =	vld [tilespmem:$0xEA0]  }
0x108: {  	v4 =	vadd.f32 v31, v4;
	v31 =	vld [tilespmem:$0x1F980]  }
0x109: {  	v8 =	vadd.f32 v47, v8;
	v47 =	vld [tilespmem:$0xBF0]  }
0x10a: {  	v0 =	vadd.f32 v32, v0;
	v32 =	vld [tilespmem:$0xC30]  }
0x10b: {  	v4 =	vadd.f32 v37, v4;
	v37 =	vld [tilespmem:$0x1F9C0]  }
0x10c: {  	v7 =	vadd.f32 v52, v7;
	v52 =	vld [tilespmem:$0x1FA10]  }
0x10d: {  	v8 =	vadd.f32 v63, v8;
	v0 =	vadd.f32 v38, v0;
	v38 =	vld [tilespmem:$0x1FA90]  }
0x10e: {  	v4 =	vadd.f32 v44, v4;
	v7 =	vadd.f32 v9, v7;
	v9 =	vld [tilespmem:$0xB30]  }
0x10f: {  	v44 =	vld [tilespmem:$0x1FA00]  }
0x110: {  	v8 =	vadd.f32 v11, v8;
	v4 =	vadd.f32 v62, v4;
	v62 =	vld [tilespmem:$0x1FA20]  }
0x111: {  	v0 =	vadd.f32 v52, v0;
	v52 =	vld [tilespmem:$0xD30]  }
0x112: {  	v7 =	vadd.f32 v14, v7;
	v8 =	vadd.f32 v19, v8;
	v19 =	vld [tilespmem:$0x1FA40]  }
0x113: {  	v4 =	vadd.f32 v10, v4;
	v10 =	vld [tilespmem:$0xAB0]  }
0x114: {  	v7 =	vadd.f32 v21, v7;
	v21 =	vld [tilespmem:$0x1FA60]  }
0x115: {  	v49 =	vadd.f32 v44, v43;
	v44 =	vld [tilespmem:$0xCF0]  }
0x116: {  	v8 =	vadd.f32 v29, v8;
	v29 =	vld [tilespmem:$0x1FA70]  }
0x117: {  	v43 =	vld [tilespmem:$0x1FAB0]  }
0x118: {  	[tilespmem:$0x1FFF0] =	vst v0;
	v0 =	vadd.f32 v60, v57;
	v57 =	vld [tilespmem:$0x1FAF0]  }
0x119: {  	v60 =	vld [tilespmem:$0x1FB10]  }
0x11a: {  	v18 =	vadd.f32 v17, v4;
	v4 =	vld [tilespmem:$0xB70]  }
0x11b: {  	v7 =	vadd.f32 v31, v7;
	v17 =	vld [tilespmem:$0x1FA30]  }
0x11c: {  	v31 =	vld [tilespmem:$0x1FA80]  }
0x11d: {  	v1 =	vadd.f32 v37, v7;
	v37 =	vld [tilespmem:$0xC70]  }
0x11e: {  	v11 =	vadd.f32 v27, v18;
	v27 =	vld [tilespmem:$0xCB0]  }
0x11f: {  	v7 =	vadd.f32 v62, v49;
	v49 =	vld [tilespmem:$0xDB0]  }
0x120: {  	v8 =	vadd.f32 v35, v8;
	v62 =	vld [tilespmem:$0x1FB20]  }
0x121: {  	[tilespmem:$0x1FFC0] =	vst v5;
	v5 =	vadd.f32 v13, v15;
	v0 =	vadd.f32 v19, v0;
	v19 =	vld [tilespmem:$0x1FB50]  }
0x122: {  	[tilespmem:$0x1FFD0] =	vst v1;
	v1 =	vadd.f32 v41, v8;
	v41 =	vld [tilespmem:$0xD70]  }
0x123: {  	v58 =	vadd.f32 v34, v11;
	v11 =	vadd.f32 v20, v5;
	v20 =	vld [tilespmem:$0x1FA50]  }
0x124: {  	v63 =	vadd.f32 v30, v33;
	v34 =	vld [tilespmem:$0xE70]  }
0x125: {  	v5 =	vld [tilespmem:$0xEF0]  }
0x126: {  	v8 =	vadd.f32 v39, v63;
	v39 =	vld [tilespmem:$0x1FAA0]  }
0x127: {  	v0 =	vadd.f32 v21, v0;
	v21 =	vld [tilespmem:$0xA80]  }
0x128: {  	v63 =	vld [tilespmem:$0x1FB30]  }
0x129: {  	v18 =	vadd.f32 v17, v7;
	v7 =	vld [tilespmem:$0xDF0]  }
0x12a: {  	v8 =	vadd.f32 v45, v8;
	v45 =	vld [tilespmem:$0x1FAC0]  }
0x12b: {  	v11 =	vadd.f32 v24, v11;
	v24 =	vld [tilespmem:$0xAC0]  }
0x12c: {  	v33 =	vadd.f32 v31, v0;
	v31 =	vld [tilespmem:$0x1FBA0]  }
0x12d: {  	[tilespmem:$0x1FFE0] =	vst v1;
	v1 =	vld [tilespmem:$0xDC0]  }
0x12e: {  	v0 =	vld [tilespmem:$0x1FDD0]  }
0x12f: {  	v35 =	vadd.f32 v28, v11;
	v11 =	vld [tilespmem:$0xF30]  }
0x130: {  	v8 =	vadd.f32 v51, v8;
	v51 =	vld [tilespmem:$0x1FAD0]  }
0x131: {  	v28 =	vld [tilespmem:$0x1FB70]  }
0x132: {  	v15 =	vadd.f32 v39, v33;
	v39 =	vld [tilespmem:$0xB00]  }
0x133: {  	v13 =	vadd.f32 v20, v18;
	v18 =	vld [tilespmem:$0x1FB40]  }
0x134: {  	v20 =	vld [tilespmem:$0x1FB60]  }
0x135: {  	v33 =	vld [tilespmem:$0x1FBB0]  }
0x136: {  	v8 =	vadd.f32 v59, v8;
	v59 =	vld [tilespmem:$0x1FB00]  }
0x137: {  	v17 =	vadd.f32 v36, v35;
	v35 =	vld [tilespmem:$0x1FBC0]  }
0x138: {  	v36 =	vld [tilespmem:$0x1FBD0]  }
0x139: {  	v30 =	vadd.f32 v29, v13;
	v13 =	vld [tilespmem:$0xEB0]  }
0x13a: {  	v29 =	vld [tilespmem:$0x1FB80]  }
0x13b: {  	v24 =	vadd.f32 v24, v21;
	v21 =	vld [tilespmem:$0x1210]  }
0x13c: {  	v17 =	vadd.f32 v42, v17;
	v42 =	vld [tilespmem:$0xB40]  }
0x13d: {  	v8 =	vadd.f32 v45, v8;
	v45 =	vld [tilespmem:$0x1FC00]  }
0x13e: {  	v15 =	vadd.f32 v51, v15;
	v51 =	vld [tilespmem:$0xBC0]  }
0x13f: {  	v14 =	vadd.f32 v38, v30;
	v30 =	vld [tilespmem:$0x1FB90]  }
0x140: {  	v38 =	vld [tilespmem:$0x1FBE0]  }
0x141: {  	v17 =	vadd.f32 v48, v17;
	v48 =	vld [tilespmem:$0xB80]  }
0x142: {  	v8 =	vadd.f32 v57, v8;
	v57 =	vld [tilespmem:$0xC80]  }
0x143: {  	v15 =	vadd.f32 v59, v15;
	v59 =	vld [tilespmem:$0xCC0]  }
0x144: {  	v14 =	vadd.f32 v43, v14;
	v43 =	vld [tilespmem:$0x1FBF0]  }
0x145: {  	v8 =	vadd.f32 v62, v8;
	v17 =	vadd.f32 v56, v17;
	v56 =	vld [tilespmem:$0xC40]  }
0x146: {  	v62 =	vld [tilespmem:$0xD40]  }
0x147: {  	v15 =	vadd.f32 v63, v15;
	v8 =	vadd.f32 v19, v8;
	v19 =	vld [tilespmem:$0x1FC20]  }
0x148: {  	v14 =	vadd.f32 v55, v14;
	v17 =	vadd.f32 v28, v17;
	v28 =	vld [tilespmem:$0x1FC40]  }
0x149: {  	v15 =	vadd.f32 v20, v15;
	v20 =	vld [tilespmem:$0x1FC30]  }
0x14a: {  	v14 =	vadd.f32 v60, v14;
	v8 =	vadd.f32 v30, v8;
	v30 =	vld [tilespmem:$0x1FC60]  }
0x14b: {  	v17 =	vadd.f32 v33, v17;
	v33 =	vld [tilespmem:$0x1FC80]  }
0x14c: {  	v14 =	vadd.f32 v18, v14;
	v18 =	vld [tilespmem:$0x1FC10]  }
0x14d: {  	v15 =	vadd.f32 v31, v15;
	v31 =	vld [tilespmem:$0x1FC70]  }
0x14e: {  	v8 =	vadd.f32 v36, v8;
	v36 =	vld [tilespmem:$0x1FCA0]  }
0x14f: {  	v17 =	vadd.f32 v43, v17;
	v43 =	vld [tilespmem:$0x1FCB0];
	v14 =	vadd.f32 v29, v14  }
0x150: {  	v15 =	vadd.f32 v38, v15;
	v29 =	vld [tilespmem:$0x1FC50]  }
0x151: {  	v14 =	vadd.f32 v35, v14;
	v35 =	vld [tilespmem:$0x1FC90]  }
0x152: {  	v15 =	vadd.f32 v19, v15;
	v19 =	vld [tilespmem:$0x1FCE0]  }
0x153: {  	v8 =	vadd.f32 v18, v8;
	v18 =	vld [tilespmem:$0x1FCD0]  }
0x154: {  	v17 =	vadd.f32 v20, v17;
	v14 =	vadd.f32 v45, v14;
	v45 =	vld [tilespmem:$0x1FCC0]  }
0x155: {  	v15 =	vadd.f32 v30, v15;
	v30 =	vld [tilespmem:$0x1FD00]  }
0x156: {  	v17 =	vadd.f32 v31, v17;
	v14 =	vadd.f32 v28, v14;
	v28 =	vld [tilespmem:$0x1FCF0]  }
0x157: {  	v8 =	vadd.f32 v29, v8;
	v15 =	vadd.f32 v36, v15;
	v36 =	vld [tilespmem:$0x1FD20]  }
0x158: {  	v17 =	vadd.f32 v43, v17;
	v43 =	vld [tilespmem:$0x1FD30]  }
0x159: {  	v8 =	vadd.f32 v35, v8;
	v14 =	vadd.f32 v33, v14;
	v33 =	vld [tilespmem:$0x1FD10]  }
0x15a: {  	v15 =	vadd.f32 v19, v15;
	v19 =	vld [tilespmem:$0x1FD50]  }
0x15b: {  	v8 =	vadd.f32 v18, v8;
	v18 =	vld [tilespmem:$0x1FD40];
	v17 =	vadd.f32 v28, v17  }
0x15c: {  	v14 =	vadd.f32 v45, v14;
	v15 =	vadd.f32 v36, v15;
	v36 =	vld [tilespmem:$0x1FD70]  }
0x15d: {  	v17 =	vadd.f32 v43, v17;
	v43 =	vld [tilespmem:$0x1FD80]  }
0x15e: {  	v55 =	vld [tilespmem:$0xC00];
	v14 =	vadd.f32 v30, v14  }
0x15f: {  	v63 =	vld [tilespmem:$0xD80];
	v8 =	vadd.f32 v33, v8  }
0x160: {  	v28 =	vld [tilespmem:$0x1FD60];
	v14 =	vadd.f32 v18, v14  }
0x161: {  	v60 =	vld [tilespmem:$0xD00];
	v8 =	vadd.f32 v19, v8  }
0x162: {  	v19 =	vadd.f32 v36, v17;
	v36 =	vadd.f32 v43, v14;
	v43 =	vld [tilespmem:$0x1FDB0]  }
0x163: {  	v38 =	vld [tilespmem:$0xE80]  }
0x164: {  	v20 =	vld [tilespmem:$0xF40]  }
0x165: {  	v18 =	vadd.f32 v28, v15;
	v15 =	vld [tilespmem:$0x1FD90]  }
0x166: {  	v14 =	vld [tilespmem:$0x1FDC0]  }
0x167: {  	v43 =	vadd.f32 v43, v19;
	v19 =	vld [tilespmem:$0x1FDE0]  }
0x168: {  	v31 =	vld [tilespmem:$0xEC0]  }
0x169: {  	v29 =	vld [tilespmem:$0xF00]  }
0x16a: {  	v35 =	vld [tilespmem:$0xF50];
	v8 =	vadd.f32 v15, v8  }
0x16b: {  	v45 =	vld [tilespmem:$0xF90]  }
0x16c: {  	v14 =	vadd.f32 v14, v8;
	v8 =	vadd.f32 v19, v0;
	v0 =	vld [tilespmem:$0x1FDF0]  }
0x16d: {  	v30 =	vld [tilespmem:$0x1010]  }
0x16e: {  	v33 =	vld [tilespmem:$0xFD0]  }
0x16f: {  	v17 =	vld [tilespmem:$0x1FDA0]  }
0x170: {  	v35 =	vadd.f32 v45, v35;
	v45 =	vld [tilespmem:$0x1100]  }
0x171: {  	v43 =	vadd.f32 v0, v43;
	v0 =	vld [tilespmem:$0x1FE00]  }
0x172: {  	v28 =	vld [tilespmem:$0x1050]  }
0x173: {  	v15 =	vld [tilespmem:$0x1090]  }
0x174: {  	v17 =	vadd.f32 v17, v18;
	v18 =	vld [tilespmem:$0x10D0]  }
0x175: {  	v19 =	vld [tilespmem:$0x1110]  }
0x176: {  	v8 =	vadd.f32 v0, v8;
	v0 =	vadd.f32 v10, v16;
	v10 =	vld [tilespmem:$0x1190]  }
0x177: {  	v16 =	vld [tilespmem:$0x11D0]  }
0x178: {  	v8 =	vadd.f32 v50, v8;
	v50 =	vadd.f32 v39, v24;
	v39 =	vld [tilespmem:$0x1250]  }
0x179: {  	v0 =	vadd.f32 v54, v0;
	v54 =	vld [tilespmem:$0x1FE20]  }
0x17a: {  	v24 =	vadd.f32 v26, v12;
	v12 =	vld [tilespmem:$0x1350]  }
0x17b: {  	v26 =	vld [tilespmem:$0x13D0]  }
0x17c: {  	v0 =	vadd.f32 v9, v0;
	v9 =	vld [tilespmem:$0x1290]  }
0x17d: {  	v22 =	vadd.f32 v42, v50;
	v42 =	vld [tilespmem:$0x1FE30]  }
0x17e: {  	v50 =	vld [tilespmem:$0x1FE40];
	v0 =	vadd.f32 v4, v0  }
0x17f: {  	v4 =	vld [tilespmem:$0x1310];
	v22 =	vadd.f32 v48, v22  }
0x180: {  	v8 =	vadd.f32 v54, v8;
	v0 =	vadd.f32 v40, v0;
	v40 =	vld [tilespmem:$0x1FE50]  }
0x181: {  	v48 =	vadd.f32 v51, v22;
	v22 =	vld [tilespmem:$0x1410]  }
0x182: {  	v51 =	vld [tilespmem:$0x1FE70];
	v8 =	vadd.f32 v42, v8  }
0x183: {  	v0 =	vadd.f32 v47, v0;
	v47 =	vld [tilespmem:$0xF60]  }
0x184: {  	v54 =	vadd.f32 v50, v8;
	v8 =	vld [tilespmem:$0x1390]  }
0x185: {  	v50 =	vld [tilespmem:$0x1FE60]  }
0x186: {  	v0 =	vadd.f32 v32, v0;
	v32 =	vld [tilespmem:$0xFA0]  }
0x187: {  	v24 =	vadd.f32 v40, v24;
	v40 =	vadd.f32 v55, v48;
	v55 =	vld [tilespmem:$0x1FE90]  }
0x188: {  	v48 =	vld [tilespmem:$0xFE0]  }
0x189: {  	v0 =	vadd.f32 v37, v0;
	v37 =	vld [tilespmem:$0x1020]  }
0x18a: {  	v40 =	vadd.f32 v56, v40;
	v56 =	vld [tilespmem:$0x1FEC0]  }
0x18b: {  	v24 =	vadd.f32 v51, v24;
	v51 =	vld [tilespmem:$0x10E0]  }
0x18c: {  	v42 =	vadd.f32 v50, v54;
	v54 =	vld [tilespmem:$0x1FE80]  }
0x18d: {  	v50 =	vld [tilespmem:$0x1060]  }
0x18e: {  	v0 =	vadd.f32 v27, v0;
	v27 =	vld [tilespmem:$0x10A0]  }
0x18f: {  	v40 =	vadd.f32 v57, v40;
	v57 =	vld [tilespmem:$0x1FED0]  }
0x190: {  	v24 =	vadd.f32 v55, v24;
	v55 =	vld [tilespmem:$0x1FEB0]  }
0x191: {  	v0 =	vadd.f32 v44, v0;
	v44 =	vld [tilespmem:$0x1120]  }
0x192: {  	v40 =	vadd.f32 v59, v40;
	v59 =	vld [tilespmem:$0x1FEE0]  }
0x193: {  	v0 =	vadd.f32 v52, v0;
	v52 =	vld [tilespmem:$0x11A0]  }
0x194: {  	v42 =	vadd.f32 v54, v42;
	v54 =	vld [tilespmem:$0x1FEA0]  }
0x195: {  	v40 =	vadd.f32 v60, v40;
	v60 =	vld [tilespmem:$0x1FEF0]  }
0x196: {  	v0 =	vadd.f32 v41, v0;
	v41 =	vld [tilespmem:$0x1220]  }
0x197: {  	v24 =	vadd.f32 v55, v24;
	v55 =	vld [tilespmem:$0x1260]  }
0x198: {  	v40 =	vadd.f32 v62, v40;
	v62 =	vld [tilespmem:$0x1FF30]  }
0x199: {  	v0 =	vadd.f32 v49, v0;
	v49 =	vld [tilespmem:$0x12A0]  }
0x19a: {  	v24 =	vadd.f32 v53, v24;
	v53 =	vld [tilespmem:$0x1160]  }
0x19b: {  	v40 =	vadd.f32 v63, v40;
	v63 =	vld [tilespmem:$0x1FF40]  }
0x19c: {  	v42 =	vadd.f32 v54, v42;
	v54 =	vld [tilespmem:$0x11E0]  }
0x19d: {  	v24 =	vadd.f32 v59, v24;
	v59 =	vld [tilespmem:$0x1FF10]  }
0x19e: {  	v0 =	vadd.f32 v7, v0;
	v1 =	vadd.f32 v1, v40;
	v40 =	vld [tilespmem:$0x12E0]  }
0x19f: {  	v42 =	vadd.f32 v56, v42;
	v56 =	vld [tilespmem:$0x1320]  }
0x1a0: {  	v0 =	vadd.f32 v25, v0;
	v25 =	vld [tilespmem:$0x13A0]  }
0x1a1: {  	v1 =	vadd.f32 v2, v1;
	v42 =	vadd.f32 v57, v42;
	v57 =	vld [tilespmem:$0x1FF00]  }
0x1a2: {  	v2 =	vld [tilespmem:$0x1360];
	v0 =	vadd.f32 v34, v0  }
0x1a3: {  	v1 =	vadd.f32 v3, v1;
	v42 =	vadd.f32 v60, v42;
	v60 =	vld [tilespmem:$0x1FF20]  }
0x1a4: {  	v0 =	vadd.f32 v13, v0;
	v13 =	vld [tilespmem:$0xFB0]  }
0x1a5: {  	v1 =	vadd.f32 v38, v1;
	v38 =	vld [tilespmem:$0xF70];
	v42 =	vadd.f32 v59, v42  }
0x1a6: {  	v59 =	vld [tilespmem:$0x1FF90];
	v24 =	vadd.f32 v57, v24  }
0x1a7: {  	v42 =	vadd.f32 v62, v42;
	v62 =	vld [tilespmem:$0x1FF60]  }
0x1a8: {  	v0 =	vadd.f32 v5, v0;
	v5 =	vld [tilespmem:$0xFC0];
	v24 =	vadd.f32 v60, v24  }
0x1a9: {  	v1 =	vadd.f32 v31, v1;
	v31 =	vld [tilespmem:$0xF80]  }
0x1aa: {  	v60 =	vld [tilespmem:$0x1FF50];
	v24 =	vadd.f32 v63, v24  }
0x1ab: {  	v1 =	vadd.f32 v29, v1;
	v29 =	vld [tilespmem:$0x12C0]  }
0x1ac: {  	v63 =	vld [tilespmem:$0x1FF70];
	v7 =	vadd.f32 v62, v24  }
0x1ad: {  	v13 =	vadd.f32 v13, v38;
	v38 =	vld [tilespmem:$0x10C0]  }
0x1ae: {  	v46 =	vadd.f32 v46, v7;
	v7 =	vld [tilespmem:$0x1FF80]  }
0x1af: {  	v42 =	vadd.f32 v60, v42;
	v60 =	vld [tilespmem:$0x1FFA0]  }
0x1b0: {  	v24 =	vld [tilespmem:$0x13E0]  }
0x1b1: {  	v62 =	vld [tilespmem:$0x1FFC0];
	v42 =	vadd.f32 v63, v42  }
0x1b2: {  	v57 =	vadd.f32 v61, v46;
	v61 =	vld [tilespmem:$0x1FFB0]  }
0x1b3: {  	v63 =	vld [tilespmem:$0xFF0];
	v3 =	vadd.f32 v7, v42  }
0x1b4: {  	v11 =	vadd.f32 v11, v0;
	v46 =	vld [tilespmem:$0x1000];
	v34 =	vadd.f32 v60, v57  }
0x1b5: {  	v57 =	vadd.f32 v32, v47;
	v47 =	vld [tilespmem:$0x1140];
	v3 =	vadd.f32 v59, v3  }
0x1b6: {  	v0 =	vadd.f32 v20, v1;
	v5 =	vadd.f32 v5, v31;
	v59 =	vld [tilespmem:$0x1030]  }
0x1b7: {  	v60 =	vadd.f32 v33, v35;
	v3 =	vadd.f32 v61, v3;
	v61 =	vld [tilespmem:$0x1040]  }
0x1b8: {  	v34 =	vadd.f32 v62, v34;
	v1 =	vadd.f32 v48, v57;
	v62 =	vld [tilespmem:$0x1070]  }
0x1b9: {  	v30 =	vadd.f32 v30, v60;
	v13 =	vadd.f32 v63, v13;
	v63 =	vld [tilespmem:$0x1080]  }
0x1ba: {  	v5 =	vadd.f32 v46, v5;
	v1 =	vadd.f32 v37, v1;
	v37 =	vld [tilespmem:$0x10B0]  }
0x1bb: {  	v32 =	vld [tilespmem:$0x1300];
	v28 =	vadd.f32 v28, v30;
	v13 =	vadd.f32 v59, v13  }
0x1bc: {  	v42 =	vld [tilespmem:$0x10F0];
	v1 =	vadd.f32 v50, v1;
	v5 =	vadd.f32 v61, v5  }
0x1bd: {  	v33 =	vld [tilespmem:$0x1330];
	v15 =	vadd.f32 v15, v28;
	v13 =	vadd.f32 v62, v13  }
0x1be: {  	v46 =	vld [tilespmem:$0x1130];
	v1 =	vadd.f32 v27, v1;
	v5 =	vadd.f32 v63, v5  }
0x1bf: {  	v7 =	vld [tilespmem:$0x1420];
	v15 =	vadd.f32 v18, v15;
	v13 =	vadd.f32 v37, v13  }
0x1c0: {  	v48 =	vld [tilespmem:$0x1170];
	v1 =	vadd.f32 v51, v1;
	v5 =	vadd.f32 v38, v5  }
0x1c1: {  	v50 =	vld [tilespmem:$0x1180];
	v15 =	vadd.f32 v19, v15;
	v13 =	vadd.f32 v42, v13  }
0x1c2: {  	v51 =	vld [tilespmem:$0x11B0];
	v1 =	vadd.f32 v44, v1;
	v5 =	vadd.f32 v45, v5  }
0x1c3: {  	v57 =	vld [tilespmem:$0x11C0];
	v15 =	vadd.f32 v23, v15;
	v13 =	vadd.f32 v46, v13  }
0x1c4: {  	v59 =	vld [tilespmem:$0x11F0];
	v1 =	vadd.f32 v53, v1;
	v5 =	vadd.f32 v47, v5  }
0x1c5: {  	v60 =	vld [tilespmem:$0x1200];
	v10 =	vadd.f32 v10, v15;
	v13 =	vadd.f32 v48, v13  }
0x1c6: {  	v61 =	vld [tilespmem:$0x1230];
	v1 =	vadd.f32 v52, v1;
	v5 =	vadd.f32 v50, v5  }
0x1c7: {  	v62 =	vld [tilespmem:$0x1240];
	v10 =	vadd.f32 v16, v10;
	v13 =	vadd.f32 v51, v13  }
0x1c8: {  	v63 =	vld [tilespmem:$0x1270];
	v1 =	vadd.f32 v54, v1;
	v5 =	vadd.f32 v57, v5  }
0x1c9: {  	v27 =	vld [tilespmem:$0x1280];
	v10 =	vadd.f32 v21, v10;
	v13 =	vadd.f32 v59, v13  }
0x1ca: {  	v28 =	vld [tilespmem:$0x12B0];
	v1 =	vadd.f32 v41, v1;
	v5 =	vadd.f32 v60, v5  }
0x1cb: {  	v30 =	vld [tilespmem:$0x12F0];
	v10 =	vadd.f32 v39, v10;
	v13 =	vadd.f32 v61, v13  }
0x1cc: {  	v37 =	vld [tilespmem:$0x1340];
	v1 =	vadd.f32 v55, v1;
	v5 =	vadd.f32 v62, v5  }
0x1cd: {  	v44 =	vld [tilespmem:$0x1FFF0];
	v9 =	vadd.f32 v9, v10;
	v31 =	vadd.f32 v63, v13  }
0x1ce: {  	v38 =	vld [tilespmem:$0x1FFD0];
	v1 =	vadd.f32 v49, v1;
	v5 =	vadd.f32 v27, v5  }
0x1cf: {  	v0 =	vmul.f32 $5.000000070e-02, v0;
	v42 =	vld [tilespmem:$0x1380];
	v6 =	vadd.f32 v6, v9;
	v10 =	vadd.f32 v28, v31  }
0x1d0: {  	v35 =	vmul.f32 $5.000000070e-02, v58;
	v39 =	vld [tilespmem:$0x1370];
	v1 =	vadd.f32 v40, v1;
	v5 =	vadd.f32 v29, v5  }
0x1d1: {  	[tilespmem:$0x1500] =	vst v0;
	v58 =	vmul.f32 $5.000000070e-02, v34;
	v45 =	vld [tilespmem:$0x13B0];
	v4 =	vadd.f32 v4, v6;
	v41 =	vadd.f32 v30, v10  }
0x1d2: {  	[tilespmem:$0x1450] =	vst v35;
	v3 =	vmul.f32 $5.000000070e-02, v3;
	v52 =	vld [tilespmem:$0x1400];
	v1 =	vadd.f32 v56, v1;
	v5 =	vadd.f32 v32, v5  }
0x1d3: {  	[tilespmem:$0x14E0] =	vst v58;
	v53 =	vmul.f32 $5.000000070e-02, v43;
	v47 =	vld [tilespmem:$0x13C0];
	v4 =	vadd.f32 v12, v4;
	v9 =	vadd.f32 v33, v41  }
0x1d4: {  	[tilespmem:$0x14D0] =	vst v3;
	v46 =	vmul.f32 $5.000000070e-02, v36;
	v49 =	vld [tilespmem:$0x13F0];
	v1 =	vadd.f32 v2, v1;
	v5 =	vadd.f32 v37, v5  }
0x1d5: {  	[tilespmem:$0x14C0] =	vst v53;
	v16 =	vmul.f32 $5.000000070e-02, v44;
	v40 =	vld [tilespmem:$0x1FFE0];
	v4 =	vadd.f32 v8, v4;
	v51 =	vadd.f32 v39, v9  }
0x1d6: {  	v48 =	vmul.f32 $5.000000070e-02, v17;
	[tilespmem:$0x1490] =	vst v46;
	v54 =	vld [tilespmem:$0x1430];
	v1 =	vadd.f32 v25, v1;
	v5 =	vadd.f32 v42, v5  }
0x1d7: {  	v20 =	vmul.f32 $5.000000070e-02, v38;
	[tilespmem:$0x1480] =	vst v16;
	v56 =	vld [tilespmem:$0x1440];
	v4 =	vadd.f32 v26, v4;
	v55 =	vadd.f32 v45, v51  }
0x1d8: {  	v50 =	vmul.f32 $5.000000070e-02, v14;
	[tilespmem:$0x14A0] =	vst v48;
	v1 =	vadd.f32 v24, v1;
	v57 =	vadd.f32 v47, v5  }
0x1d9: {  	[tilespmem:$0x1460] =	vst v20;
	v61 =	vmul.f32 $5.000000070e-02, v11;
	v59 =	vadd.f32 v22, v4;
	v60 =	vadd.f32 v49, v55  }
0x1da: {  	[tilespmem:$0x14B0] =	vst v50;
	v6 =	vmul.f32 $5.000000070e-02, v40;
	v1 =	vadd.f32 v7, v1;
	v2 =	vadd.f32 v52, v57  }
0x1db: {  	[tilespmem:$0x14F0] =	vst v61;
	v3 =	vmul.f32 $5.000000070e-02, v59;
	v4 =	vadd.f32 v54, v60  }
0x1dc: {  	[tilespmem:$0x1470] =	vst v6;
	v1 =	vmul.f32 $5.000000070e-02, v1;
	v62 =	vadd.f32 v56, v2  }
0x1dd: {  	[tilespmem:$0x1510] =	vst v3;
	v63 =	vmul.f32 $5.000000070e-02, v4  }
0x1de: {  	[tilespmem:$0x1520] =	vst v1;
	v0 =	vmul.f32 $5.000000070e-02, v62  }
0x1df: {  	p0 =	sne.s32 s13, $0x136;
	[tilespmem:$0x1530] =	vst v63  }
.Ltmp0:
0x1e0: {  	[tilespmem:$0x1540] =	vst v0;
	(pc) =	sbr.rel @p0 .LBB2_2-.Ltmp0, $4  }
0x1e1: {  	[hbm4b:s12+s2] =	stream.linear.scatter [tilespmem:s10], [sflag:$0x2], $0x100, $0x38;
	[tilespmem:$0x1550] =	vst v63  }
0x1e2: {  	_ =	swait.ge [sflag:s7], $0x100  }
0x1e3: {  	[sflag:s7] =	ssyncset.done $0x0  }
0x1e4: {  	s13 =	sadd.s32 $0xA, s13;
	s12 =	sadd.s32 $0x20, s12;
	[sflag:s7] =	ssyncadd.s32 $0xFFFFFF00  }
0x1e5: {  	s11 =	sadd.s32 $0x1, s11  }
0x1e6: {  	p0 =	sne.s32 s11, s4  }
.Ltmp1:
0x1e7: {  	_ = 	snop;
	(pc) =	sbr.rel @p0 .LBB2_1-.Ltmp1, $1  }
0x1e8: {  	_ =	sdelay $0x3  }
0x1e9: {  	_ =	sfence.sel $0x180000  }
0x1ea: {  	[bflag:$0x0] =	sbarrier.arrive $0xFFFF  }
0x1eb: {  	p0 =	sne.s32 s0, $0x0;
	_ =	strace $0x90000047  }
0x1ec: {  	s0 =	sadd.s32 @!p0 $0x100000, s1;
	[bflag:$0x2] =	sbarrier.arrive $0xFFFF  }
0x1ed: {  	[sflag:s0] =	ssyncadd.tile.s32 @!p0 $0x1;
	_ =	shalt  }
.Lfunc_end2:
_tile_overlayer_lowered:
.L_overlay_start_2:
0x1ee: {  	(tag) =	ssettag $0x2  }
0x1ef: {  	s0 =	rddreg [dreg:$0x0];
	s2 =	stileid.u32  }
0x1f0: {  	s1 =	rddreg [dreg:$0x1];
	p0 =	sne.s32 s2, $0x0  }
0x1f1: {  	s3 =	rddreg [dreg:$0x2];
	[bflag:$0x3] =	sbarrier.arrive $0xFFFF;
	s2 =	simm.s32 @!p0 $0x1C02  }
0x1f2: {  	[timem:s3], [sflag:s2] =	dma.local @!p0 [hbm:s0], s1  }
0x1f3: {  	s0 =	simm.s32 @!p0 $0x2  }
0x1f4: {  	_ =	swait.ge @!p0 [sflag:s0], s1  }
0x1f5: {  	s1 =	ssub.s32 @!p0 $0x0, s1;
	[sflag:s0] =	ssyncset.done @!p0 $0x0  }
0x1f6: {  	[sflag:s0] =	ssyncadd.s32 @!p0 s1  }
0x1f7: {  	[bflag:$0x3] =	sbarrier.arrive $0xFFFF  }
0x1f8: {  	_ =	shalt  }

</sc_bundles>
